<compile_context>
chip_gen: v7x
topology: tpu7x:2x2x1
jax: 0.10.2.dev20260603
libtpu: 0.0.44.dev20260713+nightly
codegen_flags: <defaults>
</compile_context>

<pallas_src>
import functools

import jax
import jax.numpy as jnp
from jax import lax
from jax.experimental import pallas as pl
from jax.experimental.pallas import tpu as pltpu
from jax.experimental.pallas import tpu_sc as plsc

_N = 10000
_N_PAD = 10240
_E = 320000
_D = 128
_TILES_PER_SC = 16
_NUM_SC = 2
_CHUNK = 128
_BLK = 4
_NBLOCKS = _E // (_CHUNK * _BLK)
_ROWS_PER_TILE = _N_PAD // _TILES_PER_SC
_WB = 16


def _sc_aggregate_kernel(bpos_hbm, bneg_hbm, srcp_hbm, dstp_hbm, srcn_hbm,
                         dstn_hbm, sums_hbm,
                         src_v, dst_v, rows_v, acc_sh, sem):
    c = lax.axis_index("c")
    s = lax.axis_index("s")
    lanes = jnp.arange(16, dtype=jnp.int32)

    z = jnp.zeros((16,), jnp.float32)
    for r in range(_WB):
        for k in range(_D // 16):
            rows_v[r, pl.ds(k * 16, 16)] = z

    def zinit(t, carry):
        ids = s * _ROWS_PER_TILE + t * _WB + lanes
        pltpu.sync_copy(rows_v.at[pl.ds(0, _WB)], acc_sh.at[ids])
        return carry

    lax.fori_loop(0, _ROWS_PER_TILE // _WB, zinit, 0)
    plsc.subcore_barrier()

    def group(g, carry):
        blk = g * _TILES_PER_SC + s

        @pl.when(c == 0)
        def _():
            pltpu.sync_copy(srcp_hbm.at[blk], src_v)
            pltpu.sync_copy(dstp_hbm.at[blk], dst_v)

        @pl.when(c == 1)
        def _():
            pltpu.sync_copy(srcn_hbm.at[blk], src_v)
            pltpu.sync_copy(dstn_hbm.at[blk], dst_v)

        def body(j, carry2):
            @pl.when(c == 0)
            def _():
                pltpu.async_copy(bpos_hbm.at[src_v.at[j]], rows_v, sem).wait()

            @pl.when(c == 1)
            def _():
                pltpu.async_copy(bneg_hbm.at[src_v.at[j]], rows_v, sem).wait()

            pltpu.sync_copy(rows_v, acc_sh.at[dst_v.at[j]], add=True)
            return carry2

        lax.fori_loop(0, _BLK, body, 0)
        return carry

    nblk = jnp.where(s < _NBLOCKS % _TILES_PER_SC,
                     _NBLOCKS // _TILES_PER_SC + 1,
                     _NBLOCKS // _TILES_PER_SC)
    lax.fori_loop(0, nblk, group, 0)
    plsc.subcore_barrier()

    out_base = c * _N_PAD + s * _ROWS_PER_TILE

    def wb(t, carry):
        dst0 = out_base + t * _WB
        ids = s * _ROWS_PER_TILE + t * _WB + lanes
        pltpu.async_copy(acc_sh.at[ids], rows_v.at[pl.ds(0, _WB)], sem).wait()
        pltpu.sync_copy(rows_v.at[pl.ds(0, _WB)], sums_hbm.at[pl.ds(dst0, _WB)])
        return carry

    lax.fori_loop(0, _ROWS_PER_TILE // _WB, wb, 0)


_sc_aggregate = functools.partial(
    pl.kernel,
    out_type=jax.ShapeDtypeStruct((_NUM_SC * _N_PAD, _D), jnp.float32),
    mesh=plsc.VectorSubcoreMesh(core_axis_name="c", subcore_axis_name="s"),
    scratch_types=[
        pltpu.VMEM((_BLK, _CHUNK), jnp.int32),
        pltpu.VMEM((_BLK, _CHUNK), jnp.int32),
        pltpu.VMEM((_CHUNK, _D), jnp.float32),
        pltpu.VMEM_SHARED((_N_PAD, _D), jnp.float32),
        pltpu.SemaphoreType.DMA,
    ],
)(_sc_aggregate_kernel)


def _sc_count_kernel(dstp_hbm, dstn_hbm, cnts_hbm,
                     dst_v, ones_v, cacc_sh, sem):
    c = lax.axis_index("c")
    s = lax.axis_index("s")
    lanes = jnp.arange(16, dtype=jnp.int32)

    z = jnp.zeros((16,), jnp.float32)

    def zfill(r, carry):
        for k in range(_D // 16):
            ones_v[r, pl.ds(k * 16, 16)] = z
        return carry

    lax.fori_loop(0, _WB, zfill, 0)

    def zinit(t, carry):
        ids = s * _ROWS_PER_TILE + t * _WB + lanes
        pltpu.sync_copy(ones_v.at[pl.ds(0, _WB)], cacc_sh.at[ids])
        return carry

    lax.fori_loop(0, _ROWS_PER_TILE // _WB, zinit, 0)
    o = jnp.ones((16,), jnp.float32)

    def ofill(r, carry):
        for k in range(_D // 16):
            ones_v[r, pl.ds(k * 16, 16)] = o
        return carry

    lax.fori_loop(0, _CHUNK, ofill, 0)
    plsc.subcore_barrier()

    def group(g, carry):
        blk = g * _TILES_PER_SC + s

        @pl.when(c == 0)
        def _():
            pltpu.sync_copy(dstp_hbm.at[blk], dst_v)

        @pl.when(c == 1)
        def _():
            pltpu.sync_copy(dstn_hbm.at[blk], dst_v)

        def body(j, carry2):
            pltpu.sync_copy(ones_v, cacc_sh.at[dst_v.at[j]], add=True)
            return carry2

        lax.fori_loop(0, _BLK, body, 0)
        return carry

    nblk = jnp.where(s < _NBLOCKS % _TILES_PER_SC,
                     _NBLOCKS // _TILES_PER_SC + 1,
                     _NBLOCKS // _TILES_PER_SC)
    lax.fori_loop(0, nblk, group, 0)
    plsc.subcore_barrier()

    out_base = c * _N_PAD + s * _ROWS_PER_TILE

    def wb(t, carry):
        dst0 = out_base + t * _WB
        ids = s * _ROWS_PER_TILE + t * _WB + lanes
        pltpu.async_copy(cacc_sh.at[ids], ones_v.at[pl.ds(0, _WB)], sem).wait()
        pltpu.sync_copy(ones_v.at[pl.ds(0, _WB)], cnts_hbm.at[pl.ds(dst0, _WB)])
        return carry

    lax.fori_loop(0, _ROWS_PER_TILE // _WB, wb, 0)


_sc_count = functools.partial(
    pl.kernel,
    out_type=jax.ShapeDtypeStruct((_NUM_SC * _N_PAD, _D), jnp.float32),
    mesh=plsc.VectorSubcoreMesh(core_axis_name="c", subcore_axis_name="s"),
    scratch_types=[
        pltpu.VMEM((_BLK, _CHUNK), jnp.int32),
        pltpu.VMEM((_CHUNK, _D), jnp.float32),
        pltpu.VMEM_SHARED((_N_PAD, _D), jnp.float32),
        pltpu.SemaphoreType.DMA,
    ],
)(_sc_count_kernel)


def _tc_dense_kernel(sp_ref, sn_ref, cp_ref, cn_ref, x_ref, w_ref, b_ref, o_ref):
    cp = jnp.maximum(cp_ref[...][:, 0:1], 1.0)
    cn = jnp.maximum(cn_ref[...][:, 0:1], 1.0)
    p = sp_ref[...] / cp
    q = sn_ref[...] / cn
    w = w_ref[...]
    hi = lax.Precision.HIGHEST
    h = (jnp.dot(p, w[0:_D], preferred_element_type=jnp.float32, precision=hi)
         + jnp.dot(q, w[_D:2 * _D], preferred_element_type=jnp.float32, precision=hi)
         + jnp.dot(x_ref[...], w[2 * _D:3 * _D], preferred_element_type=jnp.float32,
                   precision=hi)
         + b_ref[...])
    nrm = jnp.sqrt(jnp.sum(h * h, axis=-1, keepdims=True))
    o_ref[...] = h / jnp.maximum(nrm, 1e-12)


def kernel(x, base_pos, base_neg, edge_index_pos, edge_index_neg, W, b):
    n = x.shape[0]
    srcp = edge_index_pos[0].reshape(_NBLOCKS, _BLK, _CHUNK)
    dstp = edge_index_pos[1].reshape(_NBLOCKS, _BLK, _CHUNK)
    srcn = edge_index_neg[0].reshape(_NBLOCKS, _BLK, _CHUNK)
    dstn = edge_index_neg[1].reshape(_NBLOCKS, _BLK, _CHUNK)
    sums = _sc_aggregate(base_pos, base_neg, srcp, dstp, srcn, dstn)
    cnts = _sc_count(dstp, dstn)

    blk = 1024
    grid = ((n + blk - 1) // blk,)
    out = pl.pallas_call(
        _tc_dense_kernel,
        grid=grid,
        in_specs=[
            pl.BlockSpec((blk, _D), lambda i: (i, 0)),
            pl.BlockSpec((blk, _D), lambda i: (i, 0)),
            pl.BlockSpec((blk, _D), lambda i: (i, 0)),
            pl.BlockSpec((blk, _D), lambda i: (i, 0)),
            pl.BlockSpec((blk, _D), lambda i: (i, 0)),
            pl.BlockSpec((3 * _D, _D), lambda i: (0, 0)),
            pl.BlockSpec((1, _D), lambda i: (0, 0)),
        ],
        out_specs=pl.BlockSpec((blk, _D), lambda i: (i, 0)),
        out_shape=jax.ShapeDtypeStruct((n, _D), jnp.float32),
    )(sums[:n], sums[_N_PAD:_N_PAD + n], cnts[:n], cnts[_N_PAD:_N_PAD + n],
      x, W, b.reshape(1, _D))
    return out

# --- scband reference (transcript-rebuilt; emitter-appended) ---
"""Pipeline reference for scband-signed-sageconvolution-deep-83623013253621 (READ-ONLY COPY).

The authoritative reference and input builder live on the scoring server;
editing this copy changes nothing except your own understanding.
"""

import jax, jax.numpy as jnp
import numpy as np

N_NODES = 10000
E_EDGES = 320000
D_FEAT = 128
IN_CH = 3 * D_FEAT
OUT_CH = 128


def setup_inputs(seed: int = 0) -> dict:
    key = jax.random.key(seed)
    k1, k2, k3, k4, k5, k6, k7 = jax.random.split(key, 7)
    x = jax.random.normal(k1, (N_NODES, D_FEAT), dtype=jnp.float32)
    base_pos = jax.random.normal(k2, (N_NODES, D_FEAT), dtype=jnp.float32)
    base_neg = jax.random.normal(k3, (N_NODES, D_FEAT), dtype=jnp.float32)
    edge_index_pos = jax.random.randint(k4, (2, E_EDGES), 0, N_NODES, dtype=jnp.int64 if jax.config.jax_enable_x64 else jnp.int32).astype(jnp.int32)
    edge_index_neg = jax.random.randint(k5, (2, E_EDGES), 0, N_NODES, dtype=jnp.int64 if jax.config.jax_enable_x64 else jnp.int32).astype(jnp.int32)
    # parameters initialized uniform(-std, std) with std = 1/sqrt(in_channels), matching torch reset_parameters
    std = 1.0 / np.sqrt(IN_CH)
    W = jax.random.uniform(k6, (IN_CH, OUT_CH), dtype=jnp.float32, minval=-std, maxval=std)
    b = jax.random.uniform(k7, (OUT_CH,), dtype=jnp.float32, minval=-std, maxval=std)
    return {"x": x, "base_pos": base_pos, "base_neg": base_neg, "edge_index_pos": edge_index_pos, "edge_index_neg": edge_index_neg, "W": W, "b": b}


def _mean_aggregate(feat, edge_index, num_nodes):
    src = edge_index[0]
    dst = edge_index[1]
    msg = jnp.take(feat, src, axis=0)
    summed = jax.ops.segment_sum(msg, dst, num_segments=num_nodes)
    cnt = jax.ops.segment_sum(jnp.ones((edge_index.shape[1],), dtype=feat.dtype), dst, num_segments=num_nodes)
    cnt = jnp.clip(cnt, 1.0, None)
    return summed / cnt[:, None]


def reference(x, base_pos, base_neg, edge_index_pos, edge_index_neg, W, b):
    N = x.shape[0]
    out_1 = _mean_aggregate(base_pos, edge_index_pos, N)
    out_2 = _mean_aggregate(base_neg, edge_index_neg, N)
    out = jnp.concatenate((out_1, out_2, x), axis=1)
    out = jnp.matmul(out, W)
    out = out + b
    # F.normalize(out, p=2, dim=-1) with eps=1e-12
    nrm = jnp.sqrt(jnp.sum(out * out, axis=-1, keepdims=True))
    out = out / jnp.clip(nrm, 1e-12, None)
    return out

if __name__ == "__main__":
    import jax
    _d = setup_inputs()
    print(jax.jit(kernel)(*tuple(_d.values())))

</pallas_src>

<mosaic_0001>
#map = affine_map<(d0, d1) -> (0, 0, 0)>
#map1 = affine_map<(d0, d1) -> (0, 0)>
module attributes {stable_mosaic.version = 14 : i64} {
  func.func @_sc_count_kernel(%arg0: i32, %arg1: i32, %arg2: memref<625x4x128xi32, #tpu.memory_space<hbm>>, %arg3: memref<625x4x128xi32, #tpu.memory_space<hbm>>, %arg4: memref<20480x128xf32, #tpu.memory_space<hbm>>, %arg5: memref<4x128xi32, #tpu.memory_space<vmem>>, %arg6: memref<128x128xf32, #tpu.memory_space<vmem>>, %arg7: memref<10240x128xf32, #tpu.memory_space<vmem_shared>>, %arg8: memref<!tpu.dma_semaphore, #tpu.memory_space<semaphore_mem>>) attributes {dimension_semantics = [#tpu.dimension_semantics<core_parallel>, #tpu.dimension_semantics<subcore_parallel>], iteration_bounds = array<i64: 2, 16>, scalar_prefetch = 0 : i64, scratch_operands = 4 : i64, tpu.core_type = #tpu.core_type<sc_vector_subcore>, window_params = [{transform_indices = #map}, {transform_indices = #map}, {transform_indices = #map1}]} {
    %iota3A = tpu.iota {dimensions = array<i32: 0>} : vector<16xi32>
    %broadcast_in_dim3A = arith.constant 0.000000e+00 : f32
    %broadcast_in_dim3A_0 = vector.broadcast %broadcast_in_dim3A : f32 to vector<16xf32>
    %scan3A = arith.constant 0 : i32
    %scan3A_1 = arith.constant 0 : i32
    %scan3A_2 = arith.constant 16 : i32
    %scan3A_3 = arith.addi %scan3A_1, %scan3A_2 : i32
    %scan3A_4 = arith.constant 1 : i32
    scf.for %scan3A_41 = %scan3A_1 to %scan3A_3 step %scan3A_4  : i32 {
      %swap3A = arith.index_cast %scan3A_41 : i32 to index
      %swap3A_42 = arith.constant 0 : index
      %swap3A_43 = tpu.vector_load %arg6[%swap3A, %swap3A_42] {strides = array<i32>} : memref<128x128xf32, #tpu.memory_space<vmem>>, vector<1x16xf32>,
      %swap3A_44 = vector.shape_cast %swap3A_43 : vector<1x16xf32> to vector<16xf32>
      %swap3A_45 = vector.shape_cast %broadcast_in_dim3A_0 : vector<16xf32> to vector<1x16xf32>
      tpu.vector_store %arg6[%swap3A, %swap3A_42], %swap3A_45 {strides = array<i32>} : memref<128x128xf32, #tpu.memory_space<vmem>>, vector<1x16xf32>,
      %swap3A_46 = arith.index_cast %scan3A_41 : i32 to index
      %swap3A_47 = arith.constant 16 : index
      %swap3A_48 = tpu.vector_load %arg6[%swap3A_46, %swap3A_47] {strides = array<i32>} : memref<128x128xf32, #tpu.memory_space<vmem>>, vector<1x16xf32>,
      %swap3A_49 = vector.shape_cast %swap3A_48 : vector<1x16xf32> to vector<16xf32>
      %swap3A_50 = vector.shape_cast %broadcast_in_dim3A_0 : vector<16xf32> to vector<1x16xf32>
      tpu.vector_store %arg6[%swap3A_46, %swap3A_47], %swap3A_50 {strides = array<i32>} : memref<128x128xf32, #tpu.memory_space<vmem>>, vector<1x16xf32>,
      %swap3A_51 = arith.index_cast %scan3A_41 : i32 to index
      %swap3A_52 = arith.constant 32 : index
      %swap3A_53 = tpu.vector_load %arg6[%swap3A_51, %swap3A_52] {strides = array<i32>} : memref<128x128xf32, #tpu.memory_space<vmem>>, vector<1x16xf32>,
      %swap3A_54 = vector.shape_cast %swap3A_53 : vector<1x16xf32> to vector<16xf32>
      %swap3A_55 = vector.shape_cast %broadcast_in_dim3A_0 : vector<16xf32> to vector<1x16xf32>
      tpu.vector_store %arg6[%swap3A_51, %swap3A_52], %swap3A_55 {strides = array<i32>} : memref<128x128xf32, #tpu.memory_space<vmem>>, vector<1x16xf32>,
      %swap3A_56 = arith.index_cast %scan3A_41 : i32 to index
      %swap3A_57 = arith.constant 48 : index
      %swap3A_58 = tpu.vector_load %arg6[%swap3A_56, %swap3A_57] {strides = array<i32>} : memref<128x128xf32, #tpu.memory_space<vmem>>, vector<1x16xf32>,
      %swap3A_59 = vector.shape_cast %swap3A_58 : vector<1x16xf32> to vector<16xf32>
      %swap3A_60 = vector.shape_cast %broadcast_in_dim3A_0 : vector<16xf32> to vector<1x16xf32>
      tpu.vector_store %arg6[%swap3A_56, %swap3A_57], %swap3A_60 {strides = array<i32>} : memref<128x128xf32, #tpu.memory_space<vmem>>, vector<1x16xf32>,
      %swap3A_61 = arith.index_cast %scan3A_41 : i32 to index
      %swap3A_62 = arith.constant 64 : index
      %swap3A_63 = tpu.vector_load %arg6[%swap3A_61, %swap3A_62] {strides = array<i32>} : memref<128x128xf32, #tpu.memory_space<vmem>>, vector<1x16xf32>,
      %swap3A_64 = vector.shape_cast %swap3A_63 : vector<1x16xf32> to vector<16xf32>
      %swap3A_65 = vector.shape_cast %broadcast_in_dim3A_0 : vector<16xf32> to vector<1x16xf32>
      tpu.vector_store %arg6[%swap3A_61, %swap3A_62], %swap3A_65 {strides = array<i32>} : memref<128x128xf32, #tpu.memory_space<vmem>>, vector<1x16xf32>,
      %swap3A_66 = arith.index_cast %scan3A_41 : i32 to index
      %swap3A_67 = arith.constant 80 : index
      %swap3A_68 = tpu.vector_load %arg6[%swap3A_66, %swap3A_67] {strides = array<i32>} : memref<128x128xf32, #tpu.memory_space<vmem>>, vector<1x16xf32>,
      %swap3A_69 = vector.shape_cast %swap3A_68 : vector<1x16xf32> to vector<16xf32>
      %swap3A_70 = vector.shape_cast %broadcast_in_dim3A_0 : vector<16xf32> to vector<1x16xf32>
      tpu.vector_store %arg6[%swap3A_66, %swap3A_67], %swap3A_70 {strides = array<i32>} : memref<128x128xf32, #tpu.memory_space<vmem>>, vector<1x16xf32>,
      %swap3A_71 = arith.index_cast %scan3A_41 : i32 to index
      %swap3A_72 = arith.constant 96 : index
      %swap3A_73 = tpu.vector_load %arg6[%swap3A_71, %swap3A_72] {strides = array<i32>} : memref<128x128xf32, #tpu.memory_space<vmem>>, vector<1x16xf32>,
      %swap3A_74 = vector.shape_cast %swap3A_73 : vector<1x16xf32> to vector<16xf32>
      %swap3A_75 = vector.shape_cast %broadcast_in_dim3A_0 : vector<16xf32> to vector<1x16xf32>
      tpu.vector_store %arg6[%swap3A_71, %swap3A_72], %swap3A_75 {strides = array<i32>} : memref<128x128xf32, #tpu.memory_space<vmem>>, vector<1x16xf32>,
      %swap3A_76 = arith.index_cast %scan3A_41 : i32 to index
      %swap3A_77 = arith.constant 112 : index
      %swap3A_78 = tpu.vector_load %arg6[%swap3A_76, %swap3A_77] {strides = array<i32>} : memref<128x128xf32, #tpu.memory_space<vmem>>, vector<1x16xf32>,
      %swap3A_79 = vector.shape_cast %swap3A_78 : vector<1x16xf32> to vector<16xf32>
      %swap3A_80 = vector.shape_cast %broadcast_in_dim3A_0 : vector<16xf32> to vector<1x16xf32>
      tpu.vector_store %arg6[%swap3A_76, %swap3A_77], %swap3A_80 {strides = array<i32>} : memref<128x128xf32, #tpu.memory_space<vmem>>, vector<1x16xf32>,
    }
    %scan3A_5 = arith.constant 16 : i32
    %scan3A_6 = arith.constant 0 : i32
    %scan3A_7 = arith.constant 0 : i32
    %scan3A_8 = arith.constant 40 : i32
    %scan3A_9 = arith.addi %scan3A_7, %scan3A_8 : i32
    %scan3A_10 = arith.constant 1 : i32
    scf.for %scan3A_41 = %scan3A_7 to %scan3A_9 step %scan3A_10  : i32 {
      %mul3A_42 = arith.constant 640 : i32
      %mul3A_43 = arith.muli %arg1, %mul3A_42 : i32
      %mul3A_44 = arith.constant 16 : i32
      %mul3A_45 = arith.muli %scan3A_41, %mul3A_44 : i32
      %add3A_46 = arith.addi %mul3A_43, %mul3A_45 : i32
      %add3A_47 = vector.broadcast %add3A_46 : i32 to vector<16xi32>
      %add3A_48 = arith.addi %add3A_47, %iota3A : vector<16xi32>
      "tpu.region"() ({
        %run_scoped3A = tpu.sem_alloc : memref<!tpu.dma_semaphore, #tpu.memory_space<semaphore_mem>>
        %dma_start3A = arith.constant 0 : i32
        %dma_start3A_49 = arith.constant 0 : i32
        %dma_start3A_50 = tpu.memref_slice %arg6[%dma_start3A, %dma_start3A_49] : memref<128x128xf32, #tpu.memory_space<vmem>> -> memref<16x128xf32, #tpu.memory_space<vmem>>
        %dma_start3A_51 = arith.constant 0 : i32
        %dma_start3A_52 = arith.constant 0 : i32
        %dma_start3A_53 = tpu.memref_slice %arg7[%dma_start3A_51, %dma_start3A_52] : memref<10240x128xf32, #tpu.memory_space<vmem_shared>> -> memref<10240x128xf32, #tpu.memory_space<vmem_shared>>
        tpu.enqueue_indirect_dma source(%dma_start3A_50 : memref<16x128xf32, #tpu.memory_space<vmem>>) target(%dma_start3A_53 : memref<10240x128xf32, #tpu.memory_space<vmem_shared>>) offsets(%add3A_48 : vector<16xi32>) semaphore(%run_scoped3A : memref<!tpu.dma_semaphore, #tpu.memory_space<semaphore_mem>>)
        %dma_wait3A = arith.constant 0 : i32
        %dma_wait3A_54 = arith.constant 0 : i32
        %dma_wait3A_55 = tpu.memref_slice %arg6[%dma_wait3A, %dma_wait3A_54] : memref<128x128xf32, #tpu.memory_space<vmem>> -> memref<16x128xf32, #tpu.memory_space<vmem>>
        %dma_wait3A_56 = arith.constant 0 : i32
        %dma_wait3A_57 = arith.constant 0 : i32
        %dma_wait3A_58 = tpu.memref_slice %arg7[%dma_wait3A_56, %dma_wait3A_57] : memref<10240x128xf32, #tpu.memory_space<vmem_shared>> -> memref<10240x128xf32, #tpu.memory_space<vmem_shared>>
        tpu.wait_indirect_dma semaphore(%run_scoped3A : memref<!tpu.dma_semaphore, #tpu.memory_space<semaphore_mem>>) src(%dma_wait3A_55 : memref<16x128xf32, #tpu.memory_space<vmem>>) dst(%dma_wait3A_58 : memref<10240x128xf32, #tpu.memory_space<vmem_shared>>)
        tpu.yield
      }) : () -> ()
    }
    %scan3A_11 = arith.constant 40 : i32
    %broadcast_in_dim3A_12 = arith.constant 1.000000e+00 : f32
    %broadcast_in_dim3A_13 = vector.broadcast %broadcast_in_dim3A_12 : f32 to vector<16xf32>
    %scan3A_14 = arith.constant 0 : i32
    %scan3A_15 = arith.constant 0 : i32
    %scan3A_16 = arith.constant 128 : i32
    %scan3A_17 = arith.addi %scan3A_15, %scan3A_16 : i32
    %scan3A_18 = arith.constant 1 : i32
    scf.for %scan3A_41 = %scan3A_15 to %scan3A_17 step %scan3A_18  : i32 {
      %swap3A = arith.index_cast %scan3A_41 : i32 to index
      %swap3A_42 = arith.constant 0 : index
      %swap3A_43 = tpu.vector_load %arg6[%swap3A, %swap3A_42] {strides = array<i32>} : memref<128x128xf32, #tpu.memory_space<vmem>>, vector<1x16xf32>,
      %swap3A_44 = vector.shape_cast %swap3A_43 : vector<1x16xf32> to vector<16xf32>
      %swap3A_45 = vector.shape_cast %broadcast_in_dim3A_13 : vector<16xf32> to vector<1x16xf32>
      tpu.vector_store %arg6[%swap3A, %swap3A_42], %swap3A_45 {strides = array<i32>} : memref<128x128xf32, #tpu.memory_space<vmem>>, vector<1x16xf32>,
      %swap3A_46 = arith.index_cast %scan3A_41 : i32 to index
      %swap3A_47 = arith.constant 16 : index
      %swap3A_48 = tpu.vector_load %arg6[%swap3A_46, %swap3A_47] {strides = array<i32>} : memref<128x128xf32, #tpu.memory_space<vmem>>, vector<1x16xf32>,
      %swap3A_49 = vector.shape_cast %swap3A_48 : vector<1x16xf32> to vector<16xf32>
      %swap3A_50 = vector.shape_cast %broadcast_in_dim3A_13 : vector<16xf32> to vector<1x16xf32>
      tpu.vector_store %arg6[%swap3A_46, %swap3A_47], %swap3A_50 {strides = array<i32>} : memref<128x128xf32, #tpu.memory_space<vmem>>, vector<1x16xf32>,
      %swap3A_51 = arith.index_cast %scan3A_41 : i32 to index
      %swap3A_52 = arith.constant 32 : index
      %swap3A_53 = tpu.vector_load %arg6[%swap3A_51, %swap3A_52] {strides = array<i32>} : memref<128x128xf32, #tpu.memory_space<vmem>>, vector<1x16xf32>,
      %swap3A_54 = vector.shape_cast %swap3A_53 : vector<1x16xf32> to vector<16xf32>
      %swap3A_55 = vector.shape_cast %broadcast_in_dim3A_13 : vector<16xf32> to vector<1x16xf32>
      tpu.vector_store %arg6[%swap3A_51, %swap3A_52], %swap3A_55 {strides = array<i32>} : memref<128x128xf32, #tpu.memory_space<vmem>>, vector<1x16xf32>,
      %swap3A_56 = arith.index_cast %scan3A_41 : i32 to index
      %swap3A_57 = arith.constant 48 : index
      %swap3A_58 = tpu.vector_load %arg6[%swap3A_56, %swap3A_57] {strides = array<i32>} : memref<128x128xf32, #tpu.memory_space<vmem>>, vector<1x16xf32>,
      %swap3A_59 = vector.shape_cast %swap3A_58 : vector<1x16xf32> to vector<16xf32>
      %swap3A_60 = vector.shape_cast %broadcast_in_dim3A_13 : vector<16xf32> to vector<1x16xf32>
      tpu.vector_store %arg6[%swap3A_56, %swap3A_57], %swap3A_60 {strides = array<i32>} : memref<128x128xf32, #tpu.memory_space<vmem>>, vector<1x16xf32>,
      %swap3A_61 = arith.index_cast %scan3A_41 : i32 to index
      %swap3A_62 = arith.constant 64 : index
      %swap3A_63 = tpu.vector_load %arg6[%swap3A_61, %swap3A_62] {strides = array<i32>} : memref<128x128xf32, #tpu.memory_space<vmem>>, vector<1x16xf32>,
      %swap3A_64 = vector.shape_cast %swap3A_63 : vector<1x16xf32> to vector<16xf32>
      %swap3A_65 = vector.shape_cast %broadcast_in_dim3A_13 : vector<16xf32> to vector<1x16xf32>
      tpu.vector_store %arg6[%swap3A_61, %swap3A_62], %swap3A_65 {strides = array<i32>} : memref<128x128xf32, #tpu.memory_space<vmem>>, vector<1x16xf32>,
      %swap3A_66 = arith.index_cast %scan3A_41 : i32 to index
      %swap3A_67 = arith.constant 80 : index
      %swap3A_68 = tpu.vector_load %arg6[%swap3A_66, %swap3A_67] {strides = array<i32>} : memref<128x128xf32, #tpu.memory_space<vmem>>, vector<1x16xf32>,
      %swap3A_69 = vector.shape_cast %swap3A_68 : vector<1x16xf32> to vector<16xf32>
      %swap3A_70 = vector.shape_cast %broadcast_in_dim3A_13 : vector<16xf32> to vector<1x16xf32>
      tpu.vector_store %arg6[%swap3A_66, %swap3A_67], %swap3A_70 {strides = array<i32>} : memref<128x128xf32, #tpu.memory_space<vmem>>, vector<1x16xf32>,
      %swap3A_71 = arith.index_cast %scan3A_41 : i32 to index
      %swap3A_72 = arith.constant 96 : index
      %swap3A_73 = tpu.vector_load %arg6[%swap3A_71, %swap3A_72] {strides = array<i32>} : memref<128x128xf32, #tpu.memory_space<vmem>>, vector<1x16xf32>,
      %swap3A_74 = vector.shape_cast %swap3A_73 : vector<1x16xf32> to vector<16xf32>
      %swap3A_75 = vector.shape_cast %broadcast_in_dim3A_13 : vector<16xf32> to vector<1x16xf32>
      tpu.vector_store %arg6[%swap3A_71, %swap3A_72], %swap3A_75 {strides = array<i32>} : memref<128x128xf32, #tpu.memory_space<vmem>>, vector<1x16xf32>,
      %swap3A_76 = arith.index_cast %scan3A_41 : i32 to index
      %swap3A_77 = arith.constant 112 : index
      %swap3A_78 = tpu.vector_load %arg6[%swap3A_76, %swap3A_77] {strides = array<i32>} : memref<128x128xf32, #tpu.memory_space<vmem>>, vector<1x16xf32>,
      %swap3A_79 = vector.shape_cast %swap3A_78 : vector<1x16xf32> to vector<16xf32>
      %swap3A_80 = vector.shape_cast %broadcast_in_dim3A_13 : vector<16xf32> to vector<1x16xf32>
      tpu.vector_store %arg6[%swap3A_76, %swap3A_77], %swap3A_80 {strides = array<i32>} : memref<128x128xf32, #tpu.memory_space<vmem>>, vector<1x16xf32>,
    }
    %scan3A_19 = arith.constant 128 : i32
    %barrier3A = arith.constant 0 : index
    tpu.barrier barrier_id(%barrier3A)
    %lt3A = arith.constant 1 : i32
    %lt3A_20 = arith.cmpi slt, %arg1, %lt3A : i32
    %jit3A = arith.constant 40 : i32
    %jit3A_21 = arith.constant 39 : i32
    %select_n3A = arith.select %lt3A_20, %jit3A, %jit3A_21 : i32
    %while3A = arith.constant 0 : i32
    %while3A_22 = arith.constant 0 : i32
    %while3A_23 = arith.subi %select_n3A, %while3A_22 : i32
    %while3A_24 = arith.addi %while3A_22, %while3A_23 : i32
    %while3A_25 = arith.constant 1 : i32
    %while3A_26 = arith.divsi %while3A_23, %while3A_25 : i32
    %while3A_27 = arith.muli %while3A_26, %while3A_25 : i32
    %while3A_28 = arith.addi %while3A_22, %while3A_27 : i32
    %while3A_29 = arith.constant 1 : i32
    scf.for %while3A_41 = %while3A_22 to %while3A_28 step %while3A_29  : i32 {
      %mul3A_42 = arith.constant 16 : i32
      %mul3A_43 = arith.muli %while3A_41, %mul3A_42 : i32
      %add3A_44 = arith.addi %mul3A_43, %arg1 : i32
      %eq3A = arith.constant 0 : i32
      %eq3A_45 = arith.cmpi eq, %arg0, %eq3A : i32
      %convert_element_type3A = arith.extui %eq3A_45 : i1 to i32
      %cond3A = arith.constant 0 : i32
      %cond3A_46 = arith.cmpi ne, %convert_element_type3A, %cond3A : i32
      scf.if %cond3A_46 {
        "tpu.region"() ({
          %run_scoped3A = tpu.sem_alloc : memref<!tpu.dma_semaphore, #tpu.memory_space<semaphore_mem>>
          %dma_start3A = arith.constant 0 : i32
          %dma_start3A_58 = arith.constant 0 : i32
          %dma_start3A_59 = tpu.memref_slice %arg2[%add3A_44, %dma_start3A, %dma_start3A_58] : memref<625x4x128xi32, #tpu.memory_space<hbm>> -> memref<1x4x128xi32, #tpu.memory_space<hbm>>
          %dma_start3A_60 = tpu.memref_squeeze %dma_start3A_59 : memref<1x4x128xi32, #tpu.memory_space<hbm>> -> memref<4x128xi32, #tpu.memory_space<hbm>>
          %dma_start3A_61 = arith.constant 0 : i32
          %dma_start3A_62 = arith.constant 0 : i32
          %dma_start3A_63 = tpu.memref_slice %arg2[%add3A_44, %dma_start3A_61, %dma_start3A_62] : memref<625x4x128xi32, #tpu.memory_space<hbm>> -> memref<1x4x128xi32, #tpu.memory_space<hbm>>
          %dma_start3A_64 = tpu.memref_squeeze %dma_start3A_63 : memref<1x4x128xi32, #tpu.memory_space<hbm>> -> memref<4x128xi32, #tpu.memory_space<hbm>>
          tpu.enqueue_dma source(%dma_start3A_64 : memref<4x128xi32, #tpu.memory_space<hbm>>) target(%arg5 : memref<4x128xi32, #tpu.memory_space<vmem>>) target_semaphore(%run_scoped3A : memref<!tpu.dma_semaphore, #tpu.memory_space<semaphore_mem>>)
          %dma_wait3A = arith.constant 0 : i32
          %dma_wait3A_65 = arith.constant 0 : i32
          %dma_wait3A_66 = tpu.memref_slice %arg2[%add3A_44, %dma_wait3A, %dma_wait3A_65] : memref<625x4x128xi32, #tpu.memory_space<hbm>> -> memref<1x4x128xi32, #tpu.memory_space<hbm>>
          %dma_wait3A_67 = tpu.memref_squeeze %dma_wait3A_66 : memref<1x4x128xi32, #tpu.memory_space<hbm>> -> memref<4x128xi32, #tpu.memory_space<hbm>>
          %dma_wait3A_68 = arith.constant 0 : i32
          %dma_wait3A_69 = arith.constant 0 : i32
          %dma_wait3A_70 = tpu.memref_slice %arg2[%add3A_44, %dma_wait3A_68, %dma_wait3A_69] : memref<625x4x128xi32, #tpu.memory_space<hbm>> -> memref<1x4x128xi32, #tpu.memory_space<hbm>>
          %dma_wait3A_71 = tpu.memref_squeeze %dma_wait3A_70 : memref<1x4x128xi32, #tpu.memory_space<hbm>> -> memref<4x128xi32, #tpu.memory_space<hbm>>
          tpu.wait_dma2 semaphore(%run_scoped3A : memref<!tpu.dma_semaphore, #tpu.memory_space<semaphore_mem>>) src(%dma_wait3A_71 : memref<4x128xi32, #tpu.memory_space<hbm>>) dst(%arg5 : memref<4x128xi32, #tpu.memory_space<vmem>>)
          tpu.yield
        }) : () -> ()
      } else {
      }
      %eq3A_47 = arith.constant 1 : i32
      %eq3A_48 = arith.cmpi eq, %arg0, %eq3A_47 : i32
      %convert_element_type3A_49 = arith.extui %eq3A_48 : i1 to i32
      %cond3A_50 = arith.constant 0 : i32
      %cond3A_51 = arith.cmpi ne, %convert_element_type3A_49, %cond3A_50 : i32
      scf.if %cond3A_51 {
        "tpu.region"() ({
          %run_scoped3A = tpu.sem_alloc : memref<!tpu.dma_semaphore, #tpu.memory_space<semaphore_mem>>
          %dma_start3A = arith.constant 0 : i32
          %dma_start3A_58 = arith.constant 0 : i32
          %dma_start3A_59 = tpu.memref_slice %arg3[%add3A_44, %dma_start3A, %dma_start3A_58] : memref<625x4x128xi32, #tpu.memory_space<hbm>> -> memref<1x4x128xi32, #tpu.memory_space<hbm>>
          %dma_start3A_60 = tpu.memref_squeeze %dma_start3A_59 : memref<1x4x128xi32, #tpu.memory_space<hbm>> -> memref<4x128xi32, #tpu.memory_space<hbm>>
          %dma_start3A_61 = arith.constant 0 : i32
          %dma_start3A_62 = arith.constant 0 : i32
          %dma_start3A_63 = tpu.memref_slice %arg3[%add3A_44, %dma_start3A_61, %dma_start3A_62] : memref<625x4x128xi32, #tpu.memory_space<hbm>> -> memref<1x4x128xi32, #tpu.memory_space<hbm>>
          %dma_start3A_64 = tpu.memref_squeeze %dma_start3A_63 : memref<1x4x128xi32, #tpu.memory_space<hbm>> -> memref<4x128xi32, #tpu.memory_space<hbm>>
          tpu.enqueue_dma source(%dma_start3A_64 : memref<4x128xi32, #tpu.memory_space<hbm>>) target(%arg5 : memref<4x128xi32, #tpu.memory_space<vmem>>) target_semaphore(%run_scoped3A : memref<!tpu.dma_semaphore, #tpu.memory_space<semaphore_mem>>)
          %dma_wait3A = arith.constant 0 : i32
          %dma_wait3A_65 = arith.constant 0 : i32
          %dma_wait3A_66 = tpu.memref_slice %arg3[%add3A_44, %dma_wait3A, %dma_wait3A_65] : memref<625x4x128xi32, #tpu.memory_space<hbm>> -> memref<1x4x128xi32, #tpu.memory_space<hbm>>
          %dma_wait3A_67 = tpu.memref_squeeze %dma_wait3A_66 : memref<1x4x128xi32, #tpu.memory_space<hbm>> -> memref<4x128xi32, #tpu.memory_space<hbm>>
          %dma_wait3A_68 = arith.constant 0 : i32
          %dma_wait3A_69 = arith.constant 0 : i32
          %dma_wait3A_70 = tpu.memref_slice %arg3[%add3A_44, %dma_wait3A_68, %dma_wait3A_69] : memref<625x4x128xi32, #tpu.memory_space<hbm>> -> memref<1x4x128xi32, #tpu.memory_space<hbm>>
          %dma_wait3A_71 = tpu.memref_squeeze %dma_wait3A_70 : memref<1x4x128xi32, #tpu.memory_space<hbm>> -> memref<4x128xi32, #tpu.memory_space<hbm>>
          tpu.wait_dma2 semaphore(%run_scoped3A : memref<!tpu.dma_semaphore, #tpu.memory_space<semaphore_mem>>) src(%dma_wait3A_71 : memref<4x128xi32, #tpu.memory_space<hbm>>) dst(%arg5 : memref<4x128xi32, #tpu.memory_space<vmem>>)
          tpu.yield
        }) : () -> ()
      } else {
      }
      %scan3A_52 = arith.constant 0 : i32
      %scan3A_53 = arith.constant 0 : i32
      %scan3A_54 = arith.constant 4 : i32
      %scan3A_55 = arith.addi %scan3A_53, %scan3A_54 : i32
      %scan3A_56 = arith.constant 1 : i32
      scf.for %scan3A_58 = %scan3A_53 to %scan3A_55 step %scan3A_56  : i32 {
        "tpu.region"() ({
          %run_scoped3A = tpu.sem_alloc : memref<!tpu.dma_semaphore, #tpu.memory_space<semaphore_mem>>
          %dma_start3A = arith.constant 0 : i32
          %dma_start3A_59 = tpu.memref_slice %arg5[%scan3A_58, %dma_start3A] : memref<4x128xi32, #tpu.memory_space<vmem>> -> memref<1x128xi32, #tpu.memory_space<vmem>>
          %dma_start3A_60 = tpu.memref_squeeze %dma_start3A_59 : memref<1x128xi32, #tpu.memory_space<vmem>> -> memref<128xi32, #tpu.memory_space<vmem>>
          %dma_start3A_61 = arith.constant 0 : i32
          %dma_start3A_62 = arith.constant 0 : i32
          %dma_start3A_63 = tpu.memref_slice %arg7[%dma_start3A_61, %dma_start3A_62] : memref<10240x128xf32, #tpu.memory_space<vmem_shared>> -> memref<10240x128xf32, #tpu.memory_space<vmem_shared>>
          tpu.enqueue_indirect_dma source(%arg6 : memref<128x128xf32, #tpu.memory_space<vmem>>) target(%dma_start3A_63 : memref<10240x128xf32, #tpu.memory_space<vmem_shared>>) offsets(%dma_start3A_60 : memref<128xi32, #tpu.memory_space<vmem>>) semaphore(%run_scoped3A : memref<!tpu.dma_semaphore, #tpu.memory_space<semaphore_mem>>) {add = true}
          %dma_wait3A = arith.constant 0 : i32
          %dma_wait3A_64 = tpu.memref_slice %arg5[%scan3A_58, %dma_wait3A] : memref<4x128xi32, #tpu.memory_space<vmem>> -> memref<1x128xi32, #tpu.memory_space<vmem>>
          %dma_wait3A_65 = tpu.memref_squeeze %dma_wait3A_64 : memref<1x128xi32, #tpu.memory_space<vmem>> -> memref<128xi32, #tpu.memory_space<vmem>>
          %dma_wait3A_66 = arith.constant 0 : i32
          %dma_wait3A_67 = arith.constant 0 : i32
          %dma_wait3A_68 = tpu.memref_slice %arg7[%dma_wait3A_66, %dma_wait3A_67] : memref<10240x128xf32, #tpu.memory_space<vmem_shared>> -> memref<10240x128xf32, #tpu.memory_space<vmem_shared>>
          tpu.wait_indirect_dma semaphore(%run_scoped3A : memref<!tpu.dma_semaphore, #tpu.memory_space<semaphore_mem>>) src(%arg6 : memref<128x128xf32, #tpu.memory_space<vmem>>) dst(%dma_wait3A_68 : memref<10240x128xf32, #tpu.memory_space<vmem_shared>>)
          tpu.yield
        }) : () -> ()
      }
      %scan3A_57 = arith.constant 4 : i32
    }
    %while3A_30 = arith.constant 1 : i32
    scf.for %while3A_41 = %while3A_28 to %while3A_24 step %while3A_30  : i32 {
      %mul3A_42 = arith.constant 16 : i32
      %mul3A_43 = arith.muli %while3A_41, %mul3A_42 : i32
      %add3A_44 = arith.addi %mul3A_43, %arg1 : i32
      %eq3A = arith.constant 0 : i32
      %eq3A_45 = arith.cmpi eq, %arg0, %eq3A : i32
      %convert_element_type3A = arith.extui %eq3A_45 : i1 to i32
      %cond3A = arith.constant 0 : i32
      %cond3A_46 = arith.cmpi ne, %convert_element_type3A, %cond3A : i32
      scf.if %cond3A_46 {
        "tpu.region"() ({
          %run_scoped3A = tpu.sem_alloc : memref<!tpu.dma_semaphore, #tpu.memory_space<semaphore_mem>>
          %dma_start3A = arith.constant 0 : i32
          %dma_start3A_58 = arith.constant 0 : i32
          %dma_start3A_59 = tpu.memref_slice %arg2[%add3A_44, %dma_start3A, %dma_start3A_58] : memref<625x4x128xi32, #tpu.memory_space<hbm>> -> memref<1x4x128xi32, #tpu.memory_space<hbm>>
          %dma_start3A_60 = tpu.memref_squeeze %dma_start3A_59 : memref<1x4x128xi32, #tpu.memory_space<hbm>> -> memref<4x128xi32, #tpu.memory_space<hbm>>
          %dma_start3A_61 = arith.constant 0 : i32
          %dma_start3A_62 = arith.constant 0 : i32
          %dma_start3A_63 = tpu.memref_slice %arg2[%add3A_44, %dma_start3A_61, %dma_start3A_62] : memref<625x4x128xi32, #tpu.memory_space<hbm>> -> memref<1x4x128xi32, #tpu.memory_space<hbm>>
          %dma_start3A_64 = tpu.memref_squeeze %dma_start3A_63 : memref<1x4x128xi32, #tpu.memory_space<hbm>> -> memref<4x128xi32, #tpu.memory_space<hbm>>
          tpu.enqueue_dma source(%dma_start3A_64 : memref<4x128xi32, #tpu.memory_space<hbm>>) target(%arg5 : memref<4x128xi32, #tpu.memory_space<vmem>>) target_semaphore(%run_scoped3A : memref<!tpu.dma_semaphore, #tpu.memory_space<semaphore_mem>>)
          %dma_wait3A = arith.constant 0 : i32
          %dma_wait3A_65 = arith.constant 0 : i32
          %dma_wait3A_66 = tpu.memref_slice %arg2[%add3A_44, %dma_wait3A, %dma_wait3A_65] : memref<625x4x128xi32, #tpu.memory_space<hbm>> -> memref<1x4x128xi32, #tpu.memory_space<hbm>>
          %dma_wait3A_67 = tpu.memref_squeeze %dma_wait3A_66 : memref<1x4x128xi32, #tpu.memory_space<hbm>> -> memref<4x128xi32, #tpu.memory_space<hbm>>
          %dma_wait3A_68 = arith.constant 0 : i32
          %dma_wait3A_69 = arith.constant 0 : i32
          %dma_wait3A_70 = tpu.memref_slice %arg2[%add3A_44, %dma_wait3A_68, %dma_wait3A_69] : memref<625x4x128xi32, #tpu.memory_space<hbm>> -> memref<1x4x128xi32, #tpu.memory_space<hbm>>
          %dma_wait3A_71 = tpu.memref_squeeze %dma_wait3A_70 : memref<1x4x128xi32, #tpu.memory_space<hbm>> -> memref<4x128xi32, #tpu.memory_space<hbm>>
          tpu.wait_dma2 semaphore(%run_scoped3A : memref<!tpu.dma_semaphore, #tpu.memory_space<semaphore_mem>>) src(%dma_wait3A_71 : memref<4x128xi32, #tpu.memory_space<hbm>>) dst(%arg5 : memref<4x128xi32, #tpu.memory_space<vmem>>)
          tpu.yield
        }) : () -> ()
      } else {
      }
      %eq3A_47 = arith.constant 1 : i32
      %eq3A_48 = arith.cmpi eq, %arg0, %eq3A_47 : i32
      %convert_element_type3A_49 = arith.extui %eq3A_48 : i1 to i32
      %cond3A_50 = arith.constant 0 : i32
      %cond3A_51 = arith.cmpi ne, %convert_element_type3A_49, %cond3A_50 : i32
      scf.if %cond3A_51 {
        "tpu.region"() ({
          %run_scoped3A = tpu.sem_alloc : memref<!tpu.dma_semaphore, #tpu.memory_space<semaphore_mem>>
          %dma_start3A = arith.constant 0 : i32
          %dma_start3A_58 = arith.constant 0 : i32
          %dma_start3A_59 = tpu.memref_slice %arg3[%add3A_44, %dma_start3A, %dma_start3A_58] : memref<625x4x128xi32, #tpu.memory_space<hbm>> -> memref<1x4x128xi32, #tpu.memory_space<hbm>>
          %dma_start3A_60 = tpu.memref_squeeze %dma_start3A_59 : memref<1x4x128xi32, #tpu.memory_space<hbm>> -> memref<4x128xi32, #tpu.memory_space<hbm>>
          %dma_start3A_61 = arith.constant 0 : i32
          %dma_start3A_62 = arith.constant 0 : i32
          %dma_start3A_63 = tpu.memref_slice %arg3[%add3A_44, %dma_start3A_61, %dma_start3A_62] : memref<625x4x128xi32, #tpu.memory_space<hbm>> -> memref<1x4x128xi32, #tpu.memory_space<hbm>>
          %dma_start3A_64 = tpu.memref_squeeze %dma_start3A_63 : memref<1x4x128xi32, #tpu.memory_space<hbm>> -> memref<4x128xi32, #tpu.memory_space<hbm>>
          tpu.enqueue_dma source(%dma_start3A_64 : memref<4x128xi32, #tpu.memory_space<hbm>>) target(%arg5 : memref<4x128xi32, #tpu.memory_space<vmem>>) target_semaphore(%run_scoped3A : memref<!tpu.dma_semaphore, #tpu.memory_space<semaphore_mem>>)
          %dma_wait3A = arith.constant 0 : i32
          %dma_wait3A_65 = arith.constant 0 : i32
          %dma_wait3A_66 = tpu.memref_slice %arg3[%add3A_44, %dma_wait3A, %dma_wait3A_65] : memref<625x4x128xi32, #tpu.memory_space<hbm>> -> memref<1x4x128xi32, #tpu.memory_space<hbm>>
          %dma_wait3A_67 = tpu.memref_squeeze %dma_wait3A_66 : memref<1x4x128xi32, #tpu.memory_space<hbm>> -> memref<4x128xi32, #tpu.memory_space<hbm>>
          %dma_wait3A_68 = arith.constant 0 : i32
          %dma_wait3A_69 = arith.constant 0 : i32
          %dma_wait3A_70 = tpu.memref_slice %arg3[%add3A_44, %dma_wait3A_68, %dma_wait3A_69] : memref<625x4x128xi32, #tpu.memory_space<hbm>> -> memref<1x4x128xi32, #tpu.memory_space<hbm>>
          %dma_wait3A_71 = tpu.memref_squeeze %dma_wait3A_70 : memref<1x4x128xi32, #tpu.memory_space<hbm>> -> memref<4x128xi32, #tpu.memory_space<hbm>>
          tpu.wait_dma2 semaphore(%run_scoped3A : memref<!tpu.dma_semaphore, #tpu.memory_space<semaphore_mem>>) src(%dma_wait3A_71 : memref<4x128xi32, #tpu.memory_space<hbm>>) dst(%arg5 : memref<4x128xi32, #tpu.memory_space<vmem>>)
          tpu.yield
        }) : () -> ()
      } else {
      }
      %scan3A_52 = arith.constant 0 : i32
      %scan3A_53 = arith.constant 0 : i32
      %scan3A_54 = arith.constant 4 : i32
      %scan3A_55 = arith.addi %scan3A_53, %scan3A_54 : i32
      %scan3A_56 = arith.constant 1 : i32
      scf.for %scan3A_58 = %scan3A_53 to %scan3A_55 step %scan3A_56  : i32 {
        "tpu.region"() ({
          %run_scoped3A = tpu.sem_alloc : memref<!tpu.dma_semaphore, #tpu.memory_space<semaphore_mem>>
          %dma_start3A = arith.constant 0 : i32
          %dma_start3A_59 = tpu.memref_slice %arg5[%scan3A_58, %dma_start3A] : memref<4x128xi32, #tpu.memory_space<vmem>> -> memref<1x128xi32, #tpu.memory_space<vmem>>
          %dma_start3A_60 = tpu.memref_squeeze %dma_start3A_59 : memref<1x128xi32, #tpu.memory_space<vmem>> -> memref<128xi32, #tpu.memory_space<vmem>>
          %dma_start3A_61 = arith.constant 0 : i32
          %dma_start3A_62 = arith.constant 0 : i32
          %dma_start3A_63 = tpu.memref_slice %arg7[%dma_start3A_61, %dma_start3A_62] : memref<10240x128xf32, #tpu.memory_space<vmem_shared>> -> memref<10240x128xf32, #tpu.memory_space<vmem_shared>>
          tpu.enqueue_indirect_dma source(%arg6 : memref<128x128xf32, #tpu.memory_space<vmem>>) target(%dma_start3A_63 : memref<10240x128xf32, #tpu.memory_space<vmem_shared>>) offsets(%dma_start3A_60 : memref<128xi32, #tpu.memory_space<vmem>>) semaphore(%run_scoped3A : memref<!tpu.dma_semaphore, #tpu.memory_space<semaphore_mem>>) {add = true}
          %dma_wait3A = arith.constant 0 : i32
          %dma_wait3A_64 = tpu.memref_slice %arg5[%scan3A_58, %dma_wait3A] : memref<4x128xi32, #tpu.memory_space<vmem>> -> memref<1x128xi32, #tpu.memory_space<vmem>>
          %dma_wait3A_65 = tpu.memref_squeeze %dma_wait3A_64 : memref<1x128xi32, #tpu.memory_space<vmem>> -> memref<128xi32, #tpu.memory_space<vmem>>
          %dma_wait3A_66 = arith.constant 0 : i32
          %dma_wait3A_67 = arith.constant 0 : i32
          %dma_wait3A_68 = tpu.memref_slice %arg7[%dma_wait3A_66, %dma_wait3A_67] : memref<10240x128xf32, #tpu.memory_space<vmem_shared>> -> memref<10240x128xf32, #tpu.memory_space<vmem_shared>>
          tpu.wait_indirect_dma semaphore(%run_scoped3A : memref<!tpu.dma_semaphore, #tpu.memory_space<semaphore_mem>>) src(%arg6 : memref<128x128xf32, #tpu.memory_space<vmem>>) dst(%dma_wait3A_68 : memref<10240x128xf32, #tpu.memory_space<vmem_shared>>)
          tpu.yield
        }) : () -> ()
      }
      %scan3A_57 = arith.constant 4 : i32
    }
    %barrier3A_31 = arith.constant 0 : index
    tpu.barrier barrier_id(%barrier3A_31)
    %mul3A = arith.constant 10240 : i32
    %mul3A_32 = arith.muli %arg0, %mul3A : i32
    %mul3A_33 = arith.constant 640 : i32
    %mul3A_34 = arith.muli %arg1, %mul3A_33 : i32
    %add3A = arith.addi %mul3A_32, %mul3A_34 : i32
    %scan3A_35 = arith.constant 0 : i32
    %scan3A_36 = arith.constant 0 : i32
    %scan3A_37 = arith.constant 40 : i32
    %scan3A_38 = arith.addi %scan3A_36, %scan3A_37 : i32
    %scan3A_39 = arith.constant 1 : i32
    scf.for %scan3A_41 = %scan3A_36 to %scan3A_38 step %scan3A_39  : i32 {
      %mul3A_42 = arith.constant 16 : i32
      %mul3A_43 = arith.muli %scan3A_41, %mul3A_42 : i32
      %add3A_44 = arith.addi %add3A, %mul3A_43 : i32
      %mul3A_45 = arith.constant 640 : i32
      %mul3A_46 = arith.muli %arg1, %mul3A_45 : i32
      %mul3A_47 = arith.constant 16 : i32
      %mul3A_48 = arith.muli %scan3A_41, %mul3A_47 : i32
      %add3A_49 = arith.addi %mul3A_46, %mul3A_48 : i32
      %add3A_50 = vector.broadcast %add3A_49 : i32 to vector<16xi32>
      %add3A_51 = arith.addi %add3A_50, %iota3A : vector<16xi32>
      %dma_start3A = arith.constant 0 : i32
      %dma_start3A_52 = arith.constant 0 : i32
      %dma_start3A_53 = tpu.memref_slice %arg6[%dma_start3A, %dma_start3A_52] : memref<128x128xf32, #tpu.memory_space<vmem>> -> memref<16x128xf32, #tpu.memory_space<vmem>>
      %dma_start3A_54 = arith.constant 0 : i32
      %dma_start3A_55 = arith.constant 0 : i32
      %dma_start3A_56 = tpu.memref_slice %arg7[%dma_start3A_54, %dma_start3A_55] : memref<10240x128xf32, #tpu.memory_space<vmem_shared>> -> memref<10240x128xf32, #tpu.memory_space<vmem_shared>>
      tpu.enqueue_indirect_dma source(%dma_start3A_56 : memref<10240x128xf32, #tpu.memory_space<vmem_shared>>) target(%dma_start3A_53 : memref<16x128xf32, #tpu.memory_space<vmem>>) offsets(%add3A_51 : vector<16xi32>) semaphore(%arg8 : memref<!tpu.dma_semaphore, #tpu.memory_space<semaphore_mem>>)
      %dma_wait3A = arith.constant 0 : i32
      %dma_wait3A_57 = arith.constant 0 : i32
      %dma_wait3A_58 = tpu.memref_slice %arg6[%dma_wait3A, %dma_wait3A_57] : memref<128x128xf32, #tpu.memory_space<vmem>> -> memref<16x128xf32, #tpu.memory_space<vmem>>
      %dma_wait3A_59 = arith.constant 0 : i32
      %dma_wait3A_60 = arith.constant 0 : i32
      %dma_wait3A_61 = tpu.memref_slice %arg7[%dma_wait3A_59, %dma_wait3A_60] : memref<10240x128xf32, #tpu.memory_space<vmem_shared>> -> memref<10240x128xf32, #tpu.memory_space<vmem_shared>>
      tpu.wait_indirect_dma semaphore(%arg8 : memref<!tpu.dma_semaphore, #tpu.memory_space<semaphore_mem>>) src(%dma_wait3A_61 : memref<10240x128xf32, #tpu.memory_space<vmem_shared>>) dst(%dma_wait3A_58 : memref<16x128xf32, #tpu.memory_space<vmem>>)
      "tpu.region"() ({
        %run_scoped3A = tpu.sem_alloc : memref<!tpu.dma_semaphore, #tpu.memory_space<semaphore_mem>>
        %dma_start3A_62 = arith.constant 0 : i32
        %dma_start3A_63 = arith.constant 0 : i32
        %dma_start3A_64 = tpu.memref_slice %arg6[%dma_start3A_62, %dma_start3A_63] : memref<128x128xf32, #tpu.memory_space<vmem>> -> memref<16x128xf32, #tpu.memory_space<vmem>>
        %dma_start3A_65 = arith.constant 0 : i32
        %dma_start3A_66 = tpu.memref_slice %arg4[%add3A_44, %dma_start3A_65] : memref<20480x128xf32, #tpu.memory_space<hbm>> -> memref<16x128xf32, #tpu.memory_space<hbm>>
        %dma_start3A_67 = arith.constant 0 : i32
        %dma_start3A_68 = tpu.memref_slice %arg4[%add3A_44, %dma_start3A_67] : memref<20480x128xf32, #tpu.memory_space<hbm>> -> memref<16x128xf32, #tpu.memory_space<hbm>>
        %dma_start3A_69 = arith.constant 0 : i32
        %dma_start3A_70 = arith.constant 0 : i32
        %dma_start3A_71 = tpu.memref_slice %arg6[%dma_start3A_69, %dma_start3A_70] : memref<128x128xf32, #tpu.memory_space<vmem>> -> memref<16x128xf32, #tpu.memory_space<vmem>>
        tpu.enqueue_dma source(%dma_start3A_71 : memref<16x128xf32, #tpu.memory_space<vmem>>) target(%dma_start3A_68 : memref<16x128xf32, #tpu.memory_space<hbm>>) target_semaphore(%run_scoped3A : memref<!tpu.dma_semaphore, #tpu.memory_space<semaphore_mem>>)
        %dma_wait3A_72 = arith.constant 0 : i32
        %dma_wait3A_73 = arith.constant 0 : i32
        %dma_wait3A_74 = tpu.memref_slice %arg6[%dma_wait3A_72, %dma_wait3A_73] : memref<128x128xf32, #tpu.memory_space<vmem>> -> memref<16x128xf32, #tpu.memory_space<vmem>>
        %dma_wait3A_75 = arith.constant 0 : i32
        %dma_wait3A_76 = tpu.memref_slice %arg4[%add3A_44, %dma_wait3A_75] : memref<20480x128xf32, #tpu.memory_space<hbm>> -> memref<16x128xf32, #tpu.memory_space<hbm>>
        %dma_wait3A_77 = arith.constant 0 : i32
        %dma_wait3A_78 = tpu.memref_slice %arg4[%add3A_44, %dma_wait3A_77] : memref<20480x128xf32, #tpu.memory_space<hbm>> -> memref<16x128xf32, #tpu.memory_space<hbm>>
        %dma_wait3A_79 = arith.constant 0 : i32
        %dma_wait3A_80 = arith.constant 0 : i32
        %dma_wait3A_81 = tpu.memref_slice %arg6[%dma_wait3A_79, %dma_wait3A_80] : memref<128x128xf32, #tpu.memory_space<vmem>> -> memref<16x128xf32, #tpu.memory_space<vmem>>
        tpu.wait_dma2 semaphore(%run_scoped3A : memref<!tpu.dma_semaphore, #tpu.memory_space<semaphore_mem>>) src(%dma_wait3A_81 : memref<16x128xf32, #tpu.memory_space<vmem>>) dst(%dma_wait3A_78 : memref<16x128xf32, #tpu.memory_space<hbm>>)
        tpu.yield
      }) : () -> ()
    }
    %scan3A_40 = arith.constant 40 : i32
    return
  }
}

#map = affine_map<(d0, d1) -> (0, 0)>
#map1 = affine_map<(d0, d1) -> (0, 0, 0)>
module attributes {stable_mosaic.version = 14 : i64} {
  func.func @_sc_aggregate_kernel(%arg0: i32, %arg1: i32, %arg2: memref<10000x128xf32, #tpu.memory_space<hbm>>, %arg3: memref<10000x128xf32, #tpu.memory_space<hbm>>, %arg4: memref<625x4x128xi32, #tpu.memory_space<hbm>>, %arg5: memref<625x4x128xi32, #tpu.memory_space<hbm>>, %arg6: memref<625x4x128xi32, #tpu.memory_space<hbm>>, %arg7: memref<625x4x128xi32, #tpu.memory_space<hbm>>, %arg8: memref<20480x128xf32, #tpu.memory_space<hbm>>, %arg9: memref<4x128xi32, #tpu.memory_space<vmem>>, %arg10: memref<4x128xi32, #tpu.memory_space<vmem>>, %arg11: memref<128x128xf32, #tpu.memory_space<vmem>>, %arg12: memref<10240x128xf32, #tpu.memory_space<vmem_shared>>, %arg13: memref<!tpu.dma_semaphore, #tpu.memory_space<semaphore_mem>>) attributes {dimension_semantics = [#tpu.dimension_semantics<core_parallel>, #tpu.dimension_semantics<subcore_parallel>], iteration_bounds = array<i64: 2, 16>, scalar_prefetch = 0 : i64, scratch_operands = 5 : i64, tpu.core_type = #tpu.core_type<sc_vector_subcore>, window_params = [{transform_indices = #map}, {transform_indices = #map}, {transform_indices = #map1}, {transform_indices = #map1}, {transform_indices = #map1}, {transform_indices = #map1}, {transform_indices = #map}]} {
    %iota3A = tpu.iota {dimensions = array<i32: 0>} : vector<16xi32>
    %broadcast_in_dim3A = arith.constant 0.000000e+00 : f32
    %broadcast_in_dim3A_0 = vector.broadcast %broadcast_in_dim3A : f32 to vector<16xf32>
    %swap3A = arith.constant 0 : i32
    %swap3A_1 = arith.index_cast %swap3A : i32 to index
    %swap3A_2 = arith.constant 0 : index
    %swap3A_3 = tpu.vector_load %arg11[%swap3A_1, %swap3A_2] {strides = array<i32>} : memref<128x128xf32, #tpu.memory_space<vmem>>, vector<1x16xf32>,
    %swap3A_4 = vector.shape_cast %swap3A_3 : vector<1x16xf32> to vector<16xf32>
    %swap3A_5 = vector.shape_cast %broadcast_in_dim3A_0 : vector<16xf32> to vector<1x16xf32>
    tpu.vector_store %arg11[%swap3A_1, %swap3A_2], %swap3A_5 {strides = array<i32>} : memref<128x128xf32, #tpu.memory_space<vmem>>, vector<1x16xf32>,
    %swap3A_6 = arith.constant 0 : i32
    %swap3A_7 = arith.index_cast %swap3A_6 : i32 to index
    %swap3A_8 = arith.constant 16 : index
    %swap3A_9 = tpu.vector_load %arg11[%swap3A_7, %swap3A_8] {strides = array<i32>} : memref<128x128xf32, #tpu.memory_space<vmem>>, vector<1x16xf32>,
    %swap3A_10 = vector.shape_cast %swap3A_9 : vector<1x16xf32> to vector<16xf32>
    %swap3A_11 = vector.shape_cast %broadcast_in_dim3A_0 : vector<16xf32> to vector<1x16xf32>
    tpu.vector_store %arg11[%swap3A_7, %swap3A_8], %swap3A_11 {strides = array<i32>} : memref<128x128xf32, #tpu.memory_space<vmem>>, vector<1x16xf32>,
    %swap3A_12 = arith.constant 0 : i32
    %swap3A_13 = arith.index_cast %swap3A_12 : i32 to index
    %swap3A_14 = arith.constant 32 : index
    %swap3A_15 = tpu.vector_load %arg11[%swap3A_13, %swap3A_14] {strides = array<i32>} : memref<128x128xf32, #tpu.memory_space<vmem>>, vector<1x16xf32>,
    %swap3A_16 = vector.shape_cast %swap3A_15 : vector<1x16xf32> to vector<16xf32>
    %swap3A_17 = vector.shape_cast %broadcast_in_dim3A_0 : vector<16xf32> to vector<1x16xf32>
    tpu.vector_store %arg11[%swap3A_13, %swap3A_14], %swap3A_17 {strides = array<i32>} : memref<128x128xf32, #tpu.memory_space<vmem>>, vector<1x16xf32>,
    %swap3A_18 = arith.constant 0 : i32
    %swap3A_19 = arith.index_cast %swap3A_18 : i32 to index
    %swap3A_20 = arith.constant 48 : index
    %swap3A_21 = tpu.vector_load %arg11[%swap3A_19, %swap3A_20] {strides = array<i32>} : memref<128x128xf32, #tpu.memory_space<vmem>>, vector<1x16xf32>,
    %swap3A_22 = vector.shape_cast %swap3A_21 : vector<1x16xf32> to vector<16xf32>
    %swap3A_23 = vector.shape_cast %broadcast_in_dim3A_0 : vector<16xf32> to vector<1x16xf32>
    tpu.vector_store %arg11[%swap3A_19, %swap3A_20], %swap3A_23 {strides = array<i32>} : memref<128x128xf32, #tpu.memory_space<vmem>>, vector<1x16xf32>,
    %swap3A_24 = arith.constant 0 : i32
    %swap3A_25 = arith.index_cast %swap3A_24 : i32 to index
    %swap3A_26 = arith.constant 64 : index
    %swap3A_27 = tpu.vector_load %arg11[%swap3A_25, %swap3A_26] {strides = array<i32>} : memref<128x128xf32, #tpu.memory_space<vmem>>, vector<1x16xf32>,
    %swap3A_28 = vector.shape_cast %swap3A_27 : vector<1x16xf32> to vector<16xf32>
    %swap3A_29 = vector.shape_cast %broadcast_in_dim3A_0 : vector<16xf32> to vector<1x16xf32>
    tpu.vector_store %arg11[%swap3A_25, %swap3A_26], %swap3A_29 {strides = array<i32>} : memref<128x128xf32, #tpu.memory_space<vmem>>, vector<1x16xf32>,
    %swap3A_30 = arith.constant 0 : i32
    %swap3A_31 = arith.index_cast %swap3A_30 : i32 to index
    %swap3A_32 = arith.constant 80 : index
    %swap3A_33 = tpu.vector_load %arg11[%swap3A_31, %swap3A_32] {strides = array<i32>} : memref<128x128xf32, #tpu.memory_space<vmem>>, vector<1x16xf32>,
    %swap3A_34 = vector.shape_cast %swap3A_33 : vector<1x16xf32> to vector<16xf32>
    %swap3A_35 = vector.shape_cast %broadcast_in_dim3A_0 : vector<16xf32> to vector<1x16xf32>
    tpu.vector_store %arg11[%swap3A_31, %swap3A_32], %swap3A_35 {strides = array<i32>} : memref<128x128xf32, #tpu.memory_space<vmem>>, vector<1x16xf32>,
    %swap3A_36 = arith.constant 0 : i32
    %swap3A_37 = arith.index_cast %swap3A_36 : i32 to index
    %swap3A_38 = arith.constant 96 : index
    %swap3A_39 = tpu.vector_load %arg11[%swap3A_37, %swap3A_38] {strides = array<i32>} : memref<128x128xf32, #tpu.memory_space<vmem>>, vector<1x16xf32>,
    %swap3A_40 = vector.shape_cast %swap3A_39 : vector<1x16xf32> to vector<16xf32>
    %swap3A_41 = vector.shape_cast %broadcast_in_dim3A_0 : vector<16xf32> to vector<1x16xf32>
    tpu.vector_store %arg11[%swap3A_37, %swap3A_38], %swap3A_41 {strides = array<i32>} : memref<128x128xf32, #tpu.memory_space<vmem>>, vector<1x16xf32>,
    %swap3A_42 = arith.constant 0 : i32
    %swap3A_43 = arith.index_cast %swap3A_42 : i32 to index
    %swap3A_44 = arith.constant 112 : index
    %swap3A_45 = tpu.vector_load %arg11[%swap3A_43, %swap3A_44] {strides = array<i32>} : memref<128x128xf32, #tpu.memory_space<vmem>>, vector<1x16xf32>,
    %swap3A_46 = vector.shape_cast %swap3A_45 : vector<1x16xf32> to vector<16xf32>
    %swap3A_47 = vector.shape_cast %broadcast_in_dim3A_0 : vector<16xf32> to vector<1x16xf32>
    tpu.vector_store %arg11[%swap3A_43, %swap3A_44], %swap3A_47 {strides = array<i32>} : memref<128x128xf32, #tpu.memory_space<vmem>>, vector<1x16xf32>,
    %swap3A_48 = arith.constant 1 : i32
    %swap3A_49 = arith.index_cast %swap3A_48 : i32 to index
    %swap3A_50 = arith.constant 0 : index
    %swap3A_51 = tpu.vector_load %arg11[%swap3A_49, %swap3A_50] {strides = array<i32>} : memref<128x128xf32, #tpu.memory_space<vmem>>, vector<1x16xf32>,
    %swap3A_52 = vector.shape_cast %swap3A_51 : vector<1x16xf32> to vector<16xf32>
    %swap3A_53 = vector.shape_cast %broadcast_in_dim3A_0 : vector<16xf32> to vector<1x16xf32>
    tpu.vector_store %arg11[%swap3A_49, %swap3A_50], %swap3A_53 {strides = array<i32>} : memref<128x128xf32, #tpu.memory_space<vmem>>, vector<1x16xf32>,
    %swap3A_54 = arith.constant 1 : i32
    %swap3A_55 = arith.index_cast %swap3A_54 : i32 to index
    %swap3A_56 = arith.constant 16 : index
    %swap3A_57 = tpu.vector_load %arg11[%swap3A_55, %swap3A_56] {strides = array<i32>} : memref<128x128xf32, #tpu.memory_space<vmem>>, vector<1x16xf32>,
    %swap3A_58 = vector.shape_cast %swap3A_57 : vector<1x16xf32> to vector<16xf32>
    %swap3A_59 = vector.shape_cast %broadcast_in_dim3A_0 : vector<16xf32> to vector<1x16xf32>
    tpu.vector_store %arg11[%swap3A_55, %swap3A_56], %swap3A_59 {strides = array<i32>} : memref<128x128xf32, #tpu.memory_space<vmem>>, vector<1x16xf32>,
    %swap3A_60 = arith.constant 1 : i32
    %swap3A_61 = arith.index_cast %swap3A_60 : i32 to index
    %swap3A_62 = arith.constant 32 : index
    %swap3A_63 = tpu.vector_load %arg11[%swap3A_61, %swap3A_62] {strides = array<i32>} : memref<128x128xf32, #tpu.memory_space<vmem>>, vector<1x16xf32>,
    %swap3A_64 = vector.shape_cast %swap3A_63 : vector<1x16xf32> to vector<16xf32>
    %swap3A_65 = vector.shape_cast %broadcast_in_dim3A_0 : vector<16xf32> to vector<1x16xf32>
    tpu.vector_store %arg11[%swap3A_61, %swap3A_62], %swap3A_65 {strides = array<i32>} : memref<128x128xf32, #tpu.memory_space<vmem>>, vector<1x16xf32>,
    %swap3A_66 = arith.constant 1 : i32
    %swap3A_67 = arith.index_cast %swap3A_66 : i32 to index
    %swap3A_68 = arith.constant 48 : index
    %swap3A_69 = tpu.vector_load %arg11[%swap3A_67, %swap3A_68] {strides = array<i32>} : memref<128x128xf32, #tpu.memory_space<vmem>>, vector<1x16xf32>,
    %swap3A_70 = vector.shape_cast %swap3A_69 : vector<1x16xf32> to vector<16xf32>
    %swap3A_71 = vector.shape_cast %broadcast_in_dim3A_0 : vector<16xf32> to vector<1x16xf32>
    tpu.vector_store %arg11[%swap3A_67, %swap3A_68], %swap3A_71 {strides = array<i32>} : memref<128x128xf32, #tpu.memory_space<vmem>>, vector<1x16xf32>,
    %swap3A_72 = arith.constant 1 : i32
    %swap3A_73 = arith.index_cast %swap3A_72 : i32 to index
    %swap3A_74 = arith.constant 64 : index
    %swap3A_75 = tpu.vector_load %arg11[%swap3A_73, %swap3A_74] {strides = array<i32>} : memref<128x128xf32, #tpu.memory_space<vmem>>, vector<1x16xf32>,
    %swap3A_76 = vector.shape_cast %swap3A_75 : vector<1x16xf32> to vector<16xf32>
    %swap3A_77 = vector.shape_cast %broadcast_in_dim3A_0 : vector<16xf32> to vector<1x16xf32>
    tpu.vector_store %arg11[%swap3A_73, %swap3A_74], %swap3A_77 {strides = array<i32>} : memref<128x128xf32, #tpu.memory_space<vmem>>, vector<1x16xf32>,
    %swap3A_78 = arith.constant 1 : i32
    %swap3A_79 = arith.index_cast %swap3A_78 : i32 to index
    %swap3A_80 = arith.constant 80 : index
    %swap3A_81 = tpu.vector_load %arg11[%swap3A_79, %swap3A_80] {strides = array<i32>} : memref<128x128xf32, #tpu.memory_space<vmem>>, vector<1x16xf32>,
    %swap3A_82 = vector.shape_cast %swap3A_81 : vector<1x16xf32> to vector<16xf32>
    %swap3A_83 = vector.shape_cast %broadcast_in_dim3A_0 : vector<16xf32> to vector<1x16xf32>
    tpu.vector_store %arg11[%swap3A_79, %swap3A_80], %swap3A_83 {strides = array<i32>} : memref<128x128xf32, #tpu.memory_space<vmem>>, vector<1x16xf32>,
    %swap3A_84 = arith.constant 1 : i32
    %swap3A_85 = arith.index_cast %swap3A_84 : i32 to index
    %swap3A_86 = arith.constant 96 : index
    %swap3A_87 = tpu.vector_load %arg11[%swap3A_85, %swap3A_86] {strides = array<i32>} : memref<128x128xf32, #tpu.memory_space<vmem>>, vector<1x16xf32>,
    %swap3A_88 = vector.shape_cast %swap3A_87 : vector<1x16xf32> to vector<16xf32>
    %swap3A_89 = vector.shape_cast %broadcast_in_dim3A_0 : vector<16xf32> to vector<1x16xf32>
    tpu.vector_store %arg11[%swap3A_85, %swap3A_86], %swap3A_89 {strides = array<i32>} : memref<128x128xf32, #tpu.memory_space<vmem>>, vector<1x16xf32>,
    %swap3A_90 = arith.constant 1 : i32
    %swap3A_91 = arith.index_cast %swap3A_90 : i32 to index
    %swap3A_92 = arith.constant 112 : index
    %swap3A_93 = tpu.vector_load %arg11[%swap3A_91, %swap3A_92] {strides = array<i32>} : memref<128x128xf32, #tpu.memory_space<vmem>>, vector<1x16xf32>,
    %swap3A_94 = vector.shape_cast %swap3A_93 : vector<1x16xf32> to vector<16xf32>
    %swap3A_95 = vector.shape_cast %broadcast_in_dim3A_0 : vector<16xf32> to vector<1x16xf32>
    tpu.vector_store %arg11[%swap3A_91, %swap3A_92], %swap3A_95 {strides = array<i32>} : memref<128x128xf32, #tpu.memory_space<vmem>>, vector<1x16xf32>,
    %swap3A_96 = arith.constant 2 : i32
    %swap3A_97 = arith.index_cast %swap3A_96 : i32 to index
    %swap3A_98 = arith.constant 0 : index
    %swap3A_99 = tpu.vector_load %arg11[%swap3A_97, %swap3A_98] {strides = array<i32>} : memref<128x128xf32, #tpu.memory_space<vmem>>, vector<1x16xf32>,
    %swap3A_100 = vector.shape_cast %swap3A_99 : vector<1x16xf32> to vector<16xf32>
    %swap3A_101 = vector.shape_cast %broadcast_in_dim3A_0 : vector<16xf32> to vector<1x16xf32>
    tpu.vector_store %arg11[%swap3A_97, %swap3A_98], %swap3A_101 {strides = array<i32>} : memref<128x128xf32, #tpu.memory_space<vmem>>, vector<1x16xf32>,
    %swap3A_102 = arith.constant 2 : i32
    %swap3A_103 = arith.index_cast %swap3A_102 : i32 to index
    %swap3A_104 = arith.constant 16 : index
    %swap3A_105 = tpu.vector_load %arg11[%swap3A_103, %swap3A_104] {strides = array<i32>} : memref<128x128xf32, #tpu.memory_space<vmem>>, vector<1x16xf32>,
    %swap3A_106 = vector.shape_cast %swap3A_105 : vector<1x16xf32> to vector<16xf32>
    %swap3A_107 = vector.shape_cast %broadcast_in_dim3A_0 : vector<16xf32> to vector<1x16xf32>
    tpu.vector_store %arg11[%swap3A_103, %swap3A_104], %swap3A_107 {strides = array<i32>} : memref<128x128xf32, #tpu.memory_space<vmem>>, vector<1x16xf32>,
    %swap3A_108 = arith.constant 2 : i32
    %swap3A_109 = arith.index_cast %swap3A_108 : i32 to index
    %swap3A_110 = arith.constant 32 : index
    %swap3A_111 = tpu.vector_load %arg11[%swap3A_109, %swap3A_110] {strides = array<i32>} : memref<128x128xf32, #tpu.memory_space<vmem>>, vector<1x16xf32>,
    %swap3A_112 = vector.shape_cast %swap3A_111 : vector<1x16xf32> to vector<16xf32>
    %swap3A_113 = vector.shape_cast %broadcast_in_dim3A_0 : vector<16xf32> to vector<1x16xf32>
    tpu.vector_store %arg11[%swap3A_109, %swap3A_110], %swap3A_113 {strides = array<i32>} : memref<128x128xf32, #tpu.memory_space<vmem>>, vector<1x16xf32>,
    %swap3A_114 = arith.constant 2 : i32
    %swap3A_115 = arith.index_cast %swap3A_114 : i32 to index
    %swap3A_116 = arith.constant 48 : index
    %swap3A_117 = tpu.vector_load %arg11[%swap3A_115, %swap3A_116] {strides = array<i32>} : memref<128x128xf32, #tpu.memory_space<vmem>>, vector<1x16xf32>,
    %swap3A_118 = vector.shape_cast %swap3A_117 : vector<1x16xf32> to vector<16xf32>
    %swap3A_119 = vector.shape_cast %broadcast_in_dim3A_0 : vector<16xf32> to vector<1x16xf32>
    tpu.vector_store %arg11[%swap3A_115, %swap3A_116], %swap3A_119 {strides = array<i32>} : memref<128x128xf32, #tpu.memory_space<vmem>>, vector<1x16xf32>,
    %swap3A_120 = arith.constant 2 : i32
    %swap3A_121 = arith.index_cast %swap3A_120 : i32 to index
    %swap3A_122 = arith.constant 64 : index
    %swap3A_123 = tpu.vector_load %arg11[%swap3A_121, %swap3A_122] {strides = array<i32>} : memref<128x128xf32, #tpu.memory_space<vmem>>, vector<1x16xf32>,
    %swap3A_124 = vector.shape_cast %swap3A_123 : vector<1x16xf32> to vector<16xf32>
    %swap3A_125 = vector.shape_cast %broadcast_in_dim3A_0 : vector<16xf32> to vector<1x16xf32>
    tpu.vector_store %arg11[%swap3A_121, %swap3A_122], %swap3A_125 {strides = array<i32>} : memref<128x128xf32, #tpu.memory_space<vmem>>, vector<1x16xf32>,
    %swap3A_126 = arith.constant 2 : i32
    %swap3A_127 = arith.index_cast %swap3A_126 : i32 to index
    %swap3A_128 = arith.constant 80 : index
    %swap3A_129 = tpu.vector_load %arg11[%swap3A_127, %swap3A_128] {strides = array<i32>} : memref<128x128xf32, #tpu.memory_space<vmem>>, vector<1x16xf32>,
    %swap3A_130 = vector.shape_cast %swap3A_129 : vector<1x16xf32> to vector<16xf32>
    %swap3A_131 = vector.shape_cast %broadcast_in_dim3A_0 : vector<16xf32> to vector<1x16xf32>
    tpu.vector_store %arg11[%swap3A_127, %swap3A_128], %swap3A_131 {strides = array<i32>} : memref<128x128xf32, #tpu.memory_space<vmem>>, vector<1x16xf32>,
    %swap3A_132 = arith.constant 2 : i32
    %swap3A_133 = arith.index_cast %swap3A_132 : i32 to index
    %swap3A_134 = arith.constant 96 : index
    %swap3A_135 = tpu.vector_load %arg11[%swap3A_133, %swap3A_134] {strides = array<i32>} : memref<128x128xf32, #tpu.memory_space<vmem>>, vector<1x16xf32>,
    %swap3A_136 = vector.shape_cast %swap3A_135 : vector<1x16xf32> to vector<16xf32>
    %swap3A_137 = vector.shape_cast %broadcast_in_dim3A_0 : vector<16xf32> to vector<1x16xf32>
    tpu.vector_store %arg11[%swap3A_133, %swap3A_134], %swap3A_137 {strides = array<i32>} : memref<128x128xf32, #tpu.memory_space<vmem>>, vector<1x16xf32>,
    %swap3A_138 = arith.constant 2 : i32
    %swap3A_139 = arith.index_cast %swap3A_138 : i32 to index
    %swap3A_140 = arith.constant 112 : index
    %swap3A_141 = tpu.vector_load %arg11[%swap3A_139, %swap3A_140] {strides = array<i32>} : memref<128x128xf32, #tpu.memory_space<vmem>>, vector<1x16xf32>,
    %swap3A_142 = vector.shape_cast %swap3A_141 : vector<1x16xf32> to vector<16xf32>
    %swap3A_143 = vector.shape_cast %broadcast_in_dim3A_0 : vector<16xf32> to vector<1x16xf32>
    tpu.vector_store %arg11[%swap3A_139, %swap3A_140], %swap3A_143 {strides = array<i32>} : memref<128x128xf32, #tpu.memory_space<vmem>>, vector<1x16xf32>,
    %swap3A_144 = arith.constant 3 : i32
    %swap3A_145 = arith.index_cast %swap3A_144 : i32 to index
    %swap3A_146 = arith.constant 0 : index
    %swap3A_147 = tpu.vector_load %arg11[%swap3A_145, %swap3A_146] {strides = array<i32>} : memref<128x128xf32, #tpu.memory_space<vmem>>, vector<1x16xf32>,
    %swap3A_148 = vector.shape_cast %swap3A_147 : vector<1x16xf32> to vector<16xf32>
    %swap3A_149 = vector.shape_cast %broadcast_in_dim3A_0 : vector<16xf32> to vector<1x16xf32>
    tpu.vector_store %arg11[%swap3A_145, %swap3A_146], %swap3A_149 {strides = array<i32>} : memref<128x128xf32, #tpu.memory_space<vmem>>, vector<1x16xf32>,
    %swap3A_150 = arith.constant 3 : i32
    %swap3A_151 = arith.index_cast %swap3A_150 : i32 to index
    %swap3A_152 = arith.constant 16 : index
    %swap3A_153 = tpu.vector_load %arg11[%swap3A_151, %swap3A_152] {strides = array<i32>} : memref<128x128xf32, #tpu.memory_space<vmem>>, vector<1x16xf32>,
    %swap3A_154 = vector.shape_cast %swap3A_153 : vector<1x16xf32> to vector<16xf32>
    %swap3A_155 = vector.shape_cast %broadcast_in_dim3A_0 : vector<16xf32> to vector<1x16xf32>
    tpu.vector_store %arg11[%swap3A_151, %swap3A_152], %swap3A_155 {strides = array<i32>} : memref<128x128xf32, #tpu.memory_space<vmem>>, vector<1x16xf32>,
    %swap3A_156 = arith.constant 3 : i32
    %swap3A_157 = arith.index_cast %swap3A_156 : i32 to index
    %swap3A_158 = arith.constant 32 : index
    %swap3A_159 = tpu.vector_load %arg11[%swap3A_157, %swap3A_158] {strides = array<i32>} : memref<128x128xf32, #tpu.memory_space<vmem>>, vector<1x16xf32>,
    %swap3A_160 = vector.shape_cast %swap3A_159 : vector<1x16xf32> to vector<16xf32>
    %swap3A_161 = vector.shape_cast %broadcast_in_dim3A_0 : vector<16xf32> to vector<1x16xf32>
    tpu.vector_store %arg11[%swap3A_157, %swap3A_158], %swap3A_161 {strides = array<i32>} : memref<128x128xf32, #tpu.memory_space<vmem>>, vector<1x16xf32>,
    %swap3A_162 = arith.constant 3 : i32
    %swap3A_163 = arith.index_cast %swap3A_162 : i32 to index
    %swap3A_164 = arith.constant 48 : index
    %swap3A_165 = tpu.vector_load %arg11[%swap3A_163, %swap3A_164] {strides = array<i32>} : memref<128x128xf32, #tpu.memory_space<vmem>>, vector<1x16xf32>,
    %swap3A_166 = vector.shape_cast %swap3A_165 : vector<1x16xf32> to vector<16xf32>
    %swap3A_167 = vector.shape_cast %broadcast_in_dim3A_0 : vector<16xf32> to vector<1x16xf32>
    tpu.vector_store %arg11[%swap3A_163, %swap3A_164], %swap3A_167 {strides = array<i32>} : memref<128x128xf32, #tpu.memory_space<vmem>>, vector<1x16xf32>,
    %swap3A_168 = arith.constant 3 : i32
    %swap3A_169 = arith.index_cast %swap3A_168 : i32 to index
    %swap3A_170 = arith.constant 64 : index
    %swap3A_171 = tpu.vector_load %arg11[%swap3A_169, %swap3A_170] {strides = array<i32>} : memref<128x128xf32, #tpu.memory_space<vmem>>, vector<1x16xf32>,
    %swap3A_172 = vector.shape_cast %swap3A_171 : vector<1x16xf32> to vector<16xf32>
    %swap3A_173 = vector.shape_cast %broadcast_in_dim3A_0 : vector<16xf32> to vector<1x16xf32>
    tpu.vector_store %arg11[%swap3A_169, %swap3A_170], %swap3A_173 {strides = array<i32>} : memref<128x128xf32, #tpu.memory_space<vmem>>, vector<1x16xf32>,
    %swap3A_174 = arith.constant 3 : i32
    %swap3A_175 = arith.index_cast %swap3A_174 : i32 to index
    %swap3A_176 = arith.constant 80 : index
    %swap3A_177 = tpu.vector_load %arg11[%swap3A_175, %swap3A_176] {strides = array<i32>} : memref<128x128xf32, #tpu.memory_space<vmem>>, vector<1x16xf32>,
    %swap3A_178 = vector.shape_cast %swap3A_177 : vector<1x16xf32> to vector<16xf32>
    %swap3A_179 = vector.shape_cast %broadcast_in_dim3A_0 : vector<16xf32> to vector<1x16xf32>
    tpu.vector_store %arg11[%swap3A_175, %swap3A_176], %swap3A_179 {strides = array<i32>} : memref<128x128xf32, #tpu.memory_space<vmem>>, vector<1x16xf32>,
    %swap3A_180 = arith.constant 3 : i32
    %swap3A_181 = arith.index_cast %swap3A_180 : i32 to index
    %swap3A_182 = arith.constant 96 : index
    %swap3A_183 = tpu.vector_load %arg11[%swap3A_181, %swap3A_182] {strides = array<i32>} : memref<128x128xf32, #tpu.memory_space<vmem>>, vector<1x16xf32>,
    %swap3A_184 = vector.shape_cast %swap3A_183 : vector<1x16xf32> to vector<16xf32>
    %swap3A_185 = vector.shape_cast %broadcast_in_dim3A_0 : vector<16xf32> to vector<1x16xf32>
    tpu.vector_store %arg11[%swap3A_181, %swap3A_182], %swap3A_185 {strides = array<i32>} : memref<128x128xf32, #tpu.memory_space<vmem>>, vector<1x16xf32>,
    %swap3A_186 = arith.constant 3 : i32
    %swap3A_187 = arith.index_cast %swap3A_186 : i32 to index
    %swap3A_188 = arith.constant 112 : index
    %swap3A_189 = tpu.vector_load %arg11[%swap3A_187, %swap3A_188] {strides = array<i32>} : memref<128x128xf32, #tpu.memory_space<vmem>>, vector<1x16xf32>,
    %swap3A_190 = vector.shape_cast %swap3A_189 : vector<1x16xf32> to vector<16xf32>
    %swap3A_191 = vector.shape_cast %broadcast_in_dim3A_0 : vector<16xf32> to vector<1x16xf32>
    tpu.vector_store %arg11[%swap3A_187, %swap3A_188], %swap3A_191 {strides = array<i32>} : memref<128x128xf32, #tpu.memory_space<vmem>>, vector<1x16xf32>,
    %swap3A_192 = arith.constant 4 : i32
    %swap3A_193 = arith.index_cast %swap3A_192 : i32 to index
    %swap3A_194 = arith.constant 0 : index
    %swap3A_195 = tpu.vector_load %arg11[%swap3A_193, %swap3A_194] {strides = array<i32>} : memref<128x128xf32, #tpu.memory_space<vmem>>, vector<1x16xf32>,
    %swap3A_196 = vector.shape_cast %swap3A_195 : vector<1x16xf32> to vector<16xf32>
    %swap3A_197 = vector.shape_cast %broadcast_in_dim3A_0 : vector<16xf32> to vector<1x16xf32>
    tpu.vector_store %arg11[%swap3A_193, %swap3A_194], %swap3A_197 {strides = array<i32>} : memref<128x128xf32, #tpu.memory_space<vmem>>, vector<1x16xf32>,
    %swap3A_198 = arith.constant 4 : i32
    %swap3A_199 = arith.index_cast %swap3A_198 : i32 to index
    %swap3A_200 = arith.constant 16 : index
    %swap3A_201 = tpu.vector_load %arg11[%swap3A_199, %swap3A_200] {strides = array<i32>} : memref<128x128xf32, #tpu.memory_space<vmem>>, vector<1x16xf32>,
    %swap3A_202 = vector.shape_cast %swap3A_201 : vector<1x16xf32> to vector<16xf32>
    %swap3A_203 = vector.shape_cast %broadcast_in_dim3A_0 : vector<16xf32> to vector<1x16xf32>
    tpu.vector_store %arg11[%swap3A_199, %swap3A_200], %swap3A_203 {strides = array<i32>} : memref<128x128xf32, #tpu.memory_space<vmem>>, vector<1x16xf32>,
    %swap3A_204 = arith.constant 4 : i32
    %swap3A_205 = arith.index_cast %swap3A_204 : i32 to index
    %swap3A_206 = arith.constant 32 : index
    %swap3A_207 = tpu.vector_load %arg11[%swap3A_205, %swap3A_206] {strides = array<i32>} : memref<128x128xf32, #tpu.memory_space<vmem>>, vector<1x16xf32>,
    %swap3A_208 = vector.shape_cast %swap3A_207 : vector<1x16xf32> to vector<16xf32>
    %swap3A_209 = vector.shape_cast %broadcast_in_dim3A_0 : vector<16xf32> to vector<1x16xf32>
    tpu.vector_store %arg11[%swap3A_205, %swap3A_206], %swap3A_209 {strides = array<i32>} : memref<128x128xf32, #tpu.memory_space<vmem>>, vector<1x16xf32>,
    %swap3A_210 = arith.constant 4 : i32
    %swap3A_211 = arith.index_cast %swap3A_210 : i32 to index
    %swap3A_212 = arith.constant 48 : index
    %swap3A_213 = tpu.vector_load %arg11[%swap3A_211, %swap3A_212] {strides = array<i32>} : memref<128x128xf32, #tpu.memory_space<vmem>>, vector<1x16xf32>,
    %swap3A_214 = vector.shape_cast %swap3A_213 : vector<1x16xf32> to vector<16xf32>
    %swap3A_215 = vector.shape_cast %broadcast_in_dim3A_0 : vector<16xf32> to vector<1x16xf32>
    tpu.vector_store %arg11[%swap3A_211, %swap3A_212], %swap3A_215 {strides = array<i32>} : memref<128x128xf32, #tpu.memory_space<vmem>>, vector<1x16xf32>,
    %swap3A_216 = arith.constant 4 : i32
    %swap3A_217 = arith.index_cast %swap3A_216 : i32 to index
    %swap3A_218 = arith.constant 64 : index
    %swap3A_219 = tpu.vector_load %arg11[%swap3A_217, %swap3A_218] {strides = array<i32>} : memref<128x128xf32, #tpu.memory_space<vmem>>, vector<1x16xf32>,
    %swap3A_220 = vector.shape_cast %swap3A_219 : vector<1x16xf32> to vector<16xf32>
    %swap3A_221 = vector.shape_cast %broadcast_in_dim3A_0 : vector<16xf32> to vector<1x16xf32>
    tpu.vector_store %arg11[%swap3A_217, %swap3A_218], %swap3A_221 {strides = array<i32>} : memref<128x128xf32, #tpu.memory_space<vmem>>, vector<1x16xf32>,
    %swap3A_222 = arith.constant 4 : i32
    %swap3A_223 = arith.index_cast %swap3A_222 : i32 to index
    %swap3A_224 = arith.constant 80 : index
    %swap3A_225 = tpu.vector_load %arg11[%swap3A_223, %swap3A_224] {strides = array<i32>} : memref<128x128xf32, #tpu.memory_space<vmem>>, vector<1x16xf32>,
    %swap3A_226 = vector.shape_cast %swap3A_225 : vector<1x16xf32> to vector<16xf32>
    %swap3A_227 = vector.shape_cast %broadcast_in_dim3A_0 : vector<16xf32> to vector<1x16xf32>
    tpu.vector_store %arg11[%swap3A_223, %swap3A_224], %swap3A_227 {strides = array<i32>} : memref<128x128xf32, #tpu.memory_space<vmem>>, vector<1x16xf32>,
    %swap3A_228 = arith.constant 4 : i32
    %swap3A_229 = arith.index_cast %swap3A_228 : i32 to index
    %swap3A_230 = arith.constant 96 : index
    %swap3A_231 = tpu.vector_load %arg11[%swap3A_229, %swap3A_230] {strides = array<i32>} : memref<128x128xf32, #tpu.memory_space<vmem>>, vector<1x16xf32>,
    %swap3A_232 = vector.shape_cast %swap3A_231 : vector<1x16xf32> to vector<16xf32>
    %swap3A_233 = vector.shape_cast %broadcast_in_dim3A_0 : vector<16xf32> to vector<1x16xf32>
    tpu.vector_store %arg11[%swap3A_229, %swap3A_230], %swap3A_233 {strides = array<i32>} : memref<128x128xf32, #tpu.memory_space<vmem>>, vector<1x16xf32>,
    %swap3A_234 = arith.constant 4 : i32
    %swap3A_235 = arith.index_cast %swap3A_234 : i32 to index
    %swap3A_236 = arith.constant 112 : index
    %swap3A_237 = tpu.vector_load %arg11[%swap3A_235, %swap3A_236] {strides = array<i32>} : memref<128x128xf32, #tpu.memory_space<vmem>>, vector<1x16xf32>,
    %swap3A_238 = vector.shape_cast %swap3A_237 : vector<1x16xf32> to vector<16xf32>
    %swap3A_239 = vector.shape_cast %broadcast_in_dim3A_0 : vector<16xf32> to vector<1x16xf32>
    tpu.vector_store %arg11[%swap3A_235, %swap3A_236], %swap3A_239 {strides = array<i32>} : memref<128x128xf32, #tpu.memory_space<vmem>>, vector<1x16xf32>,
    %swap3A_240 = arith.constant 5 : i32
    %swap3A_241 = arith.index_cast %swap3A_240 : i32 to index
    %swap3A_242 = arith.constant 0 : index
    %swap3A_243 = tpu.vector_load %arg11[%swap3A_241, %swap3A_242] {strides = array<i32>} : memref<128x128xf32, #tpu.memory_space<vmem>>, vector<1x16xf32>,
    %swap3A_244 = vector.shape_cast %swap3A_243 : vector<1x16xf32> to vector<16xf32>
    %swap3A_245 = vector.shape_cast %broadcast_in_dim3A_0 : vector<16xf32> to vector<1x16xf32>
    tpu.vector_store %arg11[%swap3A_241, %swap3A_242], %swap3A_245 {strides = array<i32>} : memref<128x128xf32, #tpu.memory_space<vmem>>, vector<1x16xf32>,
    %swap3A_246 = arith.constant 5 : i32
    %swap3A_247 = arith.index_cast %swap3A_246 : i32 to index
    %swap3A_248 = arith.constant 16 : index
    %swap3A_249 = tpu.vector_load %arg11[%swap3A_247, %swap3A_248] {strides = array<i32>} : memref<128x128xf32, #tpu.memory_space<vmem>>, vector<1x16xf32>,
    %swap3A_250 = vector.shape_cast %swap3A_249 : vector<1x16xf32> to vector<16xf32>
    %swap3A_251 = vector.shape_cast %broadcast_in_dim3A_0 : vector<16xf32> to vector<1x16xf32>
    tpu.vector_store %arg11[%swap3A_247, %swap3A_248], %swap3A_251 {strides = array<i32>} : memref<128x128xf32, #tpu.memory_space<vmem>>, vector<1x16xf32>,
    %swap3A_252 = arith.constant 5 : i32
    %swap3A_253 = arith.index_cast %swap3A_252 : i32 to index
    %swap3A_254 = arith.constant 32 : index
    %swap3A_255 = tpu.vector_load %arg11[%swap3A_253, %swap3A_254] {strides = array<i32>} : memref<128x128xf32, #tpu.memory_space<vmem>>, vector<1x16xf32>,
    %swap3A_256 = vector.shape_cast %swap3A_255 : vector<1x16xf32> to vector<16xf32>
    %swap3A_257 = vector.shape_cast %broadcast_in_dim3A_0 : vector<16xf32> to vector<1x16xf32>
    tpu.vector_store %arg11[%swap3A_253, %swap3A_254], %swap3A_257 {strides = array<i32>} : memref<128x128xf32, #tpu.memory_space<vmem>>, vector<1x16xf32>,
    %swap3A_258 = arith.constant 5 : i32
    %swap3A_259 = arith.index_cast %swap3A_258 : i32 to index
    %swap3A_260 = arith.constant 48 : index
    %swap3A_261 = tpu.vector_load %arg11[%swap3A_259, %swap3A_260] {strides = array<i32>} : memref<128x128xf32, #tpu.memory_space<vmem>>, vector<1x16xf32>,
    %swap3A_262 = vector.shape_cast %swap3A_261 : vector<1x16xf32> to vector<16xf32>
    %swap3A_263 = vector.shape_cast %broadcast_in_dim3A_0 : vector<16xf32> to vector<1x16xf32>
    tpu.vector_store %arg11[%swap3A_259, %swap3A_260], %swap3A_263 {strides = array<i32>} : memref<128x128xf32, #tpu.memory_space<vmem>>, vector<1x16xf32>,
    %swap3A_264 = arith.constant 5 : i32
    %swap3A_265 = arith.index_cast %swap3A_264 : i32 to index
    %swap3A_266 = arith.constant 64 : index
    %swap3A_267 = tpu.vector_load %arg11[%swap3A_265, %swap3A_266] {strides = array<i32>} : memref<128x128xf32, #tpu.memory_space<vmem>>, vector<1x16xf32>,
    %swap3A_268 = vector.shape_cast %swap3A_267 : vector<1x16xf32> to vector<16xf32>
    %swap3A_269 = vector.shape_cast %broadcast_in_dim3A_0 : vector<16xf32> to vector<1x16xf32>
    tpu.vector_store %arg11[%swap3A_265, %swap3A_266], %swap3A_269 {strides = array<i32>} : memref<128x128xf32, #tpu.memory_space<vmem>>, vector<1x16xf32>,
    %swap3A_270 = arith.constant 5 : i32
    %swap3A_271 = arith.index_cast %swap3A_270 : i32 to index
    %swap3A_272 = arith.constant 80 : index
    %swap3A_273 = tpu.vector_load %arg11[%swap3A_271, %swap3A_272] {strides = array<i32>} : memref<128x128xf32, #tpu.memory_space<vmem>>, vector<1x16xf32>,
    %swap3A_274 = vector.shape_cast %swap3A_273 : vector<1x16xf32> to vector<16xf32>
    %swap3A_275 = vector.shape_cast %broadcast_in_dim3A_0 : vector<16xf32> to vector<1x16xf32>
    tpu.vector_store %arg11[%swap3A_271, %swap3A_272], %swap3A_275 {strides = array<i32>} : memref<128x128xf32, #tpu.memory_space<vmem>>, vector<1x16xf32>,
    %swap3A_276 = arith.constant 5 : i32
    %swap3A_277 = arith.index_cast %swap3A_276 : i32 to index
    %swap3A_278 = arith.constant 96 : index
    %swap3A_279 = tpu.vector_load %arg11[%swap3A_277, %swap3A_278] {strides = array<i32>} : memref<128x128xf32, #tpu.memory_space<vmem>>, vector<1x16xf32>,
    %swap3A_280 = vector.shape_cast %swap3A_279 : vector<1x16xf32> to vector<16xf32>
    %swap3A_281 = vector.shape_cast %broadcast_in_dim3A_0 : vector<16xf32> to vector<1x16xf32>
    tpu.vector_store %arg11[%swap3A_277, %swap3A_278], %swap3A_281 {strides = array<i32>} : memref<128x128xf32, #tpu.memory_space<vmem>>, vector<1x16xf32>,
    %swap3A_282 = arith.constant 5 : i32
    %swap3A_283 = arith.index_cast %swap3A_282 : i32 to index
    %swap3A_284 = arith.constant 112 : index
    %swap3A_285 = tpu.vector_load %arg11[%swap3A_283, %swap3A_284] {strides = array<i32>} : memref<128x128xf32, #tpu.memory_space<vmem>>, vector<1x16xf32>,
    %swap3A_286 = vector.shape_cast %swap3A_285 : vector<1x16xf32> to vector<16xf32>
    %swap3A_287 = vector.shape_cast %broadcast_in_dim3A_0 : vector<16xf32> to vector<1x16xf32>
    tpu.vector_store %arg11[%swap3A_283, %swap3A_284], %swap3A_287 {strides = array<i32>} : memref<128x128xf32, #tpu.memory_space<vmem>>, vector<1x16xf32>,
    %swap3A_288 = arith.constant 6 : i32
    %swap3A_289 = arith.index_cast %swap3A_288 : i32 to index
    %swap3A_290 = arith.constant 0 : index
    %swap3A_291 = tpu.vector_load %arg11[%swap3A_289, %swap3A_290] {strides = array<i32>} : memref<128x128xf32, #tpu.memory_space<vmem>>, vector<1x16xf32>,
    %swap3A_292 = vector.shape_cast %swap3A_291 : vector<1x16xf32> to vector<16xf32>
    %swap3A_293 = vector.shape_cast %broadcast_in_dim3A_0 : vector<16xf32> to vector<1x16xf32>
    tpu.vector_store %arg11[%swap3A_289, %swap3A_290], %swap3A_293 {strides = array<i32>} : memref<128x128xf32, #tpu.memory_space<vmem>>, vector<1x16xf32>,
    %swap3A_294 = arith.constant 6 : i32
    %swap3A_295 = arith.index_cast %swap3A_294 : i32 to index
    %swap3A_296 = arith.constant 16 : index
    %swap3A_297 = tpu.vector_load %arg11[%swap3A_295, %swap3A_296] {strides = array<i32>} : memref<128x128xf32, #tpu.memory_space<vmem>>, vector<1x16xf32>,
    %swap3A_298 = vector.shape_cast %swap3A_297 : vector<1x16xf32> to vector<16xf32>
    %swap3A_299 = vector.shape_cast %broadcast_in_dim3A_0 : vector<16xf32> to vector<1x16xf32>
    tpu.vector_store %arg11[%swap3A_295, %swap3A_296], %swap3A_299 {strides = array<i32>} : memref<128x128xf32, #tpu.memory_space<vmem>>, vector<1x16xf32>,
    %swap3A_300 = arith.constant 6 : i32
    %swap3A_301 = arith.index_cast %swap3A_300 : i32 to index
    %swap3A_302 = arith.constant 32 : index
    %swap3A_303 = tpu.vector_load %arg11[%swap3A_301, %swap3A_302] {strides = array<i32>} : memref<128x128xf32, #tpu.memory_space<vmem>>, vector<1x16xf32>,
    %swap3A_304 = vector.shape_cast %swap3A_303 : vector<1x16xf32> to vector<16xf32>
    %swap3A_305 = vector.shape_cast %broadcast_in_dim3A_0 : vector<16xf32> to vector<1x16xf32>
    tpu.vector_store %arg11[%swap3A_301, %swap3A_302], %swap3A_305 {strides = array<i32>} : memref<128x128xf32, #tpu.memory_space<vmem>>, vector<1x16xf32>,
    %swap3A_306 = arith.constant 6 : i32
    %swap3A_307 = arith.index_cast %swap3A_306 : i32 to index
    %swap3A_308 = arith.constant 48 : index
    %swap3A_309 = tpu.vector_load %arg11[%swap3A_307, %swap3A_308] {strides = array<i32>} : memref<128x128xf32, #tpu.memory_space<vmem>>, vector<1x16xf32>,
    %swap3A_310 = vector.shape_cast %swap3A_309 : vector<1x16xf32> to vector<16xf32>
    %swap3A_311 = vector.shape_cast %broadcast_in_dim3A_0 : vector<16xf32> to vector<1x16xf32>
    tpu.vector_store %arg11[%swap3A_307, %swap3A_308], %swap3A_311 {strides = array<i32>} : memref<128x128xf32, #tpu.memory_space<vmem>>, vector<1x16xf32>,
    %swap3A_312 = arith.constant 6 : i32
    %swap3A_313 = arith.index_cast %swap3A_312 : i32 to index
    %swap3A_314 = arith.constant 64 : index
    %swap3A_315 = tpu.vector_load %arg11[%swap3A_313, %swap3A_314] {strides = array<i32>} : memref<128x128xf32, #tpu.memory_space<vmem>>, vector<1x16xf32>,
    %swap3A_316 = vector.shape_cast %swap3A_315 : vector<1x16xf32> to vector<16xf32>
    %swap3A_317 = vector.shape_cast %broadcast_in_dim3A_0 : vector<16xf32> to vector<1x16xf32>
    tpu.vector_store %arg11[%swap3A_313, %swap3A_314], %swap3A_317 {strides = array<i32>} : memref<128x128xf32, #tpu.memory_space<vmem>>, vector<1x16xf32>,
    %swap3A_318 = arith.constant 6 : i32
    %swap3A_319 = arith.index_cast %swap3A_318 : i32 to index
    %swap3A_320 = arith.constant 80 : index
    %swap3A_321 = tpu.vector_load %arg11[%swap3A_319, %swap3A_320] {strides = array<i32>} : memref<128x128xf32, #tpu.memory_space<vmem>>, vector<1x16xf32>,
    %swap3A_322 = vector.shape_cast %swap3A_321 : vector<1x16xf32> to vector<16xf32>
    %swap3A_323 = vector.shape_cast %broadcast_in_dim3A_0 : vector<16xf32> to vector<1x16xf32>
    tpu.vector_store %arg11[%swap3A_319, %swap3A_320], %swap3A_323 {strides = array<i32>} : memref<128x128xf32, #tpu.memory_space<vmem>>, vector<1x16xf32>,
    %swap3A_324 = arith.constant 6 : i32
    %swap3A_325 = arith.index_cast %swap3A_324 : i32 to index
    %swap3A_326 = arith.constant 96 : index
    %swap3A_327 = tpu.vector_load %arg11[%swap3A_325, %swap3A_326] {strides = array<i32>} : memref<128x128xf32, #tpu.memory_space<vmem>>, vector<1x16xf32>,
    %swap3A_328 = vector.shape_cast %swap3A_327 : vector<1x16xf32> to vector<16xf32>
    %swap3A_329 = vector.shape_cast %broadcast_in_dim3A_0 : vector<16xf32> to vector<1x16xf32>
    tpu.vector_store %arg11[%swap3A_325, %swap3A_326], %swap3A_329 {strides = array<i32>} : memref<128x128xf32, #tpu.memory_space<vmem>>, vector<1x16xf32>,
    %swap3A_330 = arith.constant 6 : i32
    %swap3A_331 = arith.index_cast %swap3A_330 : i32 to index
    %swap3A_332 = arith.constant 112 : index
    %swap3A_333 = tpu.vector_load %arg11[%swap3A_331, %swap3A_332] {strides = array<i32>} : memref<128x128xf32, #tpu.memory_space<vmem>>, vector<1x16xf32>,
    %swap3A_334 = vector.shape_cast %swap3A_333 : vector<1x16xf32> to vector<16xf32>
    %swap3A_335 = vector.shape_cast %broadcast_in_dim3A_0 : vector<16xf32> to vector<1x16xf32>
    tpu.vector_store %arg11[%swap3A_331, %swap3A_332], %swap3A_335 {strides = array<i32>} : memref<128x128xf32, #tpu.memory_space<vmem>>, vector<1x16xf32>,
    %swap3A_336 = arith.constant 7 : i32
    %swap3A_337 = arith.index_cast %swap3A_336 : i32 to index
    %swap3A_338 = arith.constant 0 : index
    %swap3A_339 = tpu.vector_load %arg11[%swap3A_337, %swap3A_338] {strides = array<i32>} : memref<128x128xf32, #tpu.memory_space<vmem>>, vector<1x16xf32>,
    %swap3A_340 = vector.shape_cast %swap3A_339 : vector<1x16xf32> to vector<16xf32>
    %swap3A_341 = vector.shape_cast %broadcast_in_dim3A_0 : vector<16xf32> to vector<1x16xf32>
    tpu.vector_store %arg11[%swap3A_337, %swap3A_338], %swap3A_341 {strides = array<i32>} : memref<128x128xf32, #tpu.memory_space<vmem>>, vector<1x16xf32>,
    %swap3A_342 = arith.constant 7 : i32
    %swap3A_343 = arith.index_cast %swap3A_342 : i32 to index
    %swap3A_344 = arith.constant 16 : index
    %swap3A_345 = tpu.vector_load %arg11[%swap3A_343, %swap3A_344] {strides = array<i32>} : memref<128x128xf32, #tpu.memory_space<vmem>>, vector<1x16xf32>,
    %swap3A_346 = vector.shape_cast %swap3A_345 : vector<1x16xf32> to vector<16xf32>
    %swap3A_347 = vector.shape_cast %broadcast_in_dim3A_0 : vector<16xf32> to vector<1x16xf32>
    tpu.vector_store %arg11[%swap3A_343, %swap3A_344], %swap3A_347 {strides = array<i32>} : memref<128x128xf32, #tpu.memory_space<vmem>>, vector<1x16xf32>,
    %swap3A_348 = arith.constant 7 : i32
    %swap3A_349 = arith.index_cast %swap3A_348 : i32 to index
    %swap3A_350 = arith.constant 32 : index
    %swap3A_351 = tpu.vector_load %arg11[%swap3A_349, %swap3A_350] {strides = array<i32>} : memref<128x128xf32, #tpu.memory_space<vmem>>, vector<1x16xf32>,
    %swap3A_352 = vector.shape_cast %swap3A_351 : vector<1x16xf32> to vector<16xf32>
    %swap3A_353 = vector.shape_cast %broadcast_in_dim3A_0 : vector<16xf32> to vector<1x16xf32>
    tpu.vector_store %arg11[%swap3A_349, %swap3A_350], %swap3A_353 {strides = array<i32>} : memref<128x128xf32, #tpu.memory_space<vmem>>, vector<1x16xf32>,
    %swap3A_354 = arith.constant 7 : i32
    %swap3A_355 = arith.index_cast %swap3A_354 : i32 to index
    %swap3A_356 = arith.constant 48 : index
    %swap3A_357 = tpu.vector_load %arg11[%swap3A_355, %swap3A_356] {strides = array<i32>} : memref<128x128xf32, #tpu.memory_space<vmem>>, vector<1x16xf32>,
    %swap3A_358 = vector.shape_cast %swap3A_357 : vector<1x16xf32> to vector<16xf32>
    %swap3A_359 = vector.shape_cast %broadcast_in_dim3A_0 : vector<16xf32> to vector<1x16xf32>
    tpu.vector_store %arg11[%swap3A_355, %swap3A_356], %swap3A_359 {strides = array<i32>} : memref<128x128xf32, #tpu.memory_space<vmem>>, vector<1x16xf32>,
    %swap3A_360 = arith.constant 7 : i32
    %swap3A_361 = arith.index_cast %swap3A_360 : i32 to index
    %swap3A_362 = arith.constant 64 : index
    %swap3A_363 = tpu.vector_load %arg11[%swap3A_361, %swap3A_362] {strides = array<i32>} : memref<128x128xf32, #tpu.memory_space<vmem>>, vector<1x16xf32>,
    %swap3A_364 = vector.shape_cast %swap3A_363 : vector<1x16xf32> to vector<16xf32>
    %swap3A_365 = vector.shape_cast %broadcast_in_dim3A_0 : vector<16xf32> to vector<1x16xf32>
    tpu.vector_store %arg11[%swap3A_361, %swap3A_362], %swap3A_365 {strides = array<i32>} : memref<128x128xf32, #tpu.memory_space<vmem>>, vector<1x16xf32>,
    %swap3A_366 = arith.constant 7 : i32
    %swap3A_367 = arith.index_cast %swap3A_366 : i32 to index
    %swap3A_368 = arith.constant 80 : index
    %swap3A_369 = tpu.vector_load %arg11[%swap3A_367, %swap3A_368] {strides = array<i32>} : memref<128x128xf32, #tpu.memory_space<vmem>>, vector<1x16xf32>,
    %swap3A_370 = vector.shape_cast %swap3A_369 : vector<1x16xf32> to vector<16xf32>
    %swap3A_371 = vector.shape_cast %broadcast_in_dim3A_0 : vector<16xf32> to vector<1x16xf32>
    tpu.vector_store %arg11[%swap3A_367, %swap3A_368], %swap3A_371 {strides = array<i32>} : memref<128x128xf32, #tpu.memory_space<vmem>>, vector<1x16xf32>,
    %swap3A_372 = arith.constant 7 : i32
    %swap3A_373 = arith.index_cast %swap3A_372 : i32 to index
    %swap3A_374 = arith.constant 96 : index
    %swap3A_375 = tpu.vector_load %arg11[%swap3A_373, %swap3A_374] {strides = array<i32>} : memref<128x128xf32, #tpu.memory_space<vmem>>, vector<1x16xf32>,
    %swap3A_376 = vector.shape_cast %swap3A_375 : vector<1x16xf32> to vector<16xf32>
    %swap3A_377 = vector.shape_cast %broadcast_in_dim3A_0 : vector<16xf32> to vector<1x16xf32>
    tpu.vector_store %arg11[%swap3A_373, %swap3A_374], %swap3A_377 {strides = array<i32>} : memref<128x128xf32, #tpu.memory_space<vmem>>, vector<1x16xf32>,
    %swap3A_378 = arith.constant 7 : i32
    %swap3A_379 = arith.index_cast %swap3A_378 : i32 to index
    %swap3A_380 = arith.constant 112 : index
    %swap3A_381 = tpu.vector_load %arg11[%swap3A_379, %swap3A_380] {strides = array<i32>} : memref<128x128xf32, #tpu.memory_space<vmem>>, vector<1x16xf32>,
    %swap3A_382 = vector.shape_cast %swap3A_381 : vector<1x16xf32> to vector<16xf32>
    %swap3A_383 = vector.shape_cast %broadcast_in_dim3A_0 : vector<16xf32> to vector<1x16xf32>
    tpu.vector_store %arg11[%swap3A_379, %swap3A_380], %swap3A_383 {strides = array<i32>} : memref<128x128xf32, #tpu.memory_space<vmem>>, vector<1x16xf32>,
    %swap3A_384 = arith.constant 8 : i32
    %swap3A_385 = arith.index_cast %swap3A_384 : i32 to index
    %swap3A_386 = arith.constant 0 : index
    %swap3A_387 = tpu.vector_load %arg11[%swap3A_385, %swap3A_386] {strides = array<i32>} : memref<128x128xf32, #tpu.memory_space<vmem>>, vector<1x16xf32>,
    %swap3A_388 = vector.shape_cast %swap3A_387 : vector<1x16xf32> to vector<16xf32>
    %swap3A_389 = vector.shape_cast %broadcast_in_dim3A_0 : vector<16xf32> to vector<1x16xf32>
    tpu.vector_store %arg11[%swap3A_385, %swap3A_386], %swap3A_389 {strides = array<i32>} : memref<128x128xf32, #tpu.memory_space<vmem>>, vector<1x16xf32>,
    %swap3A_390 = arith.constant 8 : i32
    %swap3A_391 = arith.index_cast %swap3A_390 : i32 to index
    %swap3A_392 = arith.constant 16 : index
    %swap3A_393 = tpu.vector_load %arg11[%swap3A_391, %swap3A_392] {strides = array<i32>} : memref<128x128xf32, #tpu.memory_space<vmem>>, vector<1x16xf32>,
    %swap3A_394 = vector.shape_cast %swap3A_393 : vector<1x16xf32> to vector<16xf32>
    %swap3A_395 = vector.shape_cast %broadcast_in_dim3A_0 : vector<16xf32> to vector<1x16xf32>
    tpu.vector_store %arg11[%swap3A_391, %swap3A_392], %swap3A_395 {strides = array<i32>} : memref<128x128xf32, #tpu.memory_space<vmem>>, vector<1x16xf32>,
    %swap3A_396 = arith.constant 8 : i32
    %swap3A_397 = arith.index_cast %swap3A_396 : i32 to index
    %swap3A_398 = arith.constant 32 : index
    %swap3A_399 = tpu.vector_load %arg11[%swap3A_397, %swap3A_398] {strides = array<i32>} : memref<128x128xf32, #tpu.memory_space<vmem>>, vector<1x16xf32>,
    %swap3A_400 = vector.shape_cast %swap3A_399 : vector<1x16xf32> to vector<16xf32>
    %swap3A_401 = vector.shape_cast %broadcast_in_dim3A_0 : vector<16xf32> to vector<1x16xf32>
    tpu.vector_store %arg11[%swap3A_397, %swap3A_398], %swap3A_401 {strides = array<i32>} : memref<128x128xf32, #tpu.memory_space<vmem>>, vector<1x16xf32>,
    %swap3A_402 = arith.constant 8 : i32
    %swap3A_403 = arith.index_cast %swap3A_402 : i32 to index
    %swap3A_404 = arith.constant 48 : index
    %swap3A_405 = tpu.vector_load %arg11[%swap3A_403, %swap3A_404] {strides = array<i32>} : memref<128x128xf32, #tpu.memory_space<vmem>>, vector<1x16xf32>,
    %swap3A_406 = vector.shape_cast %swap3A_405 : vector<1x16xf32> to vector<16xf32>
    %swap3A_407 = vector.shape_cast %broadcast_in_dim3A_0 : vector<16xf32> to vector<1x16xf32>
    tpu.vector_store %arg11[%swap3A_403, %swap3A_404], %swap3A_407 {strides = array<i32>} : memref<128x128xf32, #tpu.memory_space<vmem>>, vector<1x16xf32>,
    %swap3A_408 = arith.constant 8 : i32
    %swap3A_409 = arith.index_cast %swap3A_408 : i32 to index
    %swap3A_410 = arith.constant 64 : index
    %swap3A_411 = tpu.vector_load %arg11[%swap3A_409, %swap3A_410] {strides = array<i32>} : memref<128x128xf32, #tpu.memory_space<vmem>>, vector<1x16xf32>,
    %swap3A_412 = vector.shape_cast %swap3A_411 : vector<1x16xf32> to vector<16xf32>
    %swap3A_413 = vector.shape_cast %broadcast_in_dim3A_0 : vector<16xf32> to vector<1x16xf32>
    tpu.vector_store %arg11[%swap3A_409, %swap3A_410], %swap3A_413 {strides = array<i32>} : memref<128x128xf32, #tpu.memory_space<vmem>>, vector<1x16xf32>,
    %swap3A_414 = arith.constant 8 : i32
    %swap3A_415 = arith.index_cast %swap3A_414 : i32 to index
    %swap3A_416 = arith.constant 80 : index
    %swap3A_417 = tpu.vector_load %arg11[%swap3A_415, %swap3A_416] {strides = array<i32>} : memref<128x128xf32, #tpu.memory_space<vmem>>, vector<1x16xf32>,
    %swap3A_418 = vector.shape_cast %swap3A_417 : vector<1x16xf32> to vector<16xf32>
    %swap3A_419 = vector.shape_cast %broadcast_in_dim3A_0 : vector<16xf32> to vector<1x16xf32>
    tpu.vector_store %arg11[%swap3A_415, %swap3A_416], %swap3A_419 {strides = array<i32>} : memref<128x128xf32, #tpu.memory_space<vmem>>, vector<1x16xf32>,
    %swap3A_420 = arith.constant 8 : i32
    %swap3A_421 = arith.index_cast %swap3A_420 : i32 to index
    %swap3A_422 = arith.constant 96 : index
    %swap3A_423 = tpu.vector_load %arg11[%swap3A_421, %swap3A_422] {strides = array<i32>} : memref<128x128xf32, #tpu.memory_space<vmem>>, vector<1x16xf32>,
    %swap3A_424 = vector.shape_cast %swap3A_423 : vector<1x16xf32> to vector<16xf32>
    %swap3A_425 = vector.shape_cast %broadcast_in_dim3A_0 : vector<16xf32> to vector<1x16xf32>
    tpu.vector_store %arg11[%swap3A_421, %swap3A_422], %swap3A_425 {strides = array<i32>} : memref<128x128xf32, #tpu.memory_space<vmem>>, vector<1x16xf32>,
    %swap3A_426 = arith.constant 8 : i32
    %swap3A_427 = arith.index_cast %swap3A_426 : i32 to index
    %swap3A_428 = arith.constant 112 : index
    %swap3A_429 = tpu.vector_load %arg11[%swap3A_427, %swap3A_428] {strides = array<i32>} : memref<128x128xf32, #tpu.memory_space<vmem>>, vector<1x16xf32>,
    %swap3A_430 = vector.shape_cast %swap3A_429 : vector<1x16xf32> to vector<16xf32>
    %swap3A_431 = vector.shape_cast %broadcast_in_dim3A_0 : vector<16xf32> to vector<1x16xf32>
    tpu.vector_store %arg11[%swap3A_427, %swap3A_428], %swap3A_431 {strides = array<i32>} : memref<128x128xf32, #tpu.memory_space<vmem>>, vector<1x16xf32>,
    %swap3A_432 = arith.constant 9 : i32
    %swap3A_433 = arith.index_cast %swap3A_432 : i32 to index
    %swap3A_434 = arith.constant 0 : index
    %swap3A_435 = tpu.vector_load %arg11[%swap3A_433, %swap3A_434] {strides = array<i32>} : memref<128x128xf32, #tpu.memory_space<vmem>>, vector<1x16xf32>,
    %swap3A_436 = vector.shape_cast %swap3A_435 : vector<1x16xf32> to vector<16xf32>
    %swap3A_437 = vector.shape_cast %broadcast_in_dim3A_0 : vector<16xf32> to vector<1x16xf32>
    tpu.vector_store %arg11[%swap3A_433, %swap3A_434], %swap3A_437 {strides = array<i32>} : memref<128x128xf32, #tpu.memory_space<vmem>>, vector<1x16xf32>,
    %swap3A_438 = arith.constant 9 : i32
    %swap3A_439 = arith.index_cast %swap3A_438 : i32 to index
    %swap3A_440 = arith.constant 16 : index
    %swap3A_441 = tpu.vector_load %arg11[%swap3A_439, %swap3A_440] {strides = array<i32>} : memref<128x128xf32, #tpu.memory_space<vmem>>, vector<1x16xf32>,
    %swap3A_442 = vector.shape_cast %swap3A_441 : vector<1x16xf32> to vector<16xf32>
    %swap3A_443 = vector.shape_cast %broadcast_in_dim3A_0 : vector<16xf32> to vector<1x16xf32>
    tpu.vector_store %arg11[%swap3A_439, %swap3A_440], %swap3A_443 {strides = array<i32>} : memref<128x128xf32, #tpu.memory_space<vmem>>, vector<1x16xf32>,
    %swap3A_444 = arith.constant 9 : i32
    %swap3A_445 = arith.index_cast %swap3A_444 : i32 to index
    %swap3A_446 = arith.constant 32 : index
    %swap3A_447 = tpu.vector_load %arg11[%swap3A_445, %swap3A_446] {strides = array<i32>} : memref<128x128xf32, #tpu.memory_space<vmem>>, vector<1x16xf32>,
    %swap3A_448 = vector.shape_cast %swap3A_447 : vector<1x16xf32> to vector<16xf32>
    %swap3A_449 = vector.shape_cast %broadcast_in_dim3A_0 : vector<16xf32> to vector<1x16xf32>
    tpu.vector_store %arg11[%swap3A_445, %swap3A_446], %swap3A_449 {strides = array<i32>} : memref<128x128xf32, #tpu.memory_space<vmem>>, vector<1x16xf32>,
    %swap3A_450 = arith.constant 9 : i32
    %swap3A_451 = arith.index_cast %swap3A_450 : i32 to index
    %swap3A_452 = arith.constant 48 : index
    %swap3A_453 = tpu.vector_load %arg11[%swap3A_451, %swap3A_452] {strides = array<i32>} : memref<128x128xf32, #tpu.memory_space<vmem>>, vector<1x16xf32>,
    %swap3A_454 = vector.shape_cast %swap3A_453 : vector<1x16xf32> to vector<16xf32>
    %swap3A_455 = vector.shape_cast %broadcast_in_dim3A_0 : vector<16xf32> to vector<1x16xf32>
    tpu.vector_store %arg11[%swap3A_451, %swap3A_452], %swap3A_455 {strides = array<i32>} : memref<128x128xf32, #tpu.memory_space<vmem>>, vector<1x16xf32>,
    %swap3A_456 = arith.constant 9 : i32
    %swap3A_457 = arith.index_cast %swap3A_456 : i32 to index
    %swap3A_458 = arith.constant 64 : index
    %swap3A_459 = tpu.vector_load %arg11[%swap3A_457, %swap3A_458] {strides = array<i32>} : memref<128x128xf32, #tpu.memory_space<vmem>>, vector<1x16xf32>,
    %swap3A_460 = vector.shape_cast %swap3A_459 : vector<1x16xf32> to vector<16xf32>
    %swap3A_461 = vector.shape_cast %broadcast_in_dim3A_0 : vector<16xf32> to vector<1x16xf32>
    tpu.vector_store %arg11[%swap3A_457, %swap3A_458], %swap3A_461 {strides = array<i32>} : memref<128x128xf32, #tpu.memory_space<vmem>>, vector<1x16xf32>,
    %swap3A_462 = arith.constant 9 : i32
    %swap3A_463 = arith.index_cast %swap3A_462 : i32 to index
    %swap3A_464 = arith.constant 80 : index
    %swap3A_465 = tpu.vector_load %arg11[%swap3A_463, %swap3A_464] {strides = array<i32>} : memref<128x128xf32, #tpu.memory_space<vmem>>, vector<1x16xf32>,
    %swap3A_466 = vector.shape_cast %swap3A_465 : vector<1x16xf32> to vector<16xf32>
    %swap3A_467 = vector.shape_cast %broadcast_in_dim3A_0 : vector<16xf32> to vector<1x16xf32>
    tpu.vector_store %arg11[%swap3A_463, %swap3A_464], %swap3A_467 {strides = array<i32>} : memref<128x128xf32, #tpu.memory_space<vmem>>, vector<1x16xf32>,
    %swap3A_468 = arith.constant 9 : i32
    %swap3A_469 = arith.index_cast %swap3A_468 : i32 to index
    %swap3A_470 = arith.constant 96 : index
    %swap3A_471 = tpu.vector_load %arg11[%swap3A_469, %swap3A_470] {strides = array<i32>} : memref<128x128xf32, #tpu.memory_space<vmem>>, vector<1x16xf32>,
    %swap3A_472 = vector.shape_cast %swap3A_471 : vector<1x16xf32> to vector<16xf32>
    %swap3A_473 = vector.shape_cast %broadcast_in_dim3A_0 : vector<16xf32> to vector<1x16xf32>
    tpu.vector_store %arg11[%swap3A_469, %swap3A_470], %swap3A_473 {strides = array<i32>} : memref<128x128xf32, #tpu.memory_space<vmem>>, vector<1x16xf32>,
    %swap3A_474 = arith.constant 9 : i32
    %swap3A_475 = arith.index_cast %swap3A_474 : i32 to index
    %swap3A_476 = arith.constant 112 : index
    %swap3A_477 = tpu.vector_load %arg11[%swap3A_475, %swap3A_476] {strides = array<i32>} : memref<128x128xf32, #tpu.memory_space<vmem>>, vector<1x16xf32>,
    %swap3A_478 = vector.shape_cast %swap3A_477 : vector<1x16xf32> to vector<16xf32>
    %swap3A_479 = vector.shape_cast %broadcast_in_dim3A_0 : vector<16xf32> to vector<1x16xf32>
    tpu.vector_store %arg11[%swap3A_475, %swap3A_476], %swap3A_479 {strides = array<i32>} : memref<128x128xf32, #tpu.memory_space<vmem>>, vector<1x16xf32>,
    %swap3A_480 = arith.constant 10 : i32
    %swap3A_481 = arith.index_cast %swap3A_480 : i32 to index
    %swap3A_482 = arith.constant 0 : index
    %swap3A_483 = tpu.vector_load %arg11[%swap3A_481, %swap3A_482] {strides = array<i32>} : memref<128x128xf32, #tpu.memory_space<vmem>>, vector<1x16xf32>,
    %swap3A_484 = vector.shape_cast %swap3A_483 : vector<1x16xf32> to vector<16xf32>
    %swap3A_485 = vector.shape_cast %broadcast_in_dim3A_0 : vector<16xf32> to vector<1x16xf32>
    tpu.vector_store %arg11[%swap3A_481, %swap3A_482], %swap3A_485 {strides = array<i32>} : memref<128x128xf32, #tpu.memory_space<vmem>>, vector<1x16xf32>,
    %swap3A_486 = arith.constant 10 : i32
    %swap3A_487 = arith.index_cast %swap3A_486 : i32 to index
    %swap3A_488 = arith.constant 16 : index
    %swap3A_489 = tpu.vector_load %arg11[%swap3A_487, %swap3A_488] {strides = array<i32>} : memref<128x128xf32, #tpu.memory_space<vmem>>, vector<1x16xf32>,
    %swap3A_490 = vector.shape_cast %swap3A_489 : vector<1x16xf32> to vector<16xf32>
    %swap3A_491 = vector.shape_cast %broadcast_in_dim3A_0 : vector<16xf32> to vector<1x16xf32>
    tpu.vector_store %arg11[%swap3A_487, %swap3A_488], %swap3A_491 {strides = array<i32>} : memref<128x128xf32, #tpu.memory_space<vmem>>, vector<1x16xf32>,
    %swap3A_492 = arith.constant 10 : i32
    %swap3A_493 = arith.index_cast %swap3A_492 : i32 to index
    %swap3A_494 = arith.constant 32 : index
    %swap3A_495 = tpu.vector_load %arg11[%swap3A_493, %swap3A_494] {strides = array<i32>} : memref<128x128xf32, #tpu.memory_space<vmem>>, vector<1x16xf32>,
    %swap3A_496 = vector.shape_cast %swap3A_495 : vector<1x16xf32> to vector<16xf32>
    %swap3A_497 = vector.shape_cast %broadcast_in_dim3A_0 : vector<16xf32> to vector<1x16xf32>
    tpu.vector_store %arg11[%swap3A_493, %swap3A_494], %swap3A_497 {strides = array<i32>} : memref<128x128xf32, #tpu.memory_space<vmem>>, vector<1x16xf32>,
    %swap3A_498 = arith.constant 10 : i32
    %swap3A_499 = arith.index_cast %swap3A_498 : i32 to index
    %swap3A_500 = arith.constant 48 : index
    %swap3A_501 = tpu.vector_load %arg11[%swap3A_499, %swap3A_500] {strides = array<i32>} : memref<128x128xf32, #tpu.memory_space<vmem>>, vector<1x16xf32>,
    %swap3A_502 = vector.shape_cast %swap3A_501 : vector<1x16xf32> to vector<16xf32>
    %swap3A_503 = vector.shape_cast %broadcast_in_dim3A_0 : vector<16xf32> to vector<1x16xf32>
    tpu.vector_store %arg11[%swap3A_499, %swap3A_500], %swap3A_503 {strides = array<i32>} : memref<128x128xf32, #tpu.memory_space<vmem>>, vector<1x16xf32>,
    %swap3A_504 = arith.constant 10 : i32
    %swap3A_505 = arith.index_cast %swap3A_504 : i32 to index
    %swap3A_506 = arith.constant 64 : index
    %swap3A_507 = tpu.vector_load %arg11[%swap3A_505, %swap3A_506] {strides = array<i32>} : memref<128x128xf32, #tpu.memory_space<vmem>>, vector<1x16xf32>,
    %swap3A_508 = vector.shape_cast %swap3A_507 : vector<1x16xf32> to vector<16xf32>
    %swap3A_509 = vector.shape_cast %broadcast_in_dim3A_0 : vector<16xf32> to vector<1x16xf32>
    tpu.vector_store %arg11[%swap3A_505, %swap3A_506], %swap3A_509 {strides = array<i32>} : memref<128x128xf32, #tpu.memory_space<vmem>>, vector<1x16xf32>,
    %swap3A_510 = arith.constant 10 : i32
    %swap3A_511 = arith.index_cast %swap3A_510 : i32 to index
    %swap3A_512 = arith.constant 80 : index
    %swap3A_513 = tpu.vector_load %arg11[%swap3A_511, %swap3A_512] {strides = array<i32>} : memref<128x128xf32, #tpu.memory_space<vmem>>, vector<1x16xf32>,
    %swap3A_514 = vector.shape_cast %swap3A_513 : vector<1x16xf32> to vector<16xf32>
    %swap3A_515 = vector.shape_cast %broadcast_in_dim3A_0 : vector<16xf32> to vector<1x16xf32>
    tpu.vector_store %arg11[%swap3A_511, %swap3A_512], %swap3A_515 {strides = array<i32>} : memref<128x128xf32, #tpu.memory_space<vmem>>, vector<1x16xf32>,
    %swap3A_516 = arith.constant 10 : i32
    %swap3A_517 = arith.index_cast %swap3A_516 : i32 to index
    %swap3A_518 = arith.constant 96 : index
    %swap3A_519 = tpu.vector_load %arg11[%swap3A_517, %swap3A_518] {strides = array<i32>} : memref<128x128xf32, #tpu.memory_space<vmem>>, vector<1x16xf32>,
    %swap3A_520 = vector.shape_cast %swap3A_519 : vector<1x16xf32> to vector<16xf32>
    %swap3A_521 = vector.shape_cast %broadcast_in_dim3A_0 : vector<16xf32> to vector<1x16xf32>
    tpu.vector_store %arg11[%swap3A_517, %swap3A_518], %swap3A_521 {strides = array<i32>} : memref<128x128xf32, #tpu.memory_space<vmem>>, vector<1x16xf32>,
    %swap3A_522 = arith.constant 10 : i32
    %swap3A_523 = arith.index_cast %swap3A_522 : i32 to index
    %swap3A_524 = arith.constant 112 : index
    %swap3A_525 = tpu.vector_load %arg11[%swap3A_523, %swap3A_524] {strides = array<i32>} : memref<128x128xf32, #tpu.memory_space<vmem>>, vector<1x16xf32>,
    %swap3A_526 = vector.shape_cast %swap3A_525 : vector<1x16xf32> to vector<16xf32>
    %swap3A_527 = vector.shape_cast %broadcast_in_dim3A_0 : vector<16xf32> to vector<1x16xf32>
    tpu.vector_store %arg11[%swap3A_523, %swap3A_524], %swap3A_527 {strides = array<i32>} : memref<128x128xf32, #tpu.memory_space<vmem>>, vector<1x16xf32>,
    %swap3A_528 = arith.constant 11 : i32
    %swap3A_529 = arith.index_cast %swap3A_528 : i32 to index
    %swap3A_530 = arith.constant 0 : index
    %swap3A_531 = tpu.vector_load %arg11[%swap3A_529, %swap3A_530] {strides = array<i32>} : memref<128x128xf32, #tpu.memory_space<vmem>>, vector<1x16xf32>,
    %swap3A_532 = vector.shape_cast %swap3A_531 : vector<1x16xf32> to vector<16xf32>
    %swap3A_533 = vector.shape_cast %broadcast_in_dim3A_0 : vector<16xf32> to vector<1x16xf32>
    tpu.vector_store %arg11[%swap3A_529, %swap3A_530], %swap3A_533 {strides = array<i32>} : memref<128x128xf32, #tpu.memory_space<vmem>>, vector<1x16xf32>,
    %swap3A_534 = arith.constant 11 : i32
    %swap3A_535 = arith.index_cast %swap3A_534 : i32 to index
    %swap3A_536 = arith.constant 16 : index
    %swap3A_537 = tpu.vector_load %arg11[%swap3A_535, %swap3A_536] {strides = array<i32>} : memref<128x128xf32, #tpu.memory_space<vmem>>, vector<1x16xf32>,
    %swap3A_538 = vector.shape_cast %swap3A_537 : vector<1x16xf32> to vector<16xf32>
    %swap3A_539 = vector.shape_cast %broadcast_in_dim3A_0 : vector<16xf32> to vector<1x16xf32>
    tpu.vector_store %arg11[%swap3A_535, %swap3A_536], %swap3A_539 {strides = array<i32>} : memref<128x128xf32, #tpu.memory_space<vmem>>, vector<1x16xf32>,
    %swap3A_540 = arith.constant 11 : i32
    %swap3A_541 = arith.index_cast %swap3A_540 : i32 to index
    %swap3A_542 = arith.constant 32 : index
    %swap3A_543 = tpu.vector_load %arg11[%swap3A_541, %swap3A_542] {strides = array<i32>} : memref<128x128xf32, #tpu.memory_space<vmem>>, vector<1x16xf32>,
    %swap3A_544 = vector.shape_cast %swap3A_543 : vector<1x16xf32> to vector<16xf32>
    %swap3A_545 = vector.shape_cast %broadcast_in_dim3A_0 : vector<16xf32> to vector<1x16xf32>
    tpu.vector_store %arg11[%swap3A_541, %swap3A_542], %swap3A_545 {strides = array<i32>} : memref<128x128xf32, #tpu.memory_space<vmem>>, vector<1x16xf32>,
    %swap3A_546 = arith.constant 11 : i32
    %swap3A_547 = arith.index_cast %swap3A_546 : i32 to index
    %swap3A_548 = arith.constant 48 : index
    %swap3A_549 = tpu.vector_load %arg11[%swap3A_547, %swap3A_548] {strides = array<i32>} : memref<128x128xf32, #tpu.memory_space<vmem>>, vector<1x16xf32>,
    %swap3A_550 = vector.shape_cast %swap3A_549 : vector<1x16xf32> to vector<16xf32>
    %swap3A_551 = vector.shape_cast %broadcast_in_dim3A_0 : vector<16xf32> to vector<1x16xf32>
    tpu.vector_store %arg11[%swap3A_547, %swap3A_548], %swap3A_551 {strides = array<i32>} : memref<128x128xf32, #tpu.memory_space<vmem>>, vector<1x16xf32>,
    %swap3A_552 = arith.constant 11 : i32
    %swap3A_553 = arith.index_cast %swap3A_552 : i32 to index
    %swap3A_554 = arith.constant 64 : index
    %swap3A_555 = tpu.vector_load %arg11[%swap3A_553, %swap3A_554] {strides = array<i32>} : memref<128x128xf32, #tpu.memory_space<vmem>>, vector<1x16xf32>,
    %swap3A_556 = vector.shape_cast %swap3A_555 : vector<1x16xf32> to vector<16xf32>
    %swap3A_557 = vector.shape_cast %broadcast_in_dim3A_0 : vector<16xf32> to vector<1x16xf32>
    tpu.vector_store %arg11[%swap3A_553, %swap3A_554], %swap3A_557 {strides = array<i32>} : memref<128x128xf32, #tpu.memory_space<vmem>>, vector<1x16xf32>,
    %swap3A_558 = arith.constant 11 : i32
    %swap3A_559 = arith.index_cast %swap3A_558 : i32 to index
    %swap3A_560 = arith.constant 80 : index
    %swap3A_561 = tpu.vector_load %arg11[%swap3A_559, %swap3A_560] {strides = array<i32>} : memref<128x128xf32, #tpu.memory_space<vmem>>, vector<1x16xf32>,
    %swap3A_562 = vector.shape_cast %swap3A_561 : vector<1x16xf32> to vector<16xf32>
    %swap3A_563 = vector.shape_cast %broadcast_in_dim3A_0 : vector<16xf32> to vector<1x16xf32>
    tpu.vector_store %arg11[%swap3A_559, %swap3A_560], %swap3A_563 {strides = array<i32>} : memref<128x128xf32, #tpu.memory_space<vmem>>, vector<1x16xf32>,
    %swap3A_564 = arith.constant 11 : i32
    %swap3A_565 = arith.index_cast %swap3A_564 : i32 to index
    %swap3A_566 = arith.constant 96 : index
    %swap3A_567 = tpu.vector_load %arg11[%swap3A_565, %swap3A_566] {strides = array<i32>} : memref<128x128xf32, #tpu.memory_space<vmem>>, vector<1x16xf32>,
    %swap3A_568 = vector.shape_cast %swap3A_567 : vector<1x16xf32> to vector<16xf32>
    %swap3A_569 = vector.shape_cast %broadcast_in_dim3A_0 : vector<16xf32> to vector<1x16xf32>
    tpu.vector_store %arg11[%swap3A_565, %swap3A_566], %swap3A_569 {strides = array<i32>} : memref<128x128xf32, #tpu.memory_space<vmem>>, vector<1x16xf32>,
    %swap3A_570 = arith.constant 11 : i32
    %swap3A_571 = arith.index_cast %swap3A_570 : i32 to index
    %swap3A_572 = arith.constant 112 : index
    %swap3A_573 = tpu.vector_load %arg11[%swap3A_571, %swap3A_572] {strides = array<i32>} : memref<128x128xf32, #tpu.memory_space<vmem>>, vector<1x16xf32>,
    %swap3A_574 = vector.shape_cast %swap3A_573 : vector<1x16xf32> to vector<16xf32>
    %swap3A_575 = vector.shape_cast %broadcast_in_dim3A_0 : vector<16xf32> to vector<1x16xf32>
    tpu.vector_store %arg11[%swap3A_571, %swap3A_572], %swap3A_575 {strides = array<i32>} : memref<128x128xf32, #tpu.memory_space<vmem>>, vector<1x16xf32>,
    %swap3A_576 = arith.constant 12 : i32
    %swap3A_577 = arith.index_cast %swap3A_576 : i32 to index
    %swap3A_578 = arith.constant 0 : index
    %swap3A_579 = tpu.vector_load %arg11[%swap3A_577, %swap3A_578] {strides = array<i32>} : memref<128x128xf32, #tpu.memory_space<vmem>>, vector<1x16xf32>,
    %swap3A_580 = vector.shape_cast %swap3A_579 : vector<1x16xf32> to vector<16xf32>
    %swap3A_581 = vector.shape_cast %broadcast_in_dim3A_0 : vector<16xf32> to vector<1x16xf32>
    tpu.vector_store %arg11[%swap3A_577, %swap3A_578], %swap3A_581 {strides = array<i32>} : memref<128x128xf32, #tpu.memory_space<vmem>>, vector<1x16xf32>,
    %swap3A_582 = arith.constant 12 : i32
    %swap3A_583 = arith.index_cast %swap3A_582 : i32 to index
    %swap3A_584 = arith.constant 16 : index
    %swap3A_585 = tpu.vector_load %arg11[%swap3A_583, %swap3A_584] {strides = array<i32>} : memref<128x128xf32, #tpu.memory_space<vmem>>, vector<1x16xf32>,
    %swap3A_586 = vector.shape_cast %swap3A_585 : vector<1x16xf32> to vector<16xf32>
    %swap3A_587 = vector.shape_cast %broadcast_in_dim3A_0 : vector<16xf32> to vector<1x16xf32>
    tpu.vector_store %arg11[%swap3A_583, %swap3A_584], %swap3A_587 {strides = array<i32>} : memref<128x128xf32, #tpu.memory_space<vmem>>, vector<1x16xf32>,
    %swap3A_588 = arith.constant 12 : i32
    %swap3A_589 = arith.index_cast %swap3A_588 : i32 to index
    %swap3A_590 = arith.constant 32 : index
    %swap3A_591 = tpu.vector_load %arg11[%swap3A_589, %swap3A_590] {strides = array<i32>} : memref<128x128xf32, #tpu.memory_space<vmem>>, vector<1x16xf32>,
    %swap3A_592 = vector.shape_cast %swap3A_591 : vector<1x16xf32> to vector<16xf32>
    %swap3A_593 = vector.shape_cast %broadcast_in_dim3A_0 : vector<16xf32> to vector<1x16xf32>
    tpu.vector_store %arg11[%swap3A_589, %swap3A_590], %swap3A_593 {strides = array<i32>} : memref<128x128xf32, #tpu.memory_space<vmem>>, vector<1x16xf32>,
    %swap3A_594 = arith.constant 12 : i32
    %swap3A_595 = arith.index_cast %swap3A_594 : i32 to index
    %swap3A_596 = arith.constant 48 : index
    %swap3A_597 = tpu.vector_load %arg11[%swap3A_595, %swap3A_596] {strides = array<i32>} : memref<128x128xf32, #tpu.memory_space<vmem>>, vector<1x16xf32>,
    %swap3A_598 = vector.shape_cast %swap3A_597 : vector<1x16xf32> to vector<16xf32>
    %swap3A_599 = vector.shape_cast %broadcast_in_dim3A_0 : vector<16xf32> to vector<1x16xf32>
    tpu.vector_store %arg11[%swap3A_595, %swap3A_596], %swap3A_599 {strides = array<i32>} : memref<128x128xf32, #tpu.memory_space<vmem>>, vector<1x16xf32>,
    %swap3A_600 = arith.constant 12 : i32
    %swap3A_601 = arith.index_cast %swap3A_600 : i32 to index
    %swap3A_602 = arith.constant 64 : index
    %swap3A_603 = tpu.vector_load %arg11[%swap3A_601, %swap3A_602] {strides = array<i32>} : memref<128x128xf32, #tpu.memory_space<vmem>>, vector<1x16xf32>,
    %swap3A_604 = vector.shape_cast %swap3A_603 : vector<1x16xf32> to vector<16xf32>
    %swap3A_605 = vector.shape_cast %broadcast_in_dim3A_0 : vector<16xf32> to vector<1x16xf32>
    tpu.vector_store %arg11[%swap3A_601, %swap3A_602], %swap3A_605 {strides = array<i32>} : memref<128x128xf32, #tpu.memory_space<vmem>>, vector<1x16xf32>,
    %swap3A_606 = arith.constant 12 : i32
    %swap3A_607 = arith.index_cast %swap3A_606 : i32 to index
    %swap3A_608 = arith.constant 80 : index
    %swap3A_609 = tpu.vector_load %arg11[%swap3A_607, %swap3A_608] {strides = array<i32>} : memref<128x128xf32, #tpu.memory_space<vmem>>, vector<1x16xf32>,
    %swap3A_610 = vector.shape_cast %swap3A_609 : vector<1x16xf32> to vector<16xf32>
    %swap3A_611 = vector.shape_cast %broadcast_in_dim3A_0 : vector<16xf32> to vector<1x16xf32>
    tpu.vector_store %arg11[%swap3A_607, %swap3A_608], %swap3A_611 {strides = array<i32>} : memref<128x128xf32, #tpu.memory_space<vmem>>, vector<1x16xf32>,
    %swap3A_612 = arith.constant 12 : i32
    %swap3A_613 = arith.index_cast %swap3A_612 : i32 to index
    %swap3A_614 = arith.constant 96 : index
    %swap3A_615 = tpu.vector_load %arg11[%swap3A_613, %swap3A_614] {strides = array<i32>} : memref<128x128xf32, #tpu.memory_space<vmem>>, vector<1x16xf32>,
    %swap3A_616 = vector.shape_cast %swap3A_615 : vector<1x16xf32> to vector<16xf32>
    %swap3A_617 = vector.shape_cast %broadcast_in_dim3A_0 : vector<16xf32> to vector<1x16xf32>
    tpu.vector_store %arg11[%swap3A_613, %swap3A_614], %swap3A_617 {strides = array<i32>} : memref<128x128xf32, #tpu.memory_space<vmem>>, vector<1x16xf32>,
    %swap3A_618 = arith.constant 12 : i32
    %swap3A_619 = arith.index_cast %swap3A_618 : i32 to index
    %swap3A_620 = arith.constant 112 : index
    %swap3A_621 = tpu.vector_load %arg11[%swap3A_619, %swap3A_620] {strides = array<i32>} : memref<128x128xf32, #tpu.memory_space<vmem>>, vector<1x16xf32>,
    %swap3A_622 = vector.shape_cast %swap3A_621 : vector<1x16xf32> to vector<16xf32>
    %swap3A_623 = vector.shape_cast %broadcast_in_dim3A_0 : vector<16xf32> to vector<1x16xf32>
    tpu.vector_store %arg11[%swap3A_619, %swap3A_620], %swap3A_623 {strides = array<i32>} : memref<128x128xf32, #tpu.memory_space<vmem>>, vector<1x16xf32>,
    %swap3A_624 = arith.constant 13 : i32
    %swap3A_625 = arith.index_cast %swap3A_624 : i32 to index
    %swap3A_626 = arith.constant 0 : index
    %swap3A_627 = tpu.vector_load %arg11[%swap3A_625, %swap3A_626] {strides = array<i32>} : memref<128x128xf32, #tpu.memory_space<vmem>>, vector<1x16xf32>,
    %swap3A_628 = vector.shape_cast %swap3A_627 : vector<1x16xf32> to vector<16xf32>
    %swap3A_629 = vector.shape_cast %broadcast_in_dim3A_0 : vector<16xf32> to vector<1x16xf32>
    tpu.vector_store %arg11[%swap3A_625, %swap3A_626], %swap3A_629 {strides = array<i32>} : memref<128x128xf32, #tpu.memory_space<vmem>>, vector<1x16xf32>,
    %swap3A_630 = arith.constant 13 : i32
    %swap3A_631 = arith.index_cast %swap3A_630 : i32 to index
    %swap3A_632 = arith.constant 16 : index
    %swap3A_633 = tpu.vector_load %arg11[%swap3A_631, %swap3A_632] {strides = array<i32>} : memref<128x128xf32, #tpu.memory_space<vmem>>, vector<1x16xf32>,
    %swap3A_634 = vector.shape_cast %swap3A_633 : vector<1x16xf32> to vector<16xf32>
    %swap3A_635 = vector.shape_cast %broadcast_in_dim3A_0 : vector<16xf32> to vector<1x16xf32>
    tpu.vector_store %arg11[%swap3A_631, %swap3A_632], %swap3A_635 {strides = array<i32>} : memref<128x128xf32, #tpu.memory_space<vmem>>, vector<1x16xf32>,
    %swap3A_636 = arith.constant 13 : i32
    %swap3A_637 = arith.index_cast %swap3A_636 : i32 to index
    %swap3A_638 = arith.constant 32 : index
    %swap3A_639 = tpu.vector_load %arg11[%swap3A_637, %swap3A_638] {strides = array<i32>} : memref<128x128xf32, #tpu.memory_space<vmem>>, vector<1x16xf32>,
    %swap3A_640 = vector.shape_cast %swap3A_639 : vector<1x16xf32> to vector<16xf32>
    %swap3A_641 = vector.shape_cast %broadcast_in_dim3A_0 : vector<16xf32> to vector<1x16xf32>
    tpu.vector_store %arg11[%swap3A_637, %swap3A_638], %swap3A_641 {strides = array<i32>} : memref<128x128xf32, #tpu.memory_space<vmem>>, vector<1x16xf32>,
    %swap3A_642 = arith.constant 13 : i32
    %swap3A_643 = arith.index_cast %swap3A_642 : i32 to index
    %swap3A_644 = arith.constant 48 : index
    %swap3A_645 = tpu.vector_load %arg11[%swap3A_643, %swap3A_644] {strides = array<i32>} : memref<128x128xf32, #tpu.memory_space<vmem>>, vector<1x16xf32>,
    %swap3A_646 = vector.shape_cast %swap3A_645 : vector<1x16xf32> to vector<16xf32>
    %swap3A_647 = vector.shape_cast %broadcast_in_dim3A_0 : vector<16xf32> to vector<1x16xf32>
    tpu.vector_store %arg11[%swap3A_643, %swap3A_644], %swap3A_647 {strides = array<i32>} : memref<128x128xf32, #tpu.memory_space<vmem>>, vector<1x16xf32>,
    %swap3A_648 = arith.constant 13 : i32
    %swap3A_649 = arith.index_cast %swap3A_648 : i32 to index
    %swap3A_650 = arith.constant 64 : index
    %swap3A_651 = tpu.vector_load %arg11[%swap3A_649, %swap3A_650] {strides = array<i32>} : memref<128x128xf32, #tpu.memory_space<vmem>>, vector<1x16xf32>,
    %swap3A_652 = vector.shape_cast %swap3A_651 : vector<1x16xf32> to vector<16xf32>
    %swap3A_653 = vector.shape_cast %broadcast_in_dim3A_0 : vector<16xf32> to vector<1x16xf32>
    tpu.vector_store %arg11[%swap3A_649, %swap3A_650], %swap3A_653 {strides = array<i32>} : memref<128x128xf32, #tpu.memory_space<vmem>>, vector<1x16xf32>,
    %swap3A_654 = arith.constant 13 : i32
    %swap3A_655 = arith.index_cast %swap3A_654 : i32 to index
    %swap3A_656 = arith.constant 80 : index
    %swap3A_657 = tpu.vector_load %arg11[%swap3A_655, %swap3A_656] {strides = array<i32>} : memref<128x128xf32, #tpu.memory_space<vmem>>, vector<1x16xf32>,
    %swap3A_658 = vector.shape_cast %swap3A_657 : vector<1x16xf32> to vector<16xf32>
    %swap3A_659 = vector.shape_cast %broadcast_in_dim3A_0 : vector<16xf32> to vector<1x16xf32>
    tpu.vector_store %arg11[%swap3A_655, %swap3A_656], %swap3A_659 {strides = array<i32>} : memref<128x128xf32, #tpu.memory_space<vmem>>, vector<1x16xf32>,
    %swap3A_660 = arith.constant 13 : i32
    %swap3A_661 = arith.index_cast %swap3A_660 : i32 to index
    %swap3A_662 = arith.constant 96 : index
    %swap3A_663 = tpu.vector_load %arg11[%swap3A_661, %swap3A_662] {strides = array<i32>} : memref<128x128xf32, #tpu.memory_space<vmem>>, vector<1x16xf32>,
    %swap3A_664 = vector.shape_cast %swap3A_663 : vector<1x16xf32> to vector<16xf32>
    %swap3A_665 = vector.shape_cast %broadcast_in_dim3A_0 : vector<16xf32> to vector<1x16xf32>
    tpu.vector_store %arg11[%swap3A_661, %swap3A_662], %swap3A_665 {strides = array<i32>} : memref<128x128xf32, #tpu.memory_space<vmem>>, vector<1x16xf32>,
    %swap3A_666 = arith.constant 13 : i32
    %swap3A_667 = arith.index_cast %swap3A_666 : i32 to index
    %swap3A_668 = arith.constant 112 : index
    %swap3A_669 = tpu.vector_load %arg11[%swap3A_667, %swap3A_668] {strides = array<i32>} : memref<128x128xf32, #tpu.memory_space<vmem>>, vector<1x16xf32>,
    %swap3A_670 = vector.shape_cast %swap3A_669 : vector<1x16xf32> to vector<16xf32>
    %swap3A_671 = vector.shape_cast %broadcast_in_dim3A_0 : vector<16xf32> to vector<1x16xf32>
    tpu.vector_store %arg11[%swap3A_667, %swap3A_668], %swap3A_671 {strides = array<i32>} : memref<128x128xf32, #tpu.memory_space<vmem>>, vector<1x16xf32>,
    %swap3A_672 = arith.constant 14 : i32
    %swap3A_673 = arith.index_cast %swap3A_672 : i32 to index
    %swap3A_674 = arith.constant 0 : index
    %swap3A_675 = tpu.vector_load %arg11[%swap3A_673, %swap3A_674] {strides = array<i32>} : memref<128x128xf32, #tpu.memory_space<vmem>>, vector<1x16xf32>,
    %swap3A_676 = vector.shape_cast %swap3A_675 : vector<1x16xf32> to vector<16xf32>
    %swap3A_677 = vector.shape_cast %broadcast_in_dim3A_0 : vector<16xf32> to vector<1x16xf32>
    tpu.vector_store %arg11[%swap3A_673, %swap3A_674], %swap3A_677 {strides = array<i32>} : memref<128x128xf32, #tpu.memory_space<vmem>>, vector<1x16xf32>,
    %swap3A_678 = arith.constant 14 : i32
    %swap3A_679 = arith.index_cast %swap3A_678 : i32 to index
    %swap3A_680 = arith.constant 16 : index
    %swap3A_681 = tpu.vector_load %arg11[%swap3A_679, %swap3A_680] {strides = array<i32>} : memref<128x128xf32, #tpu.memory_space<vmem>>, vector<1x16xf32>,
    %swap3A_682 = vector.shape_cast %swap3A_681 : vector<1x16xf32> to vector<16xf32>
    %swap3A_683 = vector.shape_cast %broadcast_in_dim3A_0 : vector<16xf32> to vector<1x16xf32>
    tpu.vector_store %arg11[%swap3A_679, %swap3A_680], %swap3A_683 {strides = array<i32>} : memref<128x128xf32, #tpu.memory_space<vmem>>, vector<1x16xf32>,
    %swap3A_684 = arith.constant 14 : i32
    %swap3A_685 = arith.index_cast %swap3A_684 : i32 to index
    %swap3A_686 = arith.constant 32 : index
    %swap3A_687 = tpu.vector_load %arg11[%swap3A_685, %swap3A_686] {strides = array<i32>} : memref<128x128xf32, #tpu.memory_space<vmem>>, vector<1x16xf32>,
    %swap3A_688 = vector.shape_cast %swap3A_687 : vector<1x16xf32> to vector<16xf32>
    %swap3A_689 = vector.shape_cast %broadcast_in_dim3A_0 : vector<16xf32> to vector<1x16xf32>
    tpu.vector_store %arg11[%swap3A_685, %swap3A_686], %swap3A_689 {strides = array<i32>} : memref<128x128xf32, #tpu.memory_space<vmem>>, vector<1x16xf32>,
    %swap3A_690 = arith.constant 14 : i32
    %swap3A_691 = arith.index_cast %swap3A_690 : i32 to index
    %swap3A_692 = arith.constant 48 : index
    %swap3A_693 = tpu.vector_load %arg11[%swap3A_691, %swap3A_692] {strides = array<i32>} : memref<128x128xf32, #tpu.memory_space<vmem>>, vector<1x16xf32>,
    %swap3A_694 = vector.shape_cast %swap3A_693 : vector<1x16xf32> to vector<16xf32>
    %swap3A_695 = vector.shape_cast %broadcast_in_dim3A_0 : vector<16xf32> to vector<1x16xf32>
    tpu.vector_store %arg11[%swap3A_691, %swap3A_692], %swap3A_695 {strides = array<i32>} : memref<128x128xf32, #tpu.memory_space<vmem>>, vector<1x16xf32>,
    %swap3A_696 = arith.constant 14 : i32
    %swap3A_697 = arith.index_cast %swap3A_696 : i32 to index
    %swap3A_698 = arith.constant 64 : index
    %swap3A_699 = tpu.vector_load %arg11[%swap3A_697, %swap3A_698] {strides = array<i32>} : memref<128x128xf32, #tpu.memory_space<vmem>>, vector<1x16xf32>,
    %swap3A_700 = vector.shape_cast %swap3A_699 : vector<1x16xf32> to vector<16xf32>
    %swap3A_701 = vector.shape_cast %broadcast_in_dim3A_0 : vector<16xf32> to vector<1x16xf32>
    tpu.vector_store %arg11[%swap3A_697, %swap3A_698], %swap3A_701 {strides = array<i32>} : memref<128x128xf32, #tpu.memory_space<vmem>>, vector<1x16xf32>,
    %swap3A_702 = arith.constant 14 : i32
    %swap3A_703 = arith.index_cast %swap3A_702 : i32 to index
    %swap3A_704 = arith.constant 80 : index
    %swap3A_705 = tpu.vector_load %arg11[%swap3A_703, %swap3A_704] {strides = array<i32>} : memref<128x128xf32, #tpu.memory_space<vmem>>, vector<1x16xf32>,
    %swap3A_706 = vector.shape_cast %swap3A_705 : vector<1x16xf32> to vector<16xf32>
    %swap3A_707 = vector.shape_cast %broadcast_in_dim3A_0 : vector<16xf32> to vector<1x16xf32>
    tpu.vector_store %arg11[%swap3A_703, %swap3A_704], %swap3A_707 {strides = array<i32>} : memref<128x128xf32, #tpu.memory_space<vmem>>, vector<1x16xf32>,
    %swap3A_708 = arith.constant 14 : i32
    %swap3A_709 = arith.index_cast %swap3A_708 : i32 to index
    %swap3A_710 = arith.constant 96 : index
    %swap3A_711 = tpu.vector_load %arg11[%swap3A_709, %swap3A_710] {strides = array<i32>} : memref<128x128xf32, #tpu.memory_space<vmem>>, vector<1x16xf32>,
    %swap3A_712 = vector.shape_cast %swap3A_711 : vector<1x16xf32> to vector<16xf32>
    %swap3A_713 = vector.shape_cast %broadcast_in_dim3A_0 : vector<16xf32> to vector<1x16xf32>
    tpu.vector_store %arg11[%swap3A_709, %swap3A_710], %swap3A_713 {strides = array<i32>} : memref<128x128xf32, #tpu.memory_space<vmem>>, vector<1x16xf32>,
    %swap3A_714 = arith.constant 14 : i32
    %swap3A_715 = arith.index_cast %swap3A_714 : i32 to index
    %swap3A_716 = arith.constant 112 : index
    %swap3A_717 = tpu.vector_load %arg11[%swap3A_715, %swap3A_716] {strides = array<i32>} : memref<128x128xf32, #tpu.memory_space<vmem>>, vector<1x16xf32>,
    %swap3A_718 = vector.shape_cast %swap3A_717 : vector<1x16xf32> to vector<16xf32>
    %swap3A_719 = vector.shape_cast %broadcast_in_dim3A_0 : vector<16xf32> to vector<1x16xf32>
    tpu.vector_store %arg11[%swap3A_715, %swap3A_716], %swap3A_719 {strides = array<i32>} : memref<128x128xf32, #tpu.memory_space<vmem>>, vector<1x16xf32>,
    %swap3A_720 = arith.constant 15 : i32
    %swap3A_721 = arith.index_cast %swap3A_720 : i32 to index
    %swap3A_722 = arith.constant 0 : index
    %swap3A_723 = tpu.vector_load %arg11[%swap3A_721, %swap3A_722] {strides = array<i32>} : memref<128x128xf32, #tpu.memory_space<vmem>>, vector<1x16xf32>,
    %swap3A_724 = vector.shape_cast %swap3A_723 : vector<1x16xf32> to vector<16xf32>
    %swap3A_725 = vector.shape_cast %broadcast_in_dim3A_0 : vector<16xf32> to vector<1x16xf32>
    tpu.vector_store %arg11[%swap3A_721, %swap3A_722], %swap3A_725 {strides = array<i32>} : memref<128x128xf32, #tpu.memory_space<vmem>>, vector<1x16xf32>,
    %swap3A_726 = arith.constant 15 : i32
    %swap3A_727 = arith.index_cast %swap3A_726 : i32 to index
    %swap3A_728 = arith.constant 16 : index
    %swap3A_729 = tpu.vector_load %arg11[%swap3A_727, %swap3A_728] {strides = array<i32>} : memref<128x128xf32, #tpu.memory_space<vmem>>, vector<1x16xf32>,
    %swap3A_730 = vector.shape_cast %swap3A_729 : vector<1x16xf32> to vector<16xf32>
    %swap3A_731 = vector.shape_cast %broadcast_in_dim3A_0 : vector<16xf32> to vector<1x16xf32>
    tpu.vector_store %arg11[%swap3A_727, %swap3A_728], %swap3A_731 {strides = array<i32>} : memref<128x128xf32, #tpu.memory_space<vmem>>, vector<1x16xf32>,
    %swap3A_732 = arith.constant 15 : i32
    %swap3A_733 = arith.index_cast %swap3A_732 : i32 to index
    %swap3A_734 = arith.constant 32 : index
    %swap3A_735 = tpu.vector_load %arg11[%swap3A_733, %swap3A_734] {strides = array<i32>} : memref<128x128xf32, #tpu.memory_space<vmem>>, vector<1x16xf32>,
    %swap3A_736 = vector.shape_cast %swap3A_735 : vector<1x16xf32> to vector<16xf32>
    %swap3A_737 = vector.shape_cast %broadcast_in_dim3A_0 : vector<16xf32> to vector<1x16xf32>
    tpu.vector_store %arg11[%swap3A_733, %swap3A_734], %swap3A_737 {strides = array<i32>} : memref<128x128xf32, #tpu.memory_space<vmem>>, vector<1x16xf32>,
    %swap3A_738 = arith.constant 15 : i32
    %swap3A_739 = arith.index_cast %swap3A_738 : i32 to index
    %swap3A_740 = arith.constant 48 : index
    %swap3A_741 = tpu.vector_load %arg11[%swap3A_739, %swap3A_740] {strides = array<i32>} : memref<128x128xf32, #tpu.memory_space<vmem>>, vector<1x16xf32>,
    %swap3A_742 = vector.shape_cast %swap3A_741 : vector<1x16xf32> to vector<16xf32>
    %swap3A_743 = vector.shape_cast %broadcast_in_dim3A_0 : vector<16xf32> to vector<1x16xf32>
    tpu.vector_store %arg11[%swap3A_739, %swap3A_740], %swap3A_743 {strides = array<i32>} : memref<128x128xf32, #tpu.memory_space<vmem>>, vector<1x16xf32>,
    %swap3A_744 = arith.constant 15 : i32
    %swap3A_745 = arith.index_cast %swap3A_744 : i32 to index
    %swap3A_746 = arith.constant 64 : index
    %swap3A_747 = tpu.vector_load %arg11[%swap3A_745, %swap3A_746] {strides = array<i32>} : memref<128x128xf32, #tpu.memory_space<vmem>>, vector<1x16xf32>,
    %swap3A_748 = vector.shape_cast %swap3A_747 : vector<1x16xf32> to vector<16xf32>
    %swap3A_749 = vector.shape_cast %broadcast_in_dim3A_0 : vector<16xf32> to vector<1x16xf32>
    tpu.vector_store %arg11[%swap3A_745, %swap3A_746], %swap3A_749 {strides = array<i32>} : memref<128x128xf32, #tpu.memory_space<vmem>>, vector<1x16xf32>,
    %swap3A_750 = arith.constant 15 : i32
    %swap3A_751 = arith.index_cast %swap3A_750 : i32 to index
    %swap3A_752 = arith.constant 80 : index
    %swap3A_753 = tpu.vector_load %arg11[%swap3A_751, %swap3A_752] {strides = array<i32>} : memref<128x128xf32, #tpu.memory_space<vmem>>, vector<1x16xf32>,
    %swap3A_754 = vector.shape_cast %swap3A_753 : vector<1x16xf32> to vector<16xf32>
    %swap3A_755 = vector.shape_cast %broadcast_in_dim3A_0 : vector<16xf32> to vector<1x16xf32>
    tpu.vector_store %arg11[%swap3A_751, %swap3A_752], %swap3A_755 {strides = array<i32>} : memref<128x128xf32, #tpu.memory_space<vmem>>, vector<1x16xf32>,
    %swap3A_756 = arith.constant 15 : i32
    %swap3A_757 = arith.index_cast %swap3A_756 : i32 to index
    %swap3A_758 = arith.constant 96 : index
    %swap3A_759 = tpu.vector_load %arg11[%swap3A_757, %swap3A_758] {strides = array<i32>} : memref<128x128xf32, #tpu.memory_space<vmem>>, vector<1x16xf32>,
    %swap3A_760 = vector.shape_cast %swap3A_759 : vector<1x16xf32> to vector<16xf32>
    %swap3A_761 = vector.shape_cast %broadcast_in_dim3A_0 : vector<16xf32> to vector<1x16xf32>
    tpu.vector_store %arg11[%swap3A_757, %swap3A_758], %swap3A_761 {strides = array<i32>} : memref<128x128xf32, #tpu.memory_space<vmem>>, vector<1x16xf32>,
    %swap3A_762 = arith.constant 15 : i32
    %swap3A_763 = arith.index_cast %swap3A_762 : i32 to index
    %swap3A_764 = arith.constant 112 : index
    %swap3A_765 = tpu.vector_load %arg11[%swap3A_763, %swap3A_764] {strides = array<i32>} : memref<128x128xf32, #tpu.memory_space<vmem>>, vector<1x16xf32>,
    %swap3A_766 = vector.shape_cast %swap3A_765 : vector<1x16xf32> to vector<16xf32>
    %swap3A_767 = vector.shape_cast %broadcast_in_dim3A_0 : vector<16xf32> to vector<1x16xf32>
    tpu.vector_store %arg11[%swap3A_763, %swap3A_764], %swap3A_767 {strides = array<i32>} : memref<128x128xf32, #tpu.memory_space<vmem>>, vector<1x16xf32>,
    %scan3A = arith.constant 0 : i32
    %scan3A_768 = arith.constant 0 : i32
    %scan3A_769 = arith.constant 40 : i32
    %scan3A_770 = arith.addi %scan3A_768, %scan3A_769 : i32
    %scan3A_771 = arith.constant 1 : i32
    scf.for %scan3A_794 = %scan3A_768 to %scan3A_770 step %scan3A_771  : i32 {
      %mul3A_795 = arith.constant 640 : i32
      %mul3A_796 = arith.muli %arg1, %mul3A_795 : i32
      %mul3A_797 = arith.constant 16 : i32
      %mul3A_798 = arith.muli %scan3A_794, %mul3A_797 : i32
      %add3A_799 = arith.addi %mul3A_796, %mul3A_798 : i32
      %add3A_800 = vector.broadcast %add3A_799 : i32 to vector<16xi32>
      %add3A_801 = arith.addi %add3A_800, %iota3A : vector<16xi32>
      "tpu.region"() ({
        %run_scoped3A = tpu.sem_alloc : memref<!tpu.dma_semaphore, #tpu.memory_space<semaphore_mem>>
        %dma_start3A = arith.constant 0 : i32
        %dma_start3A_802 = arith.constant 0 : i32
        %dma_start3A_803 = tpu.memref_slice %arg11[%dma_start3A, %dma_start3A_802] : memref<128x128xf32, #tpu.memory_space<vmem>> -> memref<16x128xf32, #tpu.memory_space<vmem>>
        %dma_start3A_804 = arith.constant 0 : i32
        %dma_start3A_805 = arith.constant 0 : i32
        %dma_start3A_806 = tpu.memref_slice %arg12[%dma_start3A_804, %dma_start3A_805] : memref<10240x128xf32, #tpu.memory_space<vmem_shared>> -> memref<10240x128xf32, #tpu.memory_space<vmem_shared>>
        tpu.enqueue_indirect_dma source(%dma_start3A_803 : memref<16x128xf32, #tpu.memory_space<vmem>>) target(%dma_start3A_806 : memref<10240x128xf32, #tpu.memory_space<vmem_shared>>) offsets(%add3A_801 : vector<16xi32>) semaphore(%run_scoped3A : memref<!tpu.dma_semaphore, #tpu.memory_space<semaphore_mem>>)
        %dma_wait3A = arith.constant 0 : i32
        %dma_wait3A_807 = arith.constant 0 : i32
        %dma_wait3A_808 = tpu.memref_slice %arg11[%dma_wait3A, %dma_wait3A_807] : memref<128x128xf32, #tpu.memory_space<vmem>> -> memref<16x128xf32, #tpu.memory_space<vmem>>
        %dma_wait3A_809 = arith.constant 0 : i32
        %dma_wait3A_810 = arith.constant 0 : i32
        %dma_wait3A_811 = tpu.memref_slice %arg12[%dma_wait3A_809, %dma_wait3A_810] : memref<10240x128xf32, #tpu.memory_space<vmem_shared>> -> memref<10240x128xf32, #tpu.memory_space<vmem_shared>>
        tpu.wait_indirect_dma semaphore(%run_scoped3A : memref<!tpu.dma_semaphore, #tpu.memory_space<semaphore_mem>>) src(%dma_wait3A_808 : memref<16x128xf32, #tpu.memory_space<vmem>>) dst(%dma_wait3A_811 : memref<10240x128xf32, #tpu.memory_space<vmem_shared>>)
        tpu.yield
      }) : () -> ()
    }
    %scan3A_772 = arith.constant 40 : i32
    %barrier3A = arith.constant 0 : index
    tpu.barrier barrier_id(%barrier3A)
    %lt3A = arith.constant 1 : i32
    %lt3A_773 = arith.cmpi slt, %arg1, %lt3A : i32
    %jit3A = arith.constant 40 : i32
    %jit3A_774 = arith.constant 39 : i32
    %select_n3A = arith.select %lt3A_773, %jit3A, %jit3A_774 : i32
    %while3A = arith.constant 0 : i32
    %while3A_775 = arith.constant 0 : i32
    %while3A_776 = arith.subi %select_n3A, %while3A_775 : i32
    %while3A_777 = arith.addi %while3A_775, %while3A_776 : i32
    %while3A_778 = arith.constant 1 : i32
    %while3A_779 = arith.divsi %while3A_776, %while3A_778 : i32
    %while3A_780 = arith.muli %while3A_779, %while3A_778 : i32
    %while3A_781 = arith.addi %while3A_775, %while3A_780 : i32
    %while3A_782 = arith.constant 1 : i32
    scf.for %while3A_794 = %while3A_775 to %while3A_781 step %while3A_782  : i32 {
      %mul3A_795 = arith.constant 16 : i32
      %mul3A_796 = arith.muli %while3A_794, %mul3A_795 : i32
      %add3A_797 = arith.addi %mul3A_796, %arg1 : i32
      %eq3A = arith.constant 0 : i32
      %eq3A_798 = arith.cmpi eq, %arg0, %eq3A : i32
      %convert_element_type3A = arith.extui %eq3A_798 : i1 to i32
      %cond3A = arith.constant 0 : i32
      %cond3A_799 = arith.cmpi ne, %convert_element_type3A, %cond3A : i32
      scf.if %cond3A_799 {
        "tpu.region"() ({
          %run_scoped3A = tpu.sem_alloc : memref<!tpu.dma_semaphore, #tpu.memory_space<semaphore_mem>>
          %dma_start3A = arith.constant 0 : i32
          %dma_start3A_811 = arith.constant 0 : i32
          %dma_start3A_812 = tpu.memref_slice %arg4[%add3A_797, %dma_start3A, %dma_start3A_811] : memref<625x4x128xi32, #tpu.memory_space<hbm>> -> memref<1x4x128xi32, #tpu.memory_space<hbm>>
          %dma_start3A_813 = tpu.memref_squeeze %dma_start3A_812 : memref<1x4x128xi32, #tpu.memory_space<hbm>> -> memref<4x128xi32, #tpu.memory_space<hbm>>
          %dma_start3A_814 = arith.constant 0 : i32
          %dma_start3A_815 = arith.constant 0 : i32
          %dma_start3A_816 = tpu.memref_slice %arg4[%add3A_797, %dma_start3A_814, %dma_start3A_815] : memref<625x4x128xi32, #tpu.memory_space<hbm>> -> memref<1x4x128xi32, #tpu.memory_space<hbm>>
          %dma_start3A_817 = tpu.memref_squeeze %dma_start3A_816 : memref<1x4x128xi32, #tpu.memory_space<hbm>> -> memref<4x128xi32, #tpu.memory_space<hbm>>
          tpu.enqueue_dma source(%dma_start3A_817 : memref<4x128xi32, #tpu.memory_space<hbm>>) target(%arg9 : memref<4x128xi32, #tpu.memory_space<vmem>>) target_semaphore(%run_scoped3A : memref<!tpu.dma_semaphore, #tpu.memory_space<semaphore_mem>>)
          %dma_wait3A = arith.constant 0 : i32
          %dma_wait3A_818 = arith.constant 0 : i32
          %dma_wait3A_819 = tpu.memref_slice %arg4[%add3A_797, %dma_wait3A, %dma_wait3A_818] : memref<625x4x128xi32, #tpu.memory_space<hbm>> -> memref<1x4x128xi32, #tpu.memory_space<hbm>>
          %dma_wait3A_820 = tpu.memref_squeeze %dma_wait3A_819 : memref<1x4x128xi32, #tpu.memory_space<hbm>> -> memref<4x128xi32, #tpu.memory_space<hbm>>
          %dma_wait3A_821 = arith.constant 0 : i32
          %dma_wait3A_822 = arith.constant 0 : i32
          %dma_wait3A_823 = tpu.memref_slice %arg4[%add3A_797, %dma_wait3A_821, %dma_wait3A_822] : memref<625x4x128xi32, #tpu.memory_space<hbm>> -> memref<1x4x128xi32, #tpu.memory_space<hbm>>
          %dma_wait3A_824 = tpu.memref_squeeze %dma_wait3A_823 : memref<1x4x128xi32, #tpu.memory_space<hbm>> -> memref<4x128xi32, #tpu.memory_space<hbm>>
          tpu.wait_dma2 semaphore(%run_scoped3A : memref<!tpu.dma_semaphore, #tpu.memory_space<semaphore_mem>>) src(%dma_wait3A_824 : memref<4x128xi32, #tpu.memory_space<hbm>>) dst(%arg9 : memref<4x128xi32, #tpu.memory_space<vmem>>)
          tpu.yield
        }) : () -> ()
        "tpu.region"() ({
          %run_scoped3A = tpu.sem_alloc : memref<!tpu.dma_semaphore, #tpu.memory_space<semaphore_mem>>
          %dma_start3A = arith.constant 0 : i32
          %dma_start3A_811 = arith.constant 0 : i32
          %dma_start3A_812 = tpu.memref_slice %arg5[%add3A_797, %dma_start3A, %dma_start3A_811] : memref<625x4x128xi32, #tpu.memory_space<hbm>> -> memref<1x4x128xi32, #tpu.memory_space<hbm>>
          %dma_start3A_813 = tpu.memref_squeeze %dma_start3A_812 : memref<1x4x128xi32, #tpu.memory_space<hbm>> -> memref<4x128xi32, #tpu.memory_space<hbm>>
          %dma_start3A_814 = arith.constant 0 : i32
          %dma_start3A_815 = arith.constant 0 : i32
          %dma_start3A_816 = tpu.memref_slice %arg5[%add3A_797, %dma_start3A_814, %dma_start3A_815] : memref<625x4x128xi32, #tpu.memory_space<hbm>> -> memref<1x4x128xi32, #tpu.memory_space<hbm>>
          %dma_start3A_817 = tpu.memref_squeeze %dma_start3A_816 : memref<1x4x128xi32, #tpu.memory_space<hbm>> -> memref<4x128xi32, #tpu.memory_space<hbm>>
          tpu.enqueue_dma source(%dma_start3A_817 : memref<4x128xi32, #tpu.memory_space<hbm>>) target(%arg10 : memref<4x128xi32, #tpu.memory_space<vmem>>) target_semaphore(%run_scoped3A : memref<!tpu.dma_semaphore, #tpu.memory_space<semaphore_mem>>)
          %dma_wait3A = arith.constant 0 : i32
          %dma_wait3A_818 = arith.constant 0 : i32
          %dma_wait3A_819 = tpu.memref_slice %arg5[%add3A_797, %dma_wait3A, %dma_wait3A_818] : memref<625x4x128xi32, #tpu.memory_space<hbm>> -> memref<1x4x128xi32, #tpu.memory_space<hbm>>
          %dma_wait3A_820 = tpu.memref_squeeze %dma_wait3A_819 : memref<1x4x128xi32, #tpu.memory_space<hbm>> -> memref<4x128xi32, #tpu.memory_space<hbm>>
          %dma_wait3A_821 = arith.constant 0 : i32
          %dma_wait3A_822 = arith.constant 0 : i32
          %dma_wait3A_823 = tpu.memref_slice %arg5[%add3A_797, %dma_wait3A_821, %dma_wait3A_822] : memref<625x4x128xi32, #tpu.memory_space<hbm>> -> memref<1x4x128xi32, #tpu.memory_space<hbm>>
          %dma_wait3A_824 = tpu.memref_squeeze %dma_wait3A_823 : memref<1x4x128xi32, #tpu.memory_space<hbm>> -> memref<4x128xi32, #tpu.memory_space<hbm>>
          tpu.wait_dma2 semaphore(%run_scoped3A : memref<!tpu.dma_semaphore, #tpu.memory_space<semaphore_mem>>) src(%dma_wait3A_824 : memref<4x128xi32, #tpu.memory_space<hbm>>) dst(%arg10 : memref<4x128xi32, #tpu.memory_space<vmem>>)
          tpu.yield
        }) : () -> ()
      } else {
      }
      %eq3A_800 = arith.constant 1 : i32
      %eq3A_801 = arith.cmpi eq, %arg0, %eq3A_800 : i32
      %convert_element_type3A_802 = arith.extui %eq3A_801 : i1 to i32
      %cond3A_803 = arith.constant 0 : i32
      %cond3A_804 = arith.cmpi ne, %convert_element_type3A_802, %cond3A_803 : i32
      scf.if %cond3A_804 {
        "tpu.region"() ({
          %run_scoped3A = tpu.sem_alloc : memref<!tpu.dma_semaphore, #tpu.memory_space<semaphore_mem>>
          %dma_start3A = arith.constant 0 : i32
          %dma_start3A_811 = arith.constant 0 : i32
          %dma_start3A_812 = tpu.memref_slice %arg6[%add3A_797, %dma_start3A, %dma_start3A_811] : memref<625x4x128xi32, #tpu.memory_space<hbm>> -> memref<1x4x128xi32, #tpu.memory_space<hbm>>
          %dma_start3A_813 = tpu.memref_squeeze %dma_start3A_812 : memref<1x4x128xi32, #tpu.memory_space<hbm>> -> memref<4x128xi32, #tpu.memory_space<hbm>>
          %dma_start3A_814 = arith.constant 0 : i32
          %dma_start3A_815 = arith.constant 0 : i32
          %dma_start3A_816 = tpu.memref_slice %arg6[%add3A_797, %dma_start3A_814, %dma_start3A_815] : memref<625x4x128xi32, #tpu.memory_space<hbm>> -> memref<1x4x128xi32, #tpu.memory_space<hbm>>
          %dma_start3A_817 = tpu.memref_squeeze %dma_start3A_816 : memref<1x4x128xi32, #tpu.memory_space<hbm>> -> memref<4x128xi32, #tpu.memory_space<hbm>>
          tpu.enqueue_dma source(%dma_start3A_817 : memref<4x128xi32, #tpu.memory_space<hbm>>) target(%arg9 : memref<4x128xi32, #tpu.memory_space<vmem>>) target_semaphore(%run_scoped3A : memref<!tpu.dma_semaphore, #tpu.memory_space<semaphore_mem>>)
          %dma_wait3A = arith.constant 0 : i32
          %dma_wait3A_818 = arith.constant 0 : i32
          %dma_wait3A_819 = tpu.memref_slice %arg6[%add3A_797, %dma_wait3A, %dma_wait3A_818] : memref<625x4x128xi32, #tpu.memory_space<hbm>> -> memref<1x4x128xi32, #tpu.memory_space<hbm>>
          %dma_wait3A_820 = tpu.memref_squeeze %dma_wait3A_819 : memref<1x4x128xi32, #tpu.memory_space<hbm>> -> memref<4x128xi32, #tpu.memory_space<hbm>>
          %dma_wait3A_821 = arith.constant 0 : i32
          %dma_wait3A_822 = arith.constant 0 : i32
          %dma_wait3A_823 = tpu.memref_slice %arg6[%add3A_797, %dma_wait3A_821, %dma_wait3A_822] : memref<625x4x128xi32, #tpu.memory_space<hbm>> -> memref<1x4x128xi32, #tpu.memory_space<hbm>>
          %dma_wait3A_824 = tpu.memref_squeeze %dma_wait3A_823 : memref<1x4x128xi32, #tpu.memory_space<hbm>> -> memref<4x128xi32, #tpu.memory_space<hbm>>
          tpu.wait_dma2 semaphore(%run_scoped3A : memref<!tpu.dma_semaphore, #tpu.memory_space<semaphore_mem>>) src(%dma_wait3A_824 : memref<4x128xi32, #tpu.memory_space<hbm>>) dst(%arg9 : memref<4x128xi32, #tpu.memory_space<vmem>>)
          tpu.yield
        }) : () -> ()
        "tpu.region"() ({
          %run_scoped3A = tpu.sem_alloc : memref<!tpu.dma_semaphore, #tpu.memory_space<semaphore_mem>>
          %dma_start3A = arith.constant 0 : i32
          %dma_start3A_811 = arith.constant 0 : i32
          %dma_start3A_812 = tpu.memref_slice %arg7[%add3A_797, %dma_start3A, %dma_start3A_811] : memref<625x4x128xi32, #tpu.memory_space<hbm>> -> memref<1x4x128xi32, #tpu.memory_space<hbm>>
          %dma_start3A_813 = tpu.memref_squeeze %dma_start3A_812 : memref<1x4x128xi32, #tpu.memory_space<hbm>> -> memref<4x128xi32, #tpu.memory_space<hbm>>
          %dma_start3A_814 = arith.constant 0 : i32
          %dma_start3A_815 = arith.constant 0 : i32
          %dma_start3A_816 = tpu.memref_slice %arg7[%add3A_797, %dma_start3A_814, %dma_start3A_815] : memref<625x4x128xi32, #tpu.memory_space<hbm>> -> memref<1x4x128xi32, #tpu.memory_space<hbm>>
          %dma_start3A_817 = tpu.memref_squeeze %dma_start3A_816 : memref<1x4x128xi32, #tpu.memory_space<hbm>> -> memref<4x128xi32, #tpu.memory_space<hbm>>
          tpu.enqueue_dma source(%dma_start3A_817 : memref<4x128xi32, #tpu.memory_space<hbm>>) target(%arg10 : memref<4x128xi32, #tpu.memory_space<vmem>>) target_semaphore(%run_scoped3A : memref<!tpu.dma_semaphore, #tpu.memory_space<semaphore_mem>>)
          %dma_wait3A = arith.constant 0 : i32
          %dma_wait3A_818 = arith.constant 0 : i32
          %dma_wait3A_819 = tpu.memref_slice %arg7[%add3A_797, %dma_wait3A, %dma_wait3A_818] : memref<625x4x128xi32, #tpu.memory_space<hbm>> -> memref<1x4x128xi32, #tpu.memory_space<hbm>>
          %dma_wait3A_820 = tpu.memref_squeeze %dma_wait3A_819 : memref<1x4x128xi32, #tpu.memory_space<hbm>> -> memref<4x128xi32, #tpu.memory_space<hbm>>
          %dma_wait3A_821 = arith.constant 0 : i32
          %dma_wait3A_822 = arith.constant 0 : i32
          %dma_wait3A_823 = tpu.memref_slice %arg7[%add3A_797, %dma_wait3A_821, %dma_wait3A_822] : memref<625x4x128xi32, #tpu.memory_space<hbm>> -> memref<1x4x128xi32, #tpu.memory_space<hbm>>
          %dma_wait3A_824 = tpu.memref_squeeze %dma_wait3A_823 : memref<1x4x128xi32, #tpu.memory_space<hbm>> -> memref<4x128xi32, #tpu.memory_space<hbm>>
          tpu.wait_dma2 semaphore(%run_scoped3A : memref<!tpu.dma_semaphore, #tpu.memory_space<semaphore_mem>>) src(%dma_wait3A_824 : memref<4x128xi32, #tpu.memory_space<hbm>>) dst(%arg10 : memref<4x128xi32, #tpu.memory_space<vmem>>)
          tpu.yield
        }) : () -> ()
      } else {
      }
      %scan3A_805 = arith.constant 0 : i32
      %scan3A_806 = arith.constant 0 : i32
      %scan3A_807 = arith.constant 4 : i32
      %scan3A_808 = arith.addi %scan3A_806, %scan3A_807 : i32
      %scan3A_809 = arith.constant 1 : i32
      scf.for %scan3A_811 = %scan3A_806 to %scan3A_808 step %scan3A_809  : i32 {
        %eq3A_812 = arith.constant 0 : i32
        %eq3A_813 = arith.cmpi eq, %arg0, %eq3A_812 : i32
        %convert_element_type3A_814 = arith.extui %eq3A_813 : i1 to i32
        %cond3A_815 = arith.constant 0 : i32
        %cond3A_816 = arith.cmpi ne, %convert_element_type3A_814, %cond3A_815 : i32
        scf.if %cond3A_816 {
          %dma_start3A = arith.constant 0 : i32
          %dma_start3A_822 = tpu.memref_slice %arg9[%scan3A_811, %dma_start3A] : memref<4x128xi32, #tpu.memory_space<vmem>> -> memref<1x128xi32, #tpu.memory_space<vmem>>
          %dma_start3A_823 = tpu.memref_squeeze %dma_start3A_822 : memref<1x128xi32, #tpu.memory_space<vmem>> -> memref<128xi32, #tpu.memory_space<vmem>>
          %dma_start3A_824 = arith.constant 0 : i32
          %dma_start3A_825 = arith.constant 0 : i32
          %dma_start3A_826 = tpu.memref_slice %arg2[%dma_start3A_824, %dma_start3A_825] : memref<10000x128xf32, #tpu.memory_space<hbm>> -> memref<10000x128xf32, #tpu.memory_space<hbm>>
          tpu.enqueue_indirect_dma source(%dma_start3A_826 : memref<10000x128xf32, #tpu.memory_space<hbm>>) target(%arg11 : memref<128x128xf32, #tpu.memory_space<vmem>>) offsets(%dma_start3A_823 : memref<128xi32, #tpu.memory_space<vmem>>) semaphore(%arg13 : memref<!tpu.dma_semaphore, #tpu.memory_space<semaphore_mem>>)
          %dma_wait3A = arith.constant 0 : i32
          %dma_wait3A_827 = tpu.memref_slice %arg9[%scan3A_811, %dma_wait3A] : memref<4x128xi32, #tpu.memory_space<vmem>> -> memref<1x128xi32, #tpu.memory_space<vmem>>
          %dma_wait3A_828 = tpu.memref_squeeze %dma_wait3A_827 : memref<1x128xi32, #tpu.memory_space<vmem>> -> memref<128xi32, #tpu.memory_space<vmem>>
          %dma_wait3A_829 = arith.constant 0 : i32
          %dma_wait3A_830 = arith.constant 0 : i32
          %dma_wait3A_831 = tpu.memref_slice %arg2[%dma_wait3A_829, %dma_wait3A_830] : memref<10000x128xf32, #tpu.memory_space<hbm>> -> memref<10000x128xf32, #tpu.memory_space<hbm>>
          tpu.wait_indirect_dma semaphore(%arg13 : memref<!tpu.dma_semaphore, #tpu.memory_space<semaphore_mem>>) src(%dma_wait3A_831 : memref<10000x128xf32, #tpu.memory_space<hbm>>) dst(%arg11 : memref<128x128xf32, #tpu.memory_space<vmem>>)
        } else {
        }
        %eq3A_817 = arith.constant 1 : i32
        %eq3A_818 = arith.cmpi eq, %arg0, %eq3A_817 : i32
        %convert_element_type3A_819 = arith.extui %eq3A_818 : i1 to i32
        %cond3A_820 = arith.constant 0 : i32
        %cond3A_821 = arith.cmpi ne, %convert_element_type3A_819, %cond3A_820 : i32
        scf.if %cond3A_821 {
          %dma_start3A = arith.constant 0 : i32
          %dma_start3A_822 = tpu.memref_slice %arg9[%scan3A_811, %dma_start3A] : memref<4x128xi32, #tpu.memory_space<vmem>> -> memref<1x128xi32, #tpu.memory_space<vmem>>
          %dma_start3A_823 = tpu.memref_squeeze %dma_start3A_822 : memref<1x128xi32, #tpu.memory_space<vmem>> -> memref<128xi32, #tpu.memory_space<vmem>>
          %dma_start3A_824 = arith.constant 0 : i32
          %dma_start3A_825 = arith.constant 0 : i32
          %dma_start3A_826 = tpu.memref_slice %arg3[%dma_start3A_824, %dma_start3A_825] : memref<10000x128xf32, #tpu.memory_space<hbm>> -> memref<10000x128xf32, #tpu.memory_space<hbm>>
          tpu.enqueue_indirect_dma source(%dma_start3A_826 : memref<10000x128xf32, #tpu.memory_space<hbm>>) target(%arg11 : memref<128x128xf32, #tpu.memory_space<vmem>>) offsets(%dma_start3A_823 : memref<128xi32, #tpu.memory_space<vmem>>) semaphore(%arg13 : memref<!tpu.dma_semaphore, #tpu.memory_space<semaphore_mem>>)
          %dma_wait3A = arith.constant 0 : i32
          %dma_wait3A_827 = tpu.memref_slice %arg9[%scan3A_811, %dma_wait3A] : memref<4x128xi32, #tpu.memory_space<vmem>> -> memref<1x128xi32, #tpu.memory_space<vmem>>
          %dma_wait3A_828 = tpu.memref_squeeze %dma_wait3A_827 : memref<1x128xi32, #tpu.memory_space<vmem>> -> memref<128xi32, #tpu.memory_space<vmem>>
          %dma_wait3A_829 = arith.constant 0 : i32
          %dma_wait3A_830 = arith.constant 0 : i32
          %dma_wait3A_831 = tpu.memref_slice %arg3[%dma_wait3A_829, %dma_wait3A_830] : memref<10000x128xf32, #tpu.memory_space<hbm>> -> memref<10000x128xf32, #tpu.memory_space<hbm>>
          tpu.wait_indirect_dma semaphore(%arg13 : memref<!tpu.dma_semaphore, #tpu.memory_space<semaphore_mem>>) src(%dma_wait3A_831 : memref<10000x128xf32, #tpu.memory_space<hbm>>) dst(%arg11 : memref<128x128xf32, #tpu.memory_space<vmem>>)
        } else {
        }
        "tpu.region"() ({
          %run_scoped3A = tpu.sem_alloc : memref<!tpu.dma_semaphore, #tpu.memory_space<semaphore_mem>>
          %dma_start3A = arith.constant 0 : i32
          %dma_start3A_822 = tpu.memref_slice %arg10[%scan3A_811, %dma_start3A] : memref<4x128xi32, #tpu.memory_space<vmem>> -> memref<1x128xi32, #tpu.memory_space<vmem>>
          %dma_start3A_823 = tpu.memref_squeeze %dma_start3A_822 : memref<1x128xi32, #tpu.memory_space<vmem>> -> memref<128xi32, #tpu.memory_space<vmem>>
          %dma_start3A_824 = arith.constant 0 : i32
          %dma_start3A_825 = arith.constant 0 : i32
          %dma_start3A_826 = tpu.memref_slice %arg12[%dma_start3A_824, %dma_start3A_825] : memref<10240x128xf32, #tpu.memory_space<vmem_shared>> -> memref<10240x128xf32, #tpu.memory_space<vmem_shared>>
          tpu.enqueue_indirect_dma source(%arg11 : memref<128x128xf32, #tpu.memory_space<vmem>>) target(%dma_start3A_826 : memref<10240x128xf32, #tpu.memory_space<vmem_shared>>) offsets(%dma_start3A_823 : memref<128xi32, #tpu.memory_space<vmem>>) semaphore(%run_scoped3A : memref<!tpu.dma_semaphore, #tpu.memory_space<semaphore_mem>>) {add = true}
          %dma_wait3A = arith.constant 0 : i32
          %dma_wait3A_827 = tpu.memref_slice %arg10[%scan3A_811, %dma_wait3A] : memref<4x128xi32, #tpu.memory_space<vmem>> -> memref<1x128xi32, #tpu.memory_space<vmem>>
          %dma_wait3A_828 = tpu.memref_squeeze %dma_wait3A_827 : memref<1x128xi32, #tpu.memory_space<vmem>> -> memref<128xi32, #tpu.memory_space<vmem>>
          %dma_wait3A_829 = arith.constant 0 : i32
          %dma_wait3A_830 = arith.constant 0 : i32
          %dma_wait3A_831 = tpu.memref_slice %arg12[%dma_wait3A_829, %dma_wait3A_830] : memref<10240x128xf32, #tpu.memory_space<vmem_shared>> -> memref<10240x128xf32, #tpu.memory_space<vmem_shared>>
          tpu.wait_indirect_dma semaphore(%run_scoped3A : memref<!tpu.dma_semaphore, #tpu.memory_space<semaphore_mem>>) src(%arg11 : memref<128x128xf32, #tpu.memory_space<vmem>>) dst(%dma_wait3A_831 : memref<10240x128xf32, #tpu.memory_space<vmem_shared>>)
          tpu.yield
        }) : () -> ()
      }
      %scan3A_810 = arith.constant 4 : i32
    }
    %while3A_783 = arith.constant 1 : i32
    scf.for %while3A_794 = %while3A_781 to %while3A_777 step %while3A_783  : i32 {
      %mul3A_795 = arith.constant 16 : i32
      %mul3A_796 = arith.muli %while3A_794, %mul3A_795 : i32
      %add3A_797 = arith.addi %mul3A_796, %arg1 : i32
      %eq3A = arith.constant 0 : i32
      %eq3A_798 = arith.cmpi eq, %arg0, %eq3A : i32
      %convert_element_type3A = arith.extui %eq3A_798 : i1 to i32
      %cond3A = arith.constant 0 : i32
      %cond3A_799 = arith.cmpi ne, %convert_element_type3A, %cond3A : i32
      scf.if %cond3A_799 {
        "tpu.region"() ({
          %run_scoped3A = tpu.sem_alloc : memref<!tpu.dma_semaphore, #tpu.memory_space<semaphore_mem>>
          %dma_start3A = arith.constant 0 : i32
          %dma_start3A_811 = arith.constant 0 : i32
          %dma_start3A_812 = tpu.memref_slice %arg4[%add3A_797, %dma_start3A, %dma_start3A_811] : memref<625x4x128xi32, #tpu.memory_space<hbm>> -> memref<1x4x128xi32, #tpu.memory_space<hbm>>
          %dma_start3A_813 = tpu.memref_squeeze %dma_start3A_812 : memref<1x4x128xi32, #tpu.memory_space<hbm>> -> memref<4x128xi32, #tpu.memory_space<hbm>>
          %dma_start3A_814 = arith.constant 0 : i32
          %dma_start3A_815 = arith.constant 0 : i32
          %dma_start3A_816 = tpu.memref_slice %arg4[%add3A_797, %dma_start3A_814, %dma_start3A_815] : memref<625x4x128xi32, #tpu.memory_space<hbm>> -> memref<1x4x128xi32, #tpu.memory_space<hbm>>
          %dma_start3A_817 = tpu.memref_squeeze %dma_start3A_816 : memref<1x4x128xi32, #tpu.memory_space<hbm>> -> memref<4x128xi32, #tpu.memory_space<hbm>>
          tpu.enqueue_dma source(%dma_start3A_817 : memref<4x128xi32, #tpu.memory_space<hbm>>) target(%arg9 : memref<4x128xi32, #tpu.memory_space<vmem>>) target_semaphore(%run_scoped3A : memref<!tpu.dma_semaphore, #tpu.memory_space<semaphore_mem>>)
          %dma_wait3A = arith.constant 0 : i32
          %dma_wait3A_818 = arith.constant 0 : i32
          %dma_wait3A_819 = tpu.memref_slice %arg4[%add3A_797, %dma_wait3A, %dma_wait3A_818] : memref<625x4x128xi32, #tpu.memory_space<hbm>> -> memref<1x4x128xi32, #tpu.memory_space<hbm>>
          %dma_wait3A_820 = tpu.memref_squeeze %dma_wait3A_819 : memref<1x4x128xi32, #tpu.memory_space<hbm>> -> memref<4x128xi32, #tpu.memory_space<hbm>>
          %dma_wait3A_821 = arith.constant 0 : i32
          %dma_wait3A_822 = arith.constant 0 : i32
          %dma_wait3A_823 = tpu.memref_slice %arg4[%add3A_797, %dma_wait3A_821, %dma_wait3A_822] : memref<625x4x128xi32, #tpu.memory_space<hbm>> -> memref<1x4x128xi32, #tpu.memory_space<hbm>>
          %dma_wait3A_824 = tpu.memref_squeeze %dma_wait3A_823 : memref<1x4x128xi32, #tpu.memory_space<hbm>> -> memref<4x128xi32, #tpu.memory_space<hbm>>
          tpu.wait_dma2 semaphore(%run_scoped3A : memref<!tpu.dma_semaphore, #tpu.memory_space<semaphore_mem>>) src(%dma_wait3A_824 : memref<4x128xi32, #tpu.memory_space<hbm>>) dst(%arg9 : memref<4x128xi32, #tpu.memory_space<vmem>>)
          tpu.yield
        }) : () -> ()
        "tpu.region"() ({
          %run_scoped3A = tpu.sem_alloc : memref<!tpu.dma_semaphore, #tpu.memory_space<semaphore_mem>>
          %dma_start3A = arith.constant 0 : i32
          %dma_start3A_811 = arith.constant 0 : i32
          %dma_start3A_812 = tpu.memref_slice %arg5[%add3A_797, %dma_start3A, %dma_start3A_811] : memref<625x4x128xi32, #tpu.memory_space<hbm>> -> memref<1x4x128xi32, #tpu.memory_space<hbm>>
          %dma_start3A_813 = tpu.memref_squeeze %dma_start3A_812 : memref<1x4x128xi32, #tpu.memory_space<hbm>> -> memref<4x128xi32, #tpu.memory_space<hbm>>
          %dma_start3A_814 = arith.constant 0 : i32
          %dma_start3A_815 = arith.constant 0 : i32
          %dma_start3A_816 = tpu.memref_slice %arg5[%add3A_797, %dma_start3A_814, %dma_start3A_815] : memref<625x4x128xi32, #tpu.memory_space<hbm>> -> memref<1x4x128xi32, #tpu.memory_space<hbm>>
          %dma_start3A_817 = tpu.memref_squeeze %dma_start3A_816 : memref<1x4x128xi32, #tpu.memory_space<hbm>> -> memref<4x128xi32, #tpu.memory_space<hbm>>
          tpu.enqueue_dma source(%dma_start3A_817 : memref<4x128xi32, #tpu.memory_space<hbm>>) target(%arg10 : memref<4x128xi32, #tpu.memory_space<vmem>>) target_semaphore(%run_scoped3A : memref<!tpu.dma_semaphore, #tpu.memory_space<semaphore_mem>>)
          %dma_wait3A = arith.constant 0 : i32
          %dma_wait3A_818 = arith.constant 0 : i32
          %dma_wait3A_819 = tpu.memref_slice %arg5[%add3A_797, %dma_wait3A, %dma_wait3A_818] : memref<625x4x128xi32, #tpu.memory_space<hbm>> -> memref<1x4x128xi32, #tpu.memory_space<hbm>>
          %dma_wait3A_820 = tpu.memref_squeeze %dma_wait3A_819 : memref<1x4x128xi32, #tpu.memory_space<hbm>> -> memref<4x128xi32, #tpu.memory_space<hbm>>
          %dma_wait3A_821 = arith.constant 0 : i32
          %dma_wait3A_822 = arith.constant 0 : i32
          %dma_wait3A_823 = tpu.memref_slice %arg5[%add3A_797, %dma_wait3A_821, %dma_wait3A_822] : memref<625x4x128xi32, #tpu.memory_space<hbm>> -> memref<1x4x128xi32, #tpu.memory_space<hbm>>
          %dma_wait3A_824 = tpu.memref_squeeze %dma_wait3A_823 : memref<1x4x128xi32, #tpu.memory_space<hbm>> -> memref<4x128xi32, #tpu.memory_space<hbm>>
          tpu.wait_dma2 semaphore(%run_scoped3A : memref<!tpu.dma_semaphore, #tpu.memory_space<semaphore_mem>>) src(%dma_wait3A_824 : memref<4x128xi32, #tpu.memory_space<hbm>>) dst(%arg10 : memref<4x128xi32, #tpu.memory_space<vmem>>)
          tpu.yield
        }) : () -> ()
      } else {
      }
      %eq3A_800 = arith.constant 1 : i32
      %eq3A_801 = arith.cmpi eq, %arg0, %eq3A_800 : i32
      %convert_element_type3A_802 = arith.extui %eq3A_801 : i1 to i32
      %cond3A_803 = arith.constant 0 : i32
      %cond3A_804 = arith.cmpi ne, %convert_element_type3A_802, %cond3A_803 : i32
      scf.if %cond3A_804 {
        "tpu.region"() ({
          %run_scoped3A = tpu.sem_alloc : memref<!tpu.dma_semaphore, #tpu.memory_space<semaphore_mem>>
          %dma_start3A = arith.constant 0 : i32
          %dma_start3A_811 = arith.constant 0 : i32
          %dma_start3A_812 = tpu.memref_slice %arg6[%add3A_797, %dma_start3A, %dma_start3A_811] : memref<625x4x128xi32, #tpu.memory_space<hbm>> -> memref<1x4x128xi32, #tpu.memory_space<hbm>>
          %dma_start3A_813 = tpu.memref_squeeze %dma_start3A_812 : memref<1x4x128xi32, #tpu.memory_space<hbm>> -> memref<4x128xi32, #tpu.memory_space<hbm>>
          %dma_start3A_814 = arith.constant 0 : i32
          %dma_start3A_815 = arith.constant 0 : i32
          %dma_start3A_816 = tpu.memref_slice %arg6[%add3A_797, %dma_start3A_814, %dma_start3A_815] : memref<625x4x128xi32, #tpu.memory_space<hbm>> -> memref<1x4x128xi32, #tpu.memory_space<hbm>>
          %dma_start3A_817 = tpu.memref_squeeze %dma_start3A_816 : memref<1x4x128xi32, #tpu.memory_space<hbm>> -> memref<4x128xi32, #tpu.memory_space<hbm>>
          tpu.enqueue_dma source(%dma_start3A_817 : memref<4x128xi32, #tpu.memory_space<hbm>>) target(%arg9 : memref<4x128xi32, #tpu.memory_space<vmem>>) target_semaphore(%run_scoped3A : memref<!tpu.dma_semaphore, #tpu.memory_space<semaphore_mem>>)
          %dma_wait3A = arith.constant 0 : i32
          %dma_wait3A_818 = arith.constant 0 : i32
          %dma_wait3A_819 = tpu.memref_slice %arg6[%add3A_797, %dma_wait3A, %dma_wait3A_818] : memref<625x4x128xi32, #tpu.memory_space<hbm>> -> memref<1x4x128xi32, #tpu.memory_space<hbm>>
          %dma_wait3A_820 = tpu.memref_squeeze %dma_wait3A_819 : memref<1x4x128xi32, #tpu.memory_space<hbm>> -> memref<4x128xi32, #tpu.memory_space<hbm>>
          %dma_wait3A_821 = arith.constant 0 : i32
          %dma_wait3A_822 = arith.constant 0 : i32
          %dma_wait3A_823 = tpu.memref_slice %arg6[%add3A_797, %dma_wait3A_821, %dma_wait3A_822] : memref<625x4x128xi32, #tpu.memory_space<hbm>> -> memref<1x4x128xi32, #tpu.memory_space<hbm>>
          %dma_wait3A_824 = tpu.memref_squeeze %dma_wait3A_823 : memref<1x4x128xi32, #tpu.memory_space<hbm>> -> memref<4x128xi32, #tpu.memory_space<hbm>>
          tpu.wait_dma2 semaphore(%run_scoped3A : memref<!tpu.dma_semaphore, #tpu.memory_space<semaphore_mem>>) src(%dma_wait3A_824 : memref<4x128xi32, #tpu.memory_space<hbm>>) dst(%arg9 : memref<4x128xi32, #tpu.memory_space<vmem>>)
          tpu.yield
        }) : () -> ()
        "tpu.region"() ({
          %run_scoped3A = tpu.sem_alloc : memref<!tpu.dma_semaphore, #tpu.memory_space<semaphore_mem>>
          %dma_start3A = arith.constant 0 : i32
          %dma_start3A_811 = arith.constant 0 : i32
          %dma_start3A_812 = tpu.memref_slice %arg7[%add3A_797, %dma_start3A, %dma_start3A_811] : memref<625x4x128xi32, #tpu.memory_space<hbm>> -> memref<1x4x128xi32, #tpu.memory_space<hbm>>
          %dma_start3A_813 = tpu.memref_squeeze %dma_start3A_812 : memref<1x4x128xi32, #tpu.memory_space<hbm>> -> memref<4x128xi32, #tpu.memory_space<hbm>>
          %dma_start3A_814 = arith.constant 0 : i32
          %dma_start3A_815 = arith.constant 0 : i32
          %dma_start3A_816 = tpu.memref_slice %arg7[%add3A_797, %dma_start3A_814, %dma_start3A_815] : memref<625x4x128xi32, #tpu.memory_space<hbm>> -> memref<1x4x128xi32, #tpu.memory_space<hbm>>
          %dma_start3A_817 = tpu.memref_squeeze %dma_start3A_816 : memref<1x4x128xi32, #tpu.memory_space<hbm>> -> memref<4x128xi32, #tpu.memory_space<hbm>>
          tpu.enqueue_dma source(%dma_start3A_817 : memref<4x128xi32, #tpu.memory_space<hbm>>) target(%arg10 : memref<4x128xi32, #tpu.memory_space<vmem>>) target_semaphore(%run_scoped3A : memref<!tpu.dma_semaphore, #tpu.memory_space<semaphore_mem>>)
          %dma_wait3A = arith.constant 0 : i32
          %dma_wait3A_818 = arith.constant 0 : i32
          %dma_wait3A_819 = tpu.memref_slice %arg7[%add3A_797, %dma_wait3A, %dma_wait3A_818] : memref<625x4x128xi32, #tpu.memory_space<hbm>> -> memref<1x4x128xi32, #tpu.memory_space<hbm>>
          %dma_wait3A_820 = tpu.memref_squeeze %dma_wait3A_819 : memref<1x4x128xi32, #tpu.memory_space<hbm>> -> memref<4x128xi32, #tpu.memory_space<hbm>>
          %dma_wait3A_821 = arith.constant 0 : i32
          %dma_wait3A_822 = arith.constant 0 : i32
          %dma_wait3A_823 = tpu.memref_slice %arg7[%add3A_797, %dma_wait3A_821, %dma_wait3A_822] : memref<625x4x128xi32, #tpu.memory_space<hbm>> -> memref<1x4x128xi32, #tpu.memory_space<hbm>>
          %dma_wait3A_824 = tpu.memref_squeeze %dma_wait3A_823 : memref<1x4x128xi32, #tpu.memory_space<hbm>> -> memref<4x128xi32, #tpu.memory_space<hbm>>
          tpu.wait_dma2 semaphore(%run_scoped3A : memref<!tpu.dma_semaphore, #tpu.memory_space<semaphore_mem>>) src(%dma_wait3A_824 : memref<4x128xi32, #tpu.memory_space<hbm>>) dst(%arg10 : memref<4x128xi32, #tpu.memory_space<vmem>>)
          tpu.yield
        }) : () -> ()
      } else {
      }
      %scan3A_805 = arith.constant 0 : i32
      %scan3A_806 = arith.constant 0 : i32
      %scan3A_807 = arith.constant 4 : i32
      %scan3A_808 = arith.addi %scan3A_806, %scan3A_807 : i32
      %scan3A_809 = arith.constant 1 : i32
      scf.for %scan3A_811 = %scan3A_806 to %scan3A_808 step %scan3A_809  : i32 {
        %eq3A_812 = arith.constant 0 : i32
        %eq3A_813 = arith.cmpi eq, %arg0, %eq3A_812 : i32
        %convert_element_type3A_814 = arith.extui %eq3A_813 : i1 to i32
        %cond3A_815 = arith.constant 0 : i32
        %cond3A_816 = arith.cmpi ne, %convert_element_type3A_814, %cond3A_815 : i32
        scf.if %cond3A_816 {
          %dma_start3A = arith.constant 0 : i32
          %dma_start3A_822 = tpu.memref_slice %arg9[%scan3A_811, %dma_start3A] : memref<4x128xi32, #tpu.memory_space<vmem>> -> memref<1x128xi32, #tpu.memory_space<vmem>>
          %dma_start3A_823 = tpu.memref_squeeze %dma_start3A_822 : memref<1x128xi32, #tpu.memory_space<vmem>> -> memref<128xi32, #tpu.memory_space<vmem>>
          %dma_start3A_824 = arith.constant 0 : i32
          %dma_start3A_825 = arith.constant 0 : i32
          %dma_start3A_826 = tpu.memref_slice %arg2[%dma_start3A_824, %dma_start3A_825] : memref<10000x128xf32, #tpu.memory_space<hbm>> -> memref<10000x128xf32, #tpu.memory_space<hbm>>
          tpu.enqueue_indirect_dma source(%dma_start3A_826 : memref<10000x128xf32, #tpu.memory_space<hbm>>) target(%arg11 : memref<128x128xf32, #tpu.memory_space<vmem>>) offsets(%dma_start3A_823 : memref<128xi32, #tpu.memory_space<vmem>>) semaphore(%arg13 : memref<!tpu.dma_semaphore, #tpu.memory_space<semaphore_mem>>)
          %dma_wait3A = arith.constant 0 : i32
          %dma_wait3A_827 = tpu.memref_slice %arg9[%scan3A_811, %dma_wait3A] : memref<4x128xi32, #tpu.memory_space<vmem>> -> memref<1x128xi32, #tpu.memory_space<vmem>>
          %dma_wait3A_828 = tpu.memref_squeeze %dma_wait3A_827 : memref<1x128xi32, #tpu.memory_space<vmem>> -> memref<128xi32, #tpu.memory_space<vmem>>
          %dma_wait3A_829 = arith.constant 0 : i32
          %dma_wait3A_830 = arith.constant 0 : i32
          %dma_wait3A_831 = tpu.memref_slice %arg2[%dma_wait3A_829, %dma_wait3A_830] : memref<10000x128xf32, #tpu.memory_space<hbm>> -> memref<10000x128xf32, #tpu.memory_space<hbm>>
          tpu.wait_indirect_dma semaphore(%arg13 : memref<!tpu.dma_semaphore, #tpu.memory_space<semaphore_mem>>) src(%dma_wait3A_831 : memref<10000x128xf32, #tpu.memory_space<hbm>>) dst(%arg11 : memref<128x128xf32, #tpu.memory_space<vmem>>)
        } else {
        }
        %eq3A_817 = arith.constant 1 : i32
        %eq3A_818 = arith.cmpi eq, %arg0, %eq3A_817 : i32
        %convert_element_type3A_819 = arith.extui %eq3A_818 : i1 to i32
        %cond3A_820 = arith.constant 0 : i32
        %cond3A_821 = arith.cmpi ne, %convert_element_type3A_819, %cond3A_820 : i32
        scf.if %cond3A_821 {
          %dma_start3A = arith.constant 0 : i32
          %dma_start3A_822 = tpu.memref_slice %arg9[%scan3A_811, %dma_start3A] : memref<4x128xi32, #tpu.memory_space<vmem>> -> memref<1x128xi32, #tpu.memory_space<vmem>>
          %dma_start3A_823 = tpu.memref_squeeze %dma_start3A_822 : memref<1x128xi32, #tpu.memory_space<vmem>> -> memref<128xi32, #tpu.memory_space<vmem>>
          %dma_start3A_824 = arith.constant 0 : i32
          %dma_start3A_825 = arith.constant 0 : i32
          %dma_start3A_826 = tpu.memref_slice %arg3[%dma_start3A_824, %dma_start3A_825] : memref<10000x128xf32, #tpu.memory_space<hbm>> -> memref<10000x128xf32, #tpu.memory_space<hbm>>
          tpu.enqueue_indirect_dma source(%dma_start3A_826 : memref<10000x128xf32, #tpu.memory_space<hbm>>) target(%arg11 : memref<128x128xf32, #tpu.memory_space<vmem>>) offsets(%dma_start3A_823 : memref<128xi32, #tpu.memory_space<vmem>>) semaphore(%arg13 : memref<!tpu.dma_semaphore, #tpu.memory_space<semaphore_mem>>)
          %dma_wait3A = arith.constant 0 : i32
          %dma_wait3A_827 = tpu.memref_slice %arg9[%scan3A_811, %dma_wait3A] : memref<4x128xi32, #tpu.memory_space<vmem>> -> memref<1x128xi32, #tpu.memory_space<vmem>>
          %dma_wait3A_828 = tpu.memref_squeeze %dma_wait3A_827 : memref<1x128xi32, #tpu.memory_space<vmem>> -> memref<128xi32, #tpu.memory_space<vmem>>
          %dma_wait3A_829 = arith.constant 0 : i32
          %dma_wait3A_830 = arith.constant 0 : i32
          %dma_wait3A_831 = tpu.memref_slice %arg3[%dma_wait3A_829, %dma_wait3A_830] : memref<10000x128xf32, #tpu.memory_space<hbm>> -> memref<10000x128xf32, #tpu.memory_space<hbm>>
          tpu.wait_indirect_dma semaphore(%arg13 : memref<!tpu.dma_semaphore, #tpu.memory_space<semaphore_mem>>) src(%dma_wait3A_831 : memref<10000x128xf32, #tpu.memory_space<hbm>>) dst(%arg11 : memref<128x128xf32, #tpu.memory_space<vmem>>)
        } else {
        }
        "tpu.region"() ({
          %run_scoped3A = tpu.sem_alloc : memref<!tpu.dma_semaphore, #tpu.memory_space<semaphore_mem>>
          %dma_start3A = arith.constant 0 : i32
          %dma_start3A_822 = tpu.memref_slice %arg10[%scan3A_811, %dma_start3A] : memref<4x128xi32, #tpu.memory_space<vmem>> -> memref<1x128xi32, #tpu.memory_space<vmem>>
          %dma_start3A_823 = tpu.memref_squeeze %dma_start3A_822 : memref<1x128xi32, #tpu.memory_space<vmem>> -> memref<128xi32, #tpu.memory_space<vmem>>
          %dma_start3A_824 = arith.constant 0 : i32
          %dma_start3A_825 = arith.constant 0 : i32
          %dma_start3A_826 = tpu.memref_slice %arg12[%dma_start3A_824, %dma_start3A_825] : memref<10240x128xf32, #tpu.memory_space<vmem_shared>> -> memref<10240x128xf32, #tpu.memory_space<vmem_shared>>
          tpu.enqueue_indirect_dma source(%arg11 : memref<128x128xf32, #tpu.memory_space<vmem>>) target(%dma_start3A_826 : memref<10240x128xf32, #tpu.memory_space<vmem_shared>>) offsets(%dma_start3A_823 : memref<128xi32, #tpu.memory_space<vmem>>) semaphore(%run_scoped3A : memref<!tpu.dma_semaphore, #tpu.memory_space<semaphore_mem>>) {add = true}
          %dma_wait3A = arith.constant 0 : i32
          %dma_wait3A_827 = tpu.memref_slice %arg10[%scan3A_811, %dma_wait3A] : memref<4x128xi32, #tpu.memory_space<vmem>> -> memref<1x128xi32, #tpu.memory_space<vmem>>
          %dma_wait3A_828 = tpu.memref_squeeze %dma_wait3A_827 : memref<1x128xi32, #tpu.memory_space<vmem>> -> memref<128xi32, #tpu.memory_space<vmem>>
          %dma_wait3A_829 = arith.constant 0 : i32
          %dma_wait3A_830 = arith.constant 0 : i32
          %dma_wait3A_831 = tpu.memref_slice %arg12[%dma_wait3A_829, %dma_wait3A_830] : memref<10240x128xf32, #tpu.memory_space<vmem_shared>> -> memref<10240x128xf32, #tpu.memory_space<vmem_shared>>
          tpu.wait_indirect_dma semaphore(%run_scoped3A : memref<!tpu.dma_semaphore, #tpu.memory_space<semaphore_mem>>) src(%arg11 : memref<128x128xf32, #tpu.memory_space<vmem>>) dst(%dma_wait3A_831 : memref<10240x128xf32, #tpu.memory_space<vmem_shared>>)
          tpu.yield
        }) : () -> ()
      }
      %scan3A_810 = arith.constant 4 : i32
    }
    %barrier3A_784 = arith.constant 0 : index
    tpu.barrier barrier_id(%barrier3A_784)
    %mul3A = arith.constant 10240 : i32
    %mul3A_785 = arith.muli %arg0, %mul3A : i32
    %mul3A_786 = arith.constant 640 : i32
    %mul3A_787 = arith.muli %arg1, %mul3A_786 : i32
    %add3A = arith.addi %mul3A_785, %mul3A_787 : i32
    %scan3A_788 = arith.constant 0 : i32
    %scan3A_789 = arith.constant 0 : i32
    %scan3A_790 = arith.constant 40 : i32
    %scan3A_791 = arith.addi %scan3A_789, %scan3A_790 : i32
    %scan3A_792 = arith.constant 1 : i32
    scf.for %scan3A_794 = %scan3A_789 to %scan3A_791 step %scan3A_792  : i32 {
      %mul3A_795 = arith.constant 16 : i32
      %mul3A_796 = arith.muli %scan3A_794, %mul3A_795 : i32
      %add3A_797 = arith.addi %add3A, %mul3A_796 : i32
      %mul3A_798 = arith.constant 640 : i32
      %mul3A_799 = arith.muli %arg1, %mul3A_798 : i32
      %mul3A_800 = arith.constant 16 : i32
      %mul3A_801 = arith.muli %scan3A_794, %mul3A_800 : i32
      %add3A_802 = arith.addi %mul3A_799, %mul3A_801 : i32
      %add3A_803 = vector.broadcast %add3A_802 : i32 to vector<16xi32>
      %add3A_804 = arith.addi %add3A_803, %iota3A : vector<16xi32>
      %dma_start3A = arith.constant 0 : i32
      %dma_start3A_805 = arith.constant 0 : i32
      %dma_start3A_806 = tpu.memref_slice %arg11[%dma_start3A, %dma_start3A_805] : memref<128x128xf32, #tpu.memory_space<vmem>> -> memref<16x128xf32, #tpu.memory_space<vmem>>
      %dma_start3A_807 = arith.constant 0 : i32
      %dma_start3A_808 = arith.constant 0 : i32
      %dma_start3A_809 = tpu.memref_slice %arg12[%dma_start3A_807, %dma_start3A_808] : memref<10240x128xf32, #tpu.memory_space<vmem_shared>> -> memref<10240x128xf32, #tpu.memory_space<vmem_shared>>
      tpu.enqueue_indirect_dma source(%dma_start3A_809 : memref<10240x128xf32, #tpu.memory_space<vmem_shared>>) target(%dma_start3A_806 : memref<16x128xf32, #tpu.memory_space<vmem>>) offsets(%add3A_804 : vector<16xi32>) semaphore(%arg13 : memref<!tpu.dma_semaphore, #tpu.memory_space<semaphore_mem>>)
      %dma_wait3A = arith.constant 0 : i32
      %dma_wait3A_810 = arith.constant 0 : i32
      %dma_wait3A_811 = tpu.memref_slice %arg11[%dma_wait3A, %dma_wait3A_810] : memref<128x128xf32, #tpu.memory_space<vmem>> -> memref<16x128xf32, #tpu.memory_space<vmem>>
      %dma_wait3A_812 = arith.constant 0 : i32
      %dma_wait3A_813 = arith.constant 0 : i32
      %dma_wait3A_814 = tpu.memref_slice %arg12[%dma_wait3A_812, %dma_wait3A_813] : memref<10240x128xf32, #tpu.memory_space<vmem_shared>> -> memref<10240x128xf32, #tpu.memory_space<vmem_shared>>
      tpu.wait_indirect_dma semaphore(%arg13 : memref<!tpu.dma_semaphore, #tpu.memory_space<semaphore_mem>>) src(%dma_wait3A_814 : memref<10240x128xf32, #tpu.memory_space<vmem_shared>>) dst(%dma_wait3A_811 : memref<16x128xf32, #tpu.memory_space<vmem>>)
      "tpu.region"() ({
        %run_scoped3A = tpu.sem_alloc : memref<!tpu.dma_semaphore, #tpu.memory_space<semaphore_mem>>
        %dma_start3A_815 = arith.constant 0 : i32
        %dma_start3A_816 = arith.constant 0 : i32
        %dma_start3A_817 = tpu.memref_slice %arg11[%dma_start3A_815, %dma_start3A_816] : memref<128x128xf32, #tpu.memory_space<vmem>> -> memref<16x128xf32, #tpu.memory_space<vmem>>
        %dma_start3A_818 = arith.constant 0 : i32
        %dma_start3A_819 = tpu.memref_slice %arg8[%add3A_797, %dma_start3A_818] : memref<20480x128xf32, #tpu.memory_space<hbm>> -> memref<16x128xf32, #tpu.memory_space<hbm>>
        %dma_start3A_820 = arith.constant 0 : i32
        %dma_start3A_821 = tpu.memref_slice %arg8[%add3A_797, %dma_start3A_820] : memref<20480x128xf32, #tpu.memory_space<hbm>> -> memref<16x128xf32, #tpu.memory_space<hbm>>
        %dma_start3A_822 = arith.constant 0 : i32
        %dma_start3A_823 = arith.constant 0 : i32
        %dma_start3A_824 = tpu.memref_slice %arg11[%dma_start3A_822, %dma_start3A_823] : memref<128x128xf32, #tpu.memory_space<vmem>> -> memref<16x128xf32, #tpu.memory_space<vmem>>
        tpu.enqueue_dma source(%dma_start3A_824 : memref<16x128xf32, #tpu.memory_space<vmem>>) target(%dma_start3A_821 : memref<16x128xf32, #tpu.memory_space<hbm>>) target_semaphore(%run_scoped3A : memref<!tpu.dma_semaphore, #tpu.memory_space<semaphore_mem>>)
        %dma_wait3A_825 = arith.constant 0 : i32
        %dma_wait3A_826 = arith.constant 0 : i32
        %dma_wait3A_827 = tpu.memref_slice %arg11[%dma_wait3A_825, %dma_wait3A_826] : memref<128x128xf32, #tpu.memory_space<vmem>> -> memref<16x128xf32, #tpu.memory_space<vmem>>
        %dma_wait3A_828 = arith.constant 0 : i32
        %dma_wait3A_829 = tpu.memref_slice %arg8[%add3A_797, %dma_wait3A_828] : memref<20480x128xf32, #tpu.memory_space<hbm>> -> memref<16x128xf32, #tpu.memory_space<hbm>>
        %dma_wait3A_830 = arith.constant 0 : i32
        %dma_wait3A_831 = tpu.memref_slice %arg8[%add3A_797, %dma_wait3A_830] : memref<20480x128xf32, #tpu.memory_space<hbm>> -> memref<16x128xf32, #tpu.memory_space<hbm>>
        %dma_wait3A_832 = arith.constant 0 : i32
        %dma_wait3A_833 = arith.constant 0 : i32
        %dma_wait3A_834 = tpu.memref_slice %arg11[%dma_wait3A_832, %dma_wait3A_833] : memref<128x128xf32, #tpu.memory_space<vmem>> -> memref<16x128xf32, #tpu.memory_space<vmem>>
        tpu.wait_dma2 semaphore(%run_scoped3A : memref<!tpu.dma_semaphore, #tpu.memory_space<semaphore_mem>>) src(%dma_wait3A_834 : memref<16x128xf32, #tpu.memory_space<vmem>>) dst(%dma_wait3A_831 : memref<16x128xf32, #tpu.memory_space<hbm>>)
        tpu.yield
      }) : () -> ()
    }
    %scan3A_793 = arith.constant 40 : i32
    return
  }
}

module attributes {stable_mosaic.version = 14 : i64} {
  func.func @_tc_dense_kernel(%arg0: i32, %arg1: memref<1024x128xf32, #tpu.memory_space<vmem>>, %arg2: memref<1024x128xf32, #tpu.memory_space<vmem>>, %arg3: memref<1024x128xf32, #tpu.memory_space<vmem>>, %arg4: memref<1024x128xf32, #tpu.memory_space<vmem>>, %arg5: memref<1024x128xf32, #tpu.memory_space<vmem>>, %arg6: memref<384x128xf32, #tpu.memory_space<vmem>>, %arg7: memref<1x128xf32, #tpu.memory_space<vmem>>, %arg8: memref<1024x128xf32, #tpu.memory_space<vmem>>) attributes {dimension_semantics = [#tpu.dimension_semantics<arbitrary>], iteration_bounds = array<i64: 10>, scalar_prefetch = 0 : i64, scratch_operands = 0 : i64, tpu.core_type = #tpu.core_type<tc>, window_params = [{transform_indices = @transform_0, window_bounds = array<i64: 1024, 128>}, {transform_indices = @transform_1, window_bounds = array<i64: 1024, 128>}, {transform_indices = @transform_2, window_bounds = array<i64: 1024, 128>}, {transform_indices = @transform_3, window_bounds = array<i64: 1024, 128>}, {transform_indices = @transform_4, window_bounds = array<i64: 1024, 128>}, {pipeline_mode = #tpu.pipeline_mode<synchronous>, transform_indices = @transform_5, window_bounds = array<i64: 384, 128>}, {pipeline_mode = #tpu.pipeline_mode<synchronous>, transform_indices = @transform_6, window_bounds = array<i64: 1, 128>}, {transform_indices = @transform_7, window_bounds = array<i64: 1024, 128>}]} {
    %get3A = arith.constant 0 : index
    %get3A_0 = arith.constant 0 : index
    %get3A_1 = vector.load %arg3[%get3A, %get3A_0] : memref<1024x128xf32, #tpu.memory_space<vmem>>, vector<1024x128xf32>
    %slice3A = vector.extract_strided_slice %get3A_1 {offsets = [0, 0], sizes = [1024, 1], strides = [1, 1]} : vector<1024x128xf32> to vector<1024x1xf32>
    %max3A = arith.constant 1.000000e+00 : f32
    %max3A_2 = vector.broadcast %max3A : f32 to vector<1024x1xf32>
    %max3A_3 = arith.maximumf %slice3A, %max3A_2 : vector<1024x1xf32>
    %get3A_4 = arith.constant 0 : index
    %get3A_5 = arith.constant 0 : index
    %get3A_6 = vector.load %arg4[%get3A_4, %get3A_5] : memref<1024x128xf32, #tpu.memory_space<vmem>>, vector<1024x128xf32>
    %slice3A_7 = vector.extract_strided_slice %get3A_6 {offsets = [0, 0], sizes = [1024, 1], strides = [1, 1]} : vector<1024x128xf32> to vector<1024x1xf32>
    %max3A_8 = arith.constant 1.000000e+00 : f32
    %max3A_9 = vector.broadcast %max3A_8 : f32 to vector<1024x1xf32>
    %max3A_10 = arith.maximumf %slice3A_7, %max3A_9 : vector<1024x1xf32>
    %get3A_11 = arith.constant 0 : index
    %get3A_12 = arith.constant 0 : index
    %get3A_13 = vector.load %arg1[%get3A_11, %get3A_12] : memref<1024x128xf32, #tpu.memory_space<vmem>>, vector<1024x128xf32>
    %div3A = vector.broadcast %max3A_3 : vector<1024x1xf32> to vector<1024x128xf32>
    %div3A_14 = arith.divf %get3A_13, %div3A : vector<1024x128xf32>
    %get3A_15 = arith.constant 0 : index
    %get3A_16 = arith.constant 0 : index
    %get3A_17 = vector.load %arg2[%get3A_15, %get3A_16] : memref<1024x128xf32, #tpu.memory_space<vmem>>, vector<1024x128xf32>
    %div3A_18 = vector.broadcast %max3A_10 : vector<1024x1xf32> to vector<1024x128xf32>
    %div3A_19 = arith.divf %get3A_17, %div3A_18 : vector<1024x128xf32>
    %get3A_20 = arith.constant 0 : index
    %get3A_21 = arith.constant 0 : index
    %get3A_22 = vector.load %arg6[%get3A_20, %get3A_21] : memref<384x128xf32, #tpu.memory_space<vmem>>, vector<384x128xf32>
    %slice3A_23 = vector.extract_strided_slice %get3A_22 {offsets = [0, 0], sizes = [128, 128], strides = [1, 1]} : vector<384x128xf32> to vector<128x128xf32>
    %dot_general3A = arith.constant dense<0.000000e+00> : vector<1024x128xf32>
    %dot_general3A_24 = tpu.matmul %div3A_14, %slice3A_23, %dot_general3A {dimension_numbers = #tpu.dot_dimension_numbers<[1], [0], [0], [1], [0, 0, 1, 1], [], []>, precision = #tpu.contract_precision<fp32>, transpose_lhs_hint = false} : vector<1024x128xf32>, vector<128x128xf32>, vector<1024x128xf32> -> vector<1024x128xf32>
    %slice3A_25 = vector.extract_strided_slice %get3A_22 {offsets = [128, 0], sizes = [128, 128], strides = [1, 1]} : vector<384x128xf32> to vector<128x128xf32>
    %dot_general3A_26 = arith.constant dense<0.000000e+00> : vector<1024x128xf32>
    %dot_general3A_27 = tpu.matmul %div3A_19, %slice3A_25, %dot_general3A_26 {dimension_numbers = #tpu.dot_dimension_numbers<[1], [0], [0], [1], [0, 0, 1, 1], [], []>, precision = #tpu.contract_precision<fp32>, transpose_lhs_hint = false} : vector<1024x128xf32>, vector<128x128xf32>, vector<1024x128xf32> -> vector<1024x128xf32>
    %add3A = arith.addf %dot_general3A_24, %dot_general3A_27 : vector<1024x128xf32>
    %get3A_28 = arith.constant 0 : index
    %get3A_29 = arith.constant 0 : index
    %get3A_30 = vector.load %arg5[%get3A_28, %get3A_29] : memref<1024x128xf32, #tpu.memory_space<vmem>>, vector<1024x128xf32>
    %slice3A_31 = vector.extract_strided_slice %get3A_22 {offsets = [256, 0], sizes = [128, 128], strides = [1, 1]} : vector<384x128xf32> to vector<128x128xf32>
    %dot_general3A_32 = arith.constant dense<0.000000e+00> : vector<1024x128xf32>
    %dot_general3A_33 = tpu.matmul %get3A_30, %slice3A_31, %dot_general3A_32 {dimension_numbers = #tpu.dot_dimension_numbers<[1], [0], [0], [1], [0, 0, 1, 1], [], []>, precision = #tpu.contract_precision<fp32>, transpose_lhs_hint = false} : vector<1024x128xf32>, vector<128x128xf32>, vector<1024x128xf32> -> vector<1024x128xf32>
    %add3A_34 = arith.addf %add3A, %dot_general3A_33 : vector<1024x128xf32>
    %get3A_35 = arith.constant 0 : index
    %get3A_36 = arith.constant 0 : index
    %get3A_37 = vector.load %arg7[%get3A_35, %get3A_36] : memref<1x128xf32, #tpu.memory_space<vmem>>, vector<1x128xf32>
    %add3A_38 = vector.broadcast %get3A_37 : vector<1x128xf32> to vector<1024x128xf32>
    %add3A_39 = arith.addf %add3A_34, %add3A_38 : vector<1024x128xf32>
    %mul3A = arith.mulf %add3A_39, %add3A_39 : vector<1024x128xf32>
    %reduce_sum3A = arith.constant dense<0.000000e+00> : vector<1024xf32>
    %reduce_sum3A_40 = vector.multi_reduction <add>, %mul3A, %reduce_sum3A [1] : vector<1024x128xf32> to vector<1024xf32>
    %broadcast_in_dim3A = vector.shape_cast %reduce_sum3A_40 : vector<1024xf32> to vector<1024x1xf32>
    %sqrt3A = math.sqrt %broadcast_in_dim3A : vector<1024x1xf32>
    %max3A_41 = arith.constant 9.99999996E-13 : f32
    %max3A_42 = vector.broadcast %max3A_41 : f32 to vector<1024x1xf32>
    %max3A_43 = arith.maximumf %sqrt3A, %max3A_42 : vector<1024x1xf32>
    %div3A_44 = vector.broadcast %max3A_43 : vector<1024x1xf32> to vector<1024x128xf32>
    %div3A_45 = arith.divf %add3A_39, %div3A_44 : vector<1024x128xf32>
    %swap3A = arith.constant 0 : index
    %swap3A_46 = arith.constant 0 : index
    %swap3A_47 = vector.load %arg8[%swap3A, %swap3A_46] : memref<1024x128xf32, #tpu.memory_space<vmem>>, vector<1024x128xf32>
    tpu.vector_store %arg8[%swap3A, %swap3A_46], %div3A_45 {strides = array<i32>} : memref<1024x128xf32, #tpu.memory_space<vmem>>, vector<1024x128xf32>,
    return
  }
  func.func @transform_0(%arg0: i32) -> (i32, i32) {
    %c0_i32 = arith.constant 0 : i32
    %c0_i32_0 = arith.constant 0 : i32
    return %arg0, %c0_i32 : i32, i32
  }
  func.func @transform_1(%arg0: i32) -> (i32, i32) {
    %c0_i32 = arith.constant 0 : i32
    %c0_i32_0 = arith.constant 0 : i32
    return %arg0, %c0_i32 : i32, i32
  }
  func.func @transform_2(%arg0: i32) -> (i32, i32) {
    %c0_i32 = arith.constant 0 : i32
    %c0_i32_0 = arith.constant 0 : i32
    return %arg0, %c0_i32 : i32, i32
  }
  func.func @transform_3(%arg0: i32) -> (i32, i32) {
    %c0_i32 = arith.constant 0 : i32
    %c0_i32_0 = arith.constant 0 : i32
    return %arg0, %c0_i32 : i32, i32
  }
  func.func @transform_4(%arg0: i32) -> (i32, i32) {
    %c0_i32 = arith.constant 0 : i32
    %c0_i32_0 = arith.constant 0 : i32
    return %arg0, %c0_i32 : i32, i32
  }
  func.func @transform_5(%arg0: i32) -> (i32, i32) {
    %c0_i32 = arith.constant 0 : i32
    %c0_i32_0 = arith.constant 0 : i32
    %c0_i32_1 = arith.constant 0 : i32
    return %c0_i32, %c0_i32_0 : i32, i32
  }
  func.func @transform_6(%arg0: i32) -> (i32, i32) {
    %c0_i32 = arith.constant 0 : i32
    %c0_i32_0 = arith.constant 0 : i32
    %c0_i32_1 = arith.constant 0 : i32
    return %c0_i32, %c0_i32_0 : i32, i32
  }
  func.func @transform_7(%arg0: i32) -> (i32, i32) {
    %c0_i32 = arith.constant 0 : i32
    %c0_i32_0 = arith.constant 0 : i32
    return %arg0, %c0_i32 : i32, i32
  }
}

</mosaic_0001>

<sc_bundles>
// kernel: kernel.5.cloned.1.call-start
scs
__scs_entry_jumppad:
0x0: {  	(pc) =	sbr.rel $0x88, $3  }
0x1: {  	(tag) =	ssettag $0x0;
	lr =	simm.s32 $0x1  }
0x2: {  	[smem:$0x3F9A] =	sst lr;
	_ =	strace $0xD0000000  }
0x3: {  	_ = 	snop  }
0x4: {  	_ = 	snop  }
0x5: {  	_ = 	snop  }
0x6: {  	_ = 	snop  }
0x7: {  	_ = 	snop  }
__scs_overlays_trampoline_lowered:
0x8: {  	[smem:$0x3FA9] =	sst s0  }
0x9: {  	[smem:$0x3FAA] =	sst s1  }
0xa: {  	[smem:$0x3FAB] =	sst s2  }
0xb: {  	[smem:$0x3FAC] =	sst s3  }
0xc: {  	[smem:$0x3FAD] =	sst s4  }
0xd: {  	[smem:$0x3FAE] =	sst s5  }
0xe: {  	[smem:$0x3FAF] =	sst s6  }
0xf: {  	[smem:$0x3FB0] =	sst s7  }
0x10: {  	[smem:$0x3FB1] =	sst s8  }
0x11: {  	[smem:$0x3FB2] =	sst s9;
	s0 =	simm.s32 @!p0 $0x0  }
0x12: {  	s1 =	sld [smem:$0x3F98];
	s0 =	simm.s32 @p0 $0x1  }
0x13: {  	[smem:$0x3FB3] =	sst s0;
	s0 =	simm.s32 @!p1 $0x0  }
0x14: {  	s2 =	sld [smem:$0x3F97];
	s0 =	simm.s32 @p1 $0x1  }
0x15: {  	[smem:$0x3FB4] =	sst s0;
	s0 =	simm.s32 @!p2 $0x0  }
0x16: {  	s3 =	sld [smem:$0x3FDB];
	s0 =	simm.s32 @p2 $0x1  }
0x17: {  	s4 =	simm.s32 $0x1BF5;
	[smem:$0x3FB6] =	sst s0  }
0x18: {  	s0 =	sld [smem:$0x3F99];
	_ =	swait.ge [sflag:s4], $0x0  }
0x19: {  	s7 =	sld [smem:$0x3F9A]  }
0x1a: {  	s8 =	sadd.s32 $0xFFFFE003, lr  }
0x1b: {  	s9 =	sadd.s32 $0xFFFFFEF7, lr;
	s5 =	simm.s32 $0xFFFFFFFF;
	p2 =	slt.u32 s8, $0xFFFFF086  }
0x1c: {  	p1 =	slt.u32 s9, $0xF7A;
	s5 =	simm.s32 @!p2 $0x0  }
0x1d: {  	s5 =	simm.s32 @p1 $0x1;
	p0 =	seq.s32 s7, s2  }
0x1e: {  	s7 =	smul.u32 @!p0 $0xF7A, s2;
	p2 =	seq.s32 @!p0 s5, $0x0  }
0x1f: {  	s9 =	smul.u32 $0xF7A, s1;
	s8 =	simm.s32 @!p0 $0x1BF5;
	p2 =	por !p2, p0  }
0x20: {  	[sflag:s8] =	ssyncset.s32 @!p0 $0xFFFFF086;
	s6 =	sadd.s32 @!p0 s3, s7;
	s7 =	simm.s32 @!p0 $0x108  }
0x21: {  	s3 =	sadd.s32 s3, s9;
	s6 =	sadd.s32 @!p0 $0x88, s6;
	s7 =	simm.s32 @p2 $0x1082  }
0x22: {  	[simem:s7], [sflag:s8] =	dma.local @!p0 [hbm:s6], $0xF7A  }
0x23: {  	s9 =	sor.u32 $0xD0000000, s2;
	s6 =	simm.s32 $0x108;
	_ =	swait.ge @!p0 [sflag:s8], $0x0  }
0x24: {  	s3 =	sadd.s32 $0x88, s3;
	s6 =	simm.s32 @!p1 $0x1082;
	[sflag:s4] =	ssyncset.s32 $0xFFFFF086  }
0x25: {  	[simem:s6], [sflag:s4] =	dma.local [hbm:s3], $0xF7A  }
0x26: {  	[smem:$0x3F9A] =	sst s1;
	(tag) =	ssettag s2;
	_ =	strace s9  }
0x27: {  	s1 =	sld [smem:$0x3FAA]  }
0x28: {  	s2 =	sld [smem:$0x3FAB]  }
0x29: {  	s4 =	sld [smem:$0x3FAD]  }
0x2a: {  	p0 =	seq.s32 s5, $0x0;
	s5 =	sld [smem:$0x3FAE]  }
0x2b: {  	s6 =	sld [smem:$0x3FAF]  }
0x2c: {  	s7 =	sld [smem:$0x3FB0]  }
0x2d: {  	s3 =	simm.s32 $0x108;
	s8 =	sld [smem:$0x3FB1]  }
0x2e: {  	s3 =	simm.s32 @!p0 $0x1082;
	s9 =	sld [smem:$0x3FB2]  }
0x2f: {  	lr =	sadd.s32 s0, s3;
	s0 =	sld [smem:$0x3FA9]  }
0x30: {  	s3 =	sld [smem:$0x3FAC]  }
0x31: {  	[smem:$0x3FB5] =	sst s10  }
0x32: {  	s10 =	sld [smem:$0x3FB3];
	_ =	sdelay $0x3  }
0x33: {  	p0 =	seq.s32 s10, $0x1;
	s10 =	sld [smem:$0x3FB5];
	_ =	sdelay $0x3  }
0x34: {  	[smem:$0x3FB5] =	sst s10  }
0x35: {  	s10 =	sld [smem:$0x3FB4];
	_ =	sdelay $0x3  }
0x36: {  	p1 =	seq.s32 s10, $0x1;
	s10 =	sld [smem:$0x3FB5];
	_ =	sdelay $0x3  }
0x37: {  	[smem:$0x3FB5] =	sst s10  }
0x38: {  	s10 =	sld [smem:$0x3FB6]  }
0x39: {  	_ = 	snop;
	(pc) =	sbr.ind lr, $3  }
0x3a: {  	_ = 	snop  }
0x3b: {  	_ = 	snop  }
0x3c: {  	p2 =	seq.s32 s10, $0x1;
	s10 =	sld [smem:$0x3FB5]  }
0x3d: {  	_ =	shalt  }
0x3e: {  	_ =	shalt  }
0x3f: {  	_ =	shalt  }
0x40: {  	_ =	shalt  }
0x41: {  	_ =	shalt  }
0x42: {  	_ =	shalt  }
0x43: {  	_ =	shalt  }
0x44: {  	_ =	shalt  }
0x45: {  	_ =	shalt  }
0x46: {  	_ =	shalt  }
0x47: {  	_ =	shalt  }
0x48: {  	_ =	shalt  }
0x49: {  	_ =	shalt  }
0x4a: {  	_ =	shalt  }
0x4b: {  	_ =	shalt  }
0x4c: {  	_ =	shalt  }
0x4d: {  	_ =	shalt  }
0x4e: {  	_ =	shalt  }
0x4f: {  	_ =	shalt  }
0x50: {  	_ =	shalt  }
0x51: {  	_ =	shalt  }
0x52: {  	_ =	shalt  }
0x53: {  	_ =	shalt  }
0x54: {  	_ =	shalt  }
0x55: {  	_ =	shalt  }
0x56: {  	_ =	shalt  }
0x57: {  	_ =	shalt  }
0x58: {  	_ =	shalt  }
0x59: {  	_ =	shalt  }
0x5a: {  	_ =	shalt  }
0x5b: {  	_ =	shalt  }
0x5c: {  	_ =	shalt  }
0x5d: {  	_ =	shalt  }
0x5e: {  	_ =	shalt  }
0x5f: {  	_ =	shalt  }
0x60: {  	_ =	shalt  }
0x61: {  	_ =	shalt  }
0x62: {  	_ =	shalt  }
0x63: {  	_ =	shalt  }
0x64: {  	_ =	shalt  }
0x65: {  	_ =	shalt  }
0x66: {  	_ =	shalt  }
0x67: {  	_ =	shalt  }
0x68: {  	_ =	shalt  }
0x69: {  	_ =	shalt  }
0x6a: {  	_ =	shalt  }
0x6b: {  	_ =	shalt  }
0x6c: {  	_ =	shalt  }
0x6d: {  	_ =	shalt  }
0x6e: {  	_ =	shalt  }
0x6f: {  	_ =	shalt  }
0x70: {  	_ =	shalt  }
0x71: {  	_ =	shalt  }
0x72: {  	_ =	shalt  }
0x73: {  	_ =	shalt  }
0x74: {  	_ =	shalt  }
0x75: {  	_ =	shalt  }
0x76: {  	_ =	shalt  }
0x77: {  	_ =	shalt  }
0x78: {  	_ =	shalt  }
0x79: {  	_ =	shalt  }
0x7a: {  	_ =	shalt  }
0x7b: {  	_ =	shalt  }
0x7c: {  	_ =	shalt  }
0x7d: {  	_ =	shalt  }
0x7e: {  	_ =	shalt  }
0x7f: {  	_ =	shalt  }
0x80: {  	_ =	shalt  }
0x81: {  	_ =	shalt  }
0x82: {  	_ =	shalt  }
0x83: {  	_ =	shalt  }
0x84: {  	_ =	shalt  }
0x85: {  	_ =	shalt  }
0x86: {  	_ =	shalt  }
0x87: {  	_ =	shalt  }
.Lfunc_end0:
.L_simem_size_0:
called_computation_lowered:
.L_overlay_start_0:
0x88: {  	s2 =	sld [smem:$0x3FD9]  }
0x89: {  	s3 =	sld [smem:$0x3FFE];
	_ =	sdelay $0x1  }
0x8a: {  	s1 =	srdreg.scid  }
0x8b: {  	s0 =	sand.u32 $0x1, s1  }
0x8c: {  	s17 =	sshll.u32 s0, $0xA;
	s2 =	sadd.s32 s3, s2  }
0x8d: {  	s2 =	sadd.s32 s2, s17  }
0x8e: {  	[smem:$0x3FC1] =	sst s2  }
0x8f: {  	_ = 	snop  }
0x90: {  	s2 =	sld [smem:$0x3FC8]  }
0x91: {  	s18 =	sld [smem:$0x3FC7]  }
0x92: {  	s4 =	sld [smem:$0x3FD0];
	(tm) =	ssettm $0x1  }
0x93: {  	s5 =	sld [smem:$0x3FFB];
	_ =	sdelay $0x3  }
0x94: {  	_ =	strace s5  }
0x95: {  	s5 =	sld [smem:$0x3FFC];
	_ =	sdelay $0x3  }
0x96: {  	_ =	strace s5  }
0x97: {  	s5 =	sld [smem:$0x3FFD];
	_ =	sdelay $0x3  }
0x98: {  	_ =	strace s5  }
0x99: {  	_ =	strace $0x8FFFFFFF  }
0x9a: {  	s19 =	sld [smem:$0x3FDB];
	_ =	sdelay $0x1  }
0x9b: {  	s6 =	simm.s32 $_scs_section_size  }
0x9c: {  	s7 =	simm.s32 $_size__tile_overlayer_lowered;
	s8 =	simm.s32 $_tile_overlayer_lowered  }
0x9d: {  	s22 =	simm.s32 $0x1BFF;
	s21 =	sshll.u32 s8, $0x1;
	s5 =	sadd.s32 s6, s19  }
0x9e: {  	s9 =	simm.s32 $0x0;
	s20 =	sshll.u32 s7, $0x1;
	s7 =	sadd.s32 s21, s5  }
0x9f: {  	[timem:s9], [sflag:s22] =	dma.local [hbm:s7], s20  }
0xa0: {  	_ =	swait.ge [sflag:s22], s20  }
0xa1: {  	s6 =	ssub.s32 $0x0, s20;
	[sflag:s22] =	ssyncset.done $0x0  }
0xa2: {  	[sflag:s22] =	ssyncadd.s32 s6;
	_ =	sdelay $0x1  }
0xa3: {  	s23 =	simm.s32 $0x1B8B  }
0xa4: {  	_ =	swait.ge [sflag:s23], $0x1  }
0xa5: {  	[sflag:s23] =	ssyncset.done $0x0  }
0xa6: {  	s25 =	simm.s32 $0x1B8E;
	s24 =	sld [smem:$0x3FFE];
	[sflag:s23] =	ssyncadd.s32 $0xFFFFFFFF  }
0xa7: {  	s26 =	simm.s32 $execute0_lowered;
	[smem:$0x3FD2] =	sst s25  }
0xa8: {  	s7 =	sshll.u32 s26, $0x1;
	_ =	strace $0x80000046;
	[dreg:$0x1] =	wrdreg $0xFFFFFFFF  }
0xa9: {  	s28 =	simm.s32 $_size_execute0_lowered;
	s5 =	sadd.s32 s5, s7;
	[dreg:$0x0] =	wrdreg $0x0  }
0xaa: {  	s7 =	sshll.u32 s28, $0x1;
	[dreg:$0x2] =	wrdreg s5  }
0xab: {  	[dreg:$0x3] =	wrdreg s7  }
0xac: {  	[dreg:$0x4] =	wrdreg $0xC0  }
0xad: {  	_ =	task [dreg:s9], $0x5FFFF  }
0xae: {  	[dreg:$0x1] =	wrdreg $0xFFFFFFFF  }
0xaf: {  	[dreg:$0x0] =	wrdreg $0x60  }
0xb0: {  	[dreg:$0x2] =	wrdreg s2  }
0xb1: {  	[dreg:$0x3] =	wrdreg s18  }
0xb2: {  	[dreg:$0x4] =	wrdreg s24  }
0xb3: {  	[dreg:$0x5] =	wrdreg s4  }
0xb4: {  	[dreg:$0x6] =	wrdreg $0x44000  }
0xb5: {  	[dreg:$0x7] =	wrdreg $0x9  }
0xb6: {  	_ =	task.clear_ibuf [dreg:s9], $0x8FFFF;
	_ =	strace $0x90000046  }
0xb7: {  	s29 =	simm.s32 $0x9;
	_ =	strace $0x80000048  }
0xb8: {  	_ =	swait.ge [sflag:s29], $0x1  }
0xb9: {  	[sflag:s29] =	ssyncadd.s32 $0xFFFFFFFF  }
0xba: {  	_ =	strace $0x90000048  }
0xbb: {  	_ =	sfence  }
0xbc: {  	s30 =	sld [smem:$0x0];
	_ =	sdelay $0x2  }
0xbd: {  	s31 =	sshll.u32 s1, $0xD;
	s1 =	sshrl.u32 s1, $0x2  }
0xbe: {  	s3 =	sand.u32 $0x4000, s31;
	s1 =	sadd.s32 s1, s30  }
0xbf: {  	s0 =	sor.u32 s3, s0;
	s1 =	sshll.u32 s1, $0x11  }
0xc0: {  	s0 =	sor.u32 s1, s0  }
0xc1: {  	s0 =	sadd.s32 $0x8F2B, s0  }
0xc2: {  	[sflag:s0] =	ssyncadd.remote.s32 $0x1  }
0xc3: {  	_ =	sfence.sel $0xFFFF  }
0xc4: {  	[dreg:$0x0] =	wrdreg $0xFFFFFFFF;
	(pc) =	sbr.abs _section_cstart, $3  }
0xc5: {  	[dreg:$0x1] =	wrdreg $0xFFFFFFFF  }
0xc6: {  	_ =	task.clear_ibuf [dreg:s9], $0x2FFFF;
	_ =	strace $0x9FFFFFFF  }
0xc7: {  	(tm) =	ssettm $0x7FFFFFFF  }
tec
execute0_lowered:
.L_overlay_start_1:
0x0: {  	(tag) =	ssettag $0x1  }
0x1: {  	s1 =	rddreg [dreg:$0x0]  }
0x2: {  	s2 =	rddreg [dreg:$0x1]  }
0x3: {  	s0 =	rddreg [dreg:$0x2]  }
0x4: {  	s5 =	rddreg [dreg:$0x3]  }
0x5: {  	s3 =	rddreg [dreg:$0x4]  }
0x6: {  	s4 =	simm.s32 $0x0;
	s6 =	srdreg.scid;
	s14 =	stileid.u32  }
0x7: {  	s15 =	simm.s32 $0x200;
	s16 =	simm.s32 $0x80;
	s17 =	simm.s32 $0x1  }
0x8: {  	s18 =	simm.s32 $0x280;
	s19 =	simm.s32 $0x300;
	s20 =	simm.s32 $0x380  }
0x9: {  	s21 =	simm.s32 $0x0;
	[smem:$0x7FF] =	sst s4;
	s8 =	sand.u32 $0x1, s6  }
0xa: {  	s9 =	sadd.s32 $0x1400, s0;
	s10 =	sadd.s32 $0xB200, s0;
	s11 =	sadd.s32 $0x15000, s0  }
0xb: {  	p0 =	seq.s32 s14, $0x0;
	s6 =	smul.u32 $0x28000, s8;
	s7 =	ssub.s32 $0x2, s8  }
0xc: {  	s13 =	smul.u32 $0x2800, s14;
	s31 =	sshll.u32 s14, $0x6;
	s12 =	sshrl.u32 s7, $0x1  }
0xd: {  	_ =	strace $0x80000047;
	s0 =	sadd.s32 s6, s0;
	s12 =	ssub.s32 s7, s12  }
0xe: {  	s6 =	smul.u32 $0x280, s14;
	s7 =	simm.s32 $0x28;
	s14 =	simm.s32 $0x2  }
0xf: {  	s7 =	simm.s32 @!p0 $0x27;
	p0 =	seq.s32 s8, $0x0;
	s8 =	smax.u32 s12, $0x1  }
0x10: {  	s0 =	sadd.s32 s13, s0;
	s13 =	simm.s32 $0x400;
	s10 =	smov.u32 @p0 s9  }
0x11: {  	s9 =	smov.u32 s2;
	s11 =	smov.u32 @p0 s5;
	s12 =	sadd.s32 $0x1EE00, s0  }
0x12: {  	v0 =	vimm.f32 $0.0e+00;
	v1 =	vlaneseq.u32;
	vm0 =	vmmov $0xffff;
	s9 =	smov.u32 @p0 s1;
	s5 =	sadd.s32 s31, s11;
	s11 =	sadd.s32 s31, s10  }
.LBB2_1:
0x13: {  	[tilespmem:$0x400] =	vst v0  }
0x14: {  	[tilespmem:$0x410] =	vst v0  }
0x15: {  	[tilespmem:$0x420] =	vst v0  }
0x16: {  	[tilespmem:$0x430] =	vst v0  }
0x17: {  	[tilespmem:$0x440] =	vst v0  }
0x18: {  	[tilespmem:$0x450] =	vst v0  }
0x19: {  	[tilespmem:$0x460] =	vst v0  }
0x1a: {  	[tilespmem:$0x470] =	vst v0  }
0x1b: {  	[tilespmem:$0x480] =	vst v0  }
0x1c: {  	[tilespmem:$0x490] =	vst v0  }
0x1d: {  	[tilespmem:$0x4A0] =	vst v0  }
0x1e: {  	[tilespmem:$0x4B0] =	vst v0  }
0x1f: {  	[tilespmem:$0x4C0] =	vst v0  }
0x20: {  	[tilespmem:$0x4D0] =	vst v0  }
0x21: {  	[tilespmem:$0x4E0] =	vst v0  }
0x22: {  	[tilespmem:$0x4F0] =	vst v0  }
0x23: {  	[tilespmem:$0x500] =	vst v0  }
0x24: {  	[tilespmem:$0x510] =	vst v0  }
0x25: {  	[tilespmem:$0x520] =	vst v0  }
0x26: {  	[tilespmem:$0x530] =	vst v0  }
0x27: {  	[tilespmem:$0x540] =	vst v0  }
0x28: {  	[tilespmem:$0x550] =	vst v0  }
0x29: {  	[tilespmem:$0x560] =	vst v0  }
0x2a: {  	[tilespmem:$0x570] =	vst v0  }
0x2b: {  	[tilespmem:$0x580] =	vst v0  }
0x2c: {  	[tilespmem:$0x590] =	vst v0  }
0x2d: {  	[tilespmem:$0x5A0] =	vst v0  }
0x2e: {  	[tilespmem:$0x5B0] =	vst v0  }
0x2f: {  	[tilespmem:$0x5C0] =	vst v0  }
0x30: {  	[tilespmem:$0x5D0] =	vst v0  }
0x31: {  	[tilespmem:$0x5E0] =	vst v0  }
0x32: {  	[tilespmem:$0x5F0] =	vst v0  }
0x33: {  	[tilespmem:$0x600] =	vst v0  }
0x34: {  	[tilespmem:$0x610] =	vst v0  }
0x35: {  	[tilespmem:$0x620] =	vst v0  }
0x36: {  	[tilespmem:$0x630] =	vst v0  }
0x37: {  	[tilespmem:$0x640] =	vst v0  }
0x38: {  	[tilespmem:$0x650] =	vst v0  }
0x39: {  	[tilespmem:$0x660] =	vst v0  }
0x3a: {  	[tilespmem:$0x670] =	vst v0  }
0x3b: {  	[tilespmem:$0x680] =	vst v0  }
0x3c: {  	[tilespmem:$0x690] =	vst v0  }
0x3d: {  	[tilespmem:$0x6A0] =	vst v0  }
0x3e: {  	[tilespmem:$0x6B0] =	vst v0  }
0x3f: {  	[tilespmem:$0x6C0] =	vst v0  }
0x40: {  	[tilespmem:$0x6D0] =	vst v0  }
0x41: {  	[tilespmem:$0x6E0] =	vst v0  }
0x42: {  	[tilespmem:$0x6F0] =	vst v0  }
0x43: {  	[tilespmem:$0x700] =	vst v0  }
0x44: {  	[tilespmem:$0x710] =	vst v0  }
0x45: {  	[tilespmem:$0x720] =	vst v0  }
0x46: {  	[tilespmem:$0x730] =	vst v0  }
0x47: {  	[tilespmem:$0x740] =	vst v0  }
0x48: {  	[tilespmem:$0x750] =	vst v0  }
0x49: {  	[tilespmem:$0x760] =	vst v0  }
0x4a: {  	[tilespmem:$0x770] =	vst v0  }
0x4b: {  	[tilespmem:$0x780] =	vst v0  }
0x4c: {  	[tilespmem:$0x790] =	vst v0  }
0x4d: {  	[tilespmem:$0x7A0] =	vst v0  }
0x4e: {  	[tilespmem:$0x7B0] =	vst v0  }
0x4f: {  	[tilespmem:$0x7C0] =	vst v0  }
0x50: {  	[tilespmem:$0x7D0] =	vst v0  }
0x51: {  	[tilespmem:$0x7E0] =	vst v0  }
0x52: {  	[tilespmem:$0x7F0] =	vst v0  }
0x53: {  	[tilespmem:$0x800] =	vst v0  }
0x54: {  	[tilespmem:$0x810] =	vst v0  }
0x55: {  	[tilespmem:$0x820] =	vst v0  }
0x56: {  	[tilespmem:$0x830] =	vst v0  }
0x57: {  	[tilespmem:$0x840] =	vst v0  }
0x58: {  	[tilespmem:$0x850] =	vst v0  }
0x59: {  	[tilespmem:$0x860] =	vst v0  }
0x5a: {  	[tilespmem:$0x870] =	vst v0  }
0x5b: {  	[tilespmem:$0x880] =	vst v0  }
0x5c: {  	[tilespmem:$0x890] =	vst v0  }
0x5d: {  	[tilespmem:$0x8A0] =	vst v0  }
0x5e: {  	[tilespmem:$0x8B0] =	vst v0  }
0x5f: {  	[tilespmem:$0x8C0] =	vst v0  }
0x60: {  	[tilespmem:$0x8D0] =	vst v0  }
0x61: {  	[tilespmem:$0x8E0] =	vst v0  }
0x62: {  	[tilespmem:$0x8F0] =	vst v0  }
0x63: {  	[tilespmem:$0x900] =	vst v0  }
0x64: {  	[tilespmem:$0x910] =	vst v0  }
0x65: {  	[tilespmem:$0x920] =	vst v0  }
0x66: {  	[tilespmem:$0x930] =	vst v0  }
0x67: {  	[tilespmem:$0x940] =	vst v0  }
0x68: {  	[tilespmem:$0x950] =	vst v0  }
0x69: {  	[tilespmem:$0x960] =	vst v0  }
0x6a: {  	[tilespmem:$0x970] =	vst v0  }
0x6b: {  	[tilespmem:$0x980] =	vst v0  }
0x6c: {  	[tilespmem:$0x990] =	vst v0  }
0x6d: {  	[tilespmem:$0x9A0] =	vst v0  }
0x6e: {  	[tilespmem:$0x9B0] =	vst v0  }
0x6f: {  	[tilespmem:$0x9C0] =	vst v0  }
0x70: {  	[tilespmem:$0x9D0] =	vst v0  }
0x71: {  	[tilespmem:$0x9E0] =	vst v0  }
0x72: {  	[tilespmem:$0x9F0] =	vst v0  }
0x73: {  	[tilespmem:$0xA00] =	vst v0  }
0x74: {  	[tilespmem:$0xA10] =	vst v0  }
0x75: {  	[tilespmem:$0xA20] =	vst v0  }
0x76: {  	[tilespmem:$0xA30] =	vst v0  }
0x77: {  	[tilespmem:$0xA40] =	vst v0  }
0x78: {  	[tilespmem:$0xA50] =	vst v0  }
0x79: {  	[tilespmem:$0xA60] =	vst v0  }
0x7a: {  	[tilespmem:$0xA70] =	vst v0  }
0x7b: {  	[tilespmem:$0xA80] =	vst v0  }
0x7c: {  	[tilespmem:$0xA90] =	vst v0  }
0x7d: {  	[tilespmem:$0xAA0] =	vst v0  }
0x7e: {  	[tilespmem:$0xAB0] =	vst v0  }
0x7f: {  	[tilespmem:$0xAC0] =	vst v0  }
0x80: {  	[tilespmem:$0xAD0] =	vst v0  }
0x81: {  	[tilespmem:$0xAE0] =	vst v0  }
0x82: {  	[tilespmem:$0xAF0] =	vst v0  }
0x83: {  	[tilespmem:$0xB00] =	vst v0  }
0x84: {  	[tilespmem:$0xB10] =	vst v0  }
0x85: {  	[tilespmem:$0xB20] =	vst v0  }
0x86: {  	[tilespmem:$0xB30] =	vst v0  }
0x87: {  	[tilespmem:$0xB40] =	vst v0  }
0x88: {  	[tilespmem:$0xB50] =	vst v0  }
0x89: {  	[tilespmem:$0xB60] =	vst v0  }
0x8a: {  	[tilespmem:$0xB70] =	vst v0  }
0x8b: {  	[tilespmem:$0xB80] =	vst v0  }
0x8c: {  	[tilespmem:$0xB90] =	vst v0  }
0x8d: {  	[tilespmem:$0xBA0] =	vst v0;
	s0 =	sadd.s32 $0x0, s6  }
0x8e: {  	[tilespmem:$0xBB0] =	vst v0;
	v2 =	vor.u32 s0, v1  }
0x8f: {  	[tilespmem:$0xBC0] =	vst v0  }
0x90: {  	[tilespmem:$0xBD0] =	vst v0  }
0x91: {  	[tilespmem:$0xBE0] =	vst v0  }
0x92: {  	[tilespmem:$0xBF0] =	vst v0;
	s31 =	sadd.s32 $0x10, s6  }
0x93: {  	[spmem:s3] =	stream.indirect_vreg.scatter [tilespmem:s13], [sflag:$0x2], $0x80, v2, vm0, $0xb8;
	v2 =	vor.u32 s31, v1;
	[tilespmem:$0x18400] =	vst v63  }
0x94: {  	_ = 	snop  }
0x95: {  	_ =	swait.ge [sflag:s14], $0x800  }
0x96: {  	s0 =	simm.s32 $0x20;
	[sflag:s14] =	ssyncset.done $0x0  }
.LBB2_2:
0x97: {  	s10 =	sadd.s32 s0, s6;
	[sflag:s14] =	ssyncadd.s32 $0xFFFFF800;
	p1 =	sne.s32 s0, $0x270  }
0x98: {  	[spmem:s3] =	stream.indirect_vreg.scatter [tilespmem:s13], [sflag:$0x2], $0x80, v2, vm0, $0xb8;
	[tilespmem:$0x18400] =	vst v63  }
.Ltmp0:
0x99: {  	_ = 	snop;
	(pc) =	sbr.rel @p1 .LBB2_2-.Ltmp0, $3  }
0x9a: {  	v2 =	vor.u32 s10, v1;
	_ =	sdelay $0x1  }
0x9b: {  	s0 =	sadd.s32 $0x10, s0;
	_ =	swait.ge [sflag:s14], $0x800  }
0x9c: {  	[sflag:s14] =	ssyncset.done $0x0  }
0x9d: {  	_ =	sdelay $0x2  }
0x9e: {  	[sflag:s14] =	ssyncadd.s32 $0xFFFFF800  }
0x9f: {  	[spmem:s3] =	stream.indirect_vreg.scatter [tilespmem:s13], [sflag:$0x2], $0x80, v2, vm0, $0xb8;
	[tilespmem:$0x18400] =	vst v63  }
0xa0: {  	_ =	swait.ge [sflag:s14], $0x800  }
0xa1: {  	[sflag:s14] =	ssyncset.done $0x0  }
0xa2: {  	[sflag:s14] =	ssyncadd.s32 $0xFFFFF800  }
0xa3: {  	[bflag:$0x0] =	sbarrier.arrive $0xFFFF  }
0xa4: {  	[tilespmem:s4], [sflag:$0x2] =	stream.linear.gather [hbm4b:s11+s4], $0x200, $0x38;
	[tilespmem:$0x18400] =	vst v63  }
0xa5: {  	_ =	swait.ge [sflag:s14], $0x200  }
0xa6: {  	[sflag:s14] =	ssyncset.done $0x0  }
0xa7: {  	[sflag:s14] =	ssyncadd.s32 $0xFFFFFE00  }
0xa8: {  	[tilespmem:s15], [sflag:$0x2] =	stream.linear.gather [hbm4b:s5+s4], $0x200, $0x38;
	[tilespmem:$0x18400] =	vst v63  }
0xa9: {  	_ =	swait.ge [sflag:s14], $0x200  }
0xaa: {  	[sflag:s14] =	ssyncset.done $0x0  }
0xab: {  	[sflag:s14] =	ssyncadd.s32 $0xFFFFFE00  }
0xac: {  	[tilespmem:s13], [sflag:$0x1] =	stream.indirect.gather [hbm4b:s9+s16], $0x80, s4, s16, $0xb8;
	[tilespmem:$0x18400] =	vst v63  }
0xad: {  	_ =	swait.ge [sflag:s17], $0x4000  }
0xae: {  	[sflag:s17] =	ssyncset.done $0x0  }
0xaf: {  	[sflag:s17] =	ssyncadd.s32 $0xFFFFC000  }
0xb0: {  	[spmem:s3] =	stream.indirect.scatter.add.f32 [tilespmem:s13], [sflag:$0x2], $0x80, s15, s16, $0xb8;
	[tilespmem:$0x18400] =	vst v63  }
0xb1: {  	_ =	swait.ge [sflag:s14], $0x4000  }
0xb2: {  	[sflag:s14] =	ssyncset.done $0x0  }
0xb3: {  	s22 =	simm.s32 @p0 $0x80;
	s23 =	simm.s32 @p0 $0x400;
	[sflag:s14] =	ssyncadd.s32 $0xFFFFC000  }
0xb4: {  	[tilespmem:s23], [sflag:$0x1] =	stream.indirect.gather @p0 [hbm4b:s1+s22], $0x80, s22, s22, $0xb8;
	[tilespmem:$0x18400] =	vst v63  }
0xb5: {  	s24 =	simm.s32 @!p0 $0x80;
	s25 =	simm.s32 @!p0 $0x400  }
0xb6: {  	[tilespmem:s25], [sflag:$0x1] =	stream.indirect.gather @!p0 [hbm4b:s2+s24], $0x80, s24, s24, $0xb8;
	[tilespmem:$0x18400] =	vst v63  }
0xb7: {  	_ =	swait.ge [sflag:s17], $0x4000  }
0xb8: {  	[sflag:s17] =	ssyncset.done $0x0  }
0xb9: {  	[sflag:s17] =	ssyncadd.s32 $0xFFFFC000  }
0xba: {  	[spmem:s3] =	stream.indirect.scatter.add.f32 [tilespmem:s13], [sflag:$0x2], $0x80, s18, s16, $0xb8;
	[tilespmem:$0x18400] =	vst v63  }
0xbb: {  	_ =	swait.ge [sflag:s14], $0x4000  }
0xbc: {  	[sflag:s14] =	ssyncset.done $0x0  }
0xbd: {  	s26 =	simm.s32 @p0 $0x100;
	[sflag:s14] =	ssyncadd.s32 $0xFFFFC000  }
0xbe: {  	[tilespmem:s23], [sflag:$0x1] =	stream.indirect.gather @p0 [hbm4b:s1+s22], $0x80, s26, s22, $0xb8;
	[tilespmem:$0x18400] =	vst v63  }
0xbf: {  	s28 =	simm.s32 @!p0 $0x100  }
0xc0: {  	[tilespmem:s25], [sflag:$0x1] =	stream.indirect.gather @!p0 [hbm4b:s2+s24], $0x80, s28, s24, $0xb8;
	[tilespmem:$0x18400] =	vst v63  }
0xc1: {  	_ =	swait.ge [sflag:s17], $0x4000  }
0xc2: {  	[sflag:s17] =	ssyncset.done $0x0  }
0xc3: {  	[sflag:s17] =	ssyncadd.s32 $0xFFFFC000  }
0xc4: {  	[spmem:s3] =	stream.indirect.scatter.add.f32 [tilespmem:s13], [sflag:$0x2], $0x80, s19, s16, $0xb8;
	[tilespmem:$0x18400] =	vst v63  }
0xc5: {  	_ =	swait.ge [sflag:s14], $0x4000  }
0xc6: {  	[sflag:s14] =	ssyncset.done $0x0  }
0xc7: {  	s29 =	simm.s32 @p0 $0x180;
	[sflag:s14] =	ssyncadd.s32 $0xFFFFC000  }
0xc8: {  	[tilespmem:s23], [sflag:$0x1] =	stream.indirect.gather @p0 [hbm4b:s1+s22], $0x80, s29, s22, $0xb8;
	[tilespmem:$0x18400] =	vst v63  }
0xc9: {  	s30 =	simm.s32 @!p0 $0x180;
	s31 =	sadd.s32 $0xFFFFFFFF, s7  }
0xca: {  	[tilespmem:s25], [sflag:$0x1] =	stream.indirect.gather @!p0 [hbm4b:s2+s24], $0x80, s30, s24, $0xb8;
	[tilespmem:$0x18400] =	vst v63  }
0xcb: {  	p1 =	sne.s32 s31, $0x0;
	_ =	swait.ge [sflag:s17], $0x4000  }
.Ltmp1:
0xcc: {  	[sflag:s17] =	ssyncset.done $0x0;
	(pc) =	sbr.rel @!p1 .LBB2_5-.Ltmp1, $4  }
0xcd: {  	[sflag:s17] =	ssyncadd.s32 $0xFFFFC000  }
0xce: {  	[spmem:s3] =	stream.indirect.scatter.add.f32 [tilespmem:s13], [sflag:$0x2], $0x80, s20, s16, $0xb8;
	[tilespmem:$0x18400] =	vst v63  }
0xcf: {  	_ =	swait.ge [sflag:s14], $0x4000  }
0xd0: {  	s0 =	sadd.s32 $0x400, s11;
	s10 =	smov.u32 s5;
	[sflag:s14] =	ssyncset.done $0x0  }
.LBB2_4:
0xd1: {  	s31 =	sadd.s32 $0xFFFFFFFF, s31;
	[sflag:s14] =	ssyncadd.s32 $0xFFFFC000;
	s10 =	sadd.s32 $0x400, s10  }
0xd2: {  	[tilespmem:s4], [sflag:$0x2] =	stream.linear.gather [hbm4b:s0+s4], $0x200, $0x38;
	[tilespmem:$0x18400] =	vst v63  }
0xd3: {  	p1 =	sne.s32 s31, $0x0;
	_ =	swait.ge [sflag:s14], $0x200  }
0xd4: {  	[sflag:s14] =	ssyncset.done $0x0  }
0xd5: {  	[sflag:s14] =	ssyncadd.s32 $0xFFFFFE00  }
0xd6: {  	[tilespmem:s15], [sflag:$0x2] =	stream.linear.gather [hbm4b:s10+s4], $0x200, $0x38;
	[tilespmem:$0x18400] =	vst v63  }
0xd7: {  	_ =	swait.ge [sflag:s14], $0x200  }
0xd8: {  	[sflag:s14] =	ssyncset.done $0x0  }
0xd9: {  	[sflag:s14] =	ssyncadd.s32 $0xFFFFFE00  }
0xda: {  	[tilespmem:s13], [sflag:$0x1] =	stream.indirect.gather [hbm4b:s9+s16], $0x80, s4, s16, $0xb8;
	[tilespmem:$0x18400] =	vst v63  }
0xdb: {  	_ =	swait.ge [sflag:s17], $0x4000  }
0xdc: {  	[sflag:s17] =	ssyncset.done $0x0  }
0xdd: {  	[sflag:s17] =	ssyncadd.s32 $0xFFFFC000  }
0xde: {  	[spmem:s3] =	stream.indirect.scatter.add.f32 [tilespmem:s13], [sflag:$0x2], $0x80, s15, s16, $0xb8;
	[tilespmem:$0x18400] =	vst v63  }
0xdf: {  	_ =	swait.ge [sflag:s14], $0x4000  }
0xe0: {  	[sflag:s14] =	ssyncset.done $0x0  }
0xe1: {  	[sflag:s14] =	ssyncadd.s32 $0xFFFFC000  }
0xe2: {  	[tilespmem:s23], [sflag:$0x1] =	stream.indirect.gather @p0 [hbm4b:s1+s22], $0x80, s22, s22, $0xb8;
	[tilespmem:$0x18400] =	vst v63  }
0xe3: {  	_ = 	snop  }
0xe4: {  	[tilespmem:s25], [sflag:$0x1] =	stream.indirect.gather @!p0 [hbm4b:s2+s24], $0x80, s24, s24, $0xb8;
	[tilespmem:$0x18400] =	vst v63  }
0xe5: {  	_ =	swait.ge [sflag:s17], $0x4000  }
0xe6: {  	[sflag:s17] =	ssyncset.done $0x0  }
0xe7: {  	[sflag:s17] =	ssyncadd.s32 $0xFFFFC000  }
0xe8: {  	[spmem:s3] =	stream.indirect.scatter.add.f32 [tilespmem:s13], [sflag:$0x2], $0x80, s18, s16, $0xb8;
	[tilespmem:$0x18400] =	vst v63  }
0xe9: {  	_ =	swait.ge [sflag:s14], $0x4000  }
0xea: {  	[sflag:s14] =	ssyncset.done $0x0  }
0xeb: {  	[sflag:s14] =	ssyncadd.s32 $0xFFFFC000  }
0xec: {  	[tilespmem:s23], [sflag:$0x1] =	stream.indirect.gather @p0 [hbm4b:s1+s22], $0x80, s26, s22, $0xb8;
	[tilespmem:$0x18400] =	vst v63  }
0xed: {  	_ = 	snop  }
0xee: {  	[tilespmem:s25], [sflag:$0x1] =	stream.indirect.gather @!p0 [hbm4b:s2+s24], $0x80, s28, s24, $0xb8;
	[tilespmem:$0x18400] =	vst v63  }
0xef: {  	_ =	swait.ge [sflag:s17], $0x4000  }
0xf0: {  	[sflag:s17] =	ssyncset.done $0x0  }
0xf1: {  	[sflag:s17] =	ssyncadd.s32 $0xFFFFC000  }
0xf2: {  	[spmem:s3] =	stream.indirect.scatter.add.f32 [tilespmem:s13], [sflag:$0x2], $0x80, s19, s16, $0xb8;
	[tilespmem:$0x18400] =	vst v63  }
0xf3: {  	_ =	swait.ge [sflag:s14], $0x4000  }
0xf4: {  	[sflag:s14] =	ssyncset.done $0x0  }
0xf5: {  	[sflag:s14] =	ssyncadd.s32 $0xFFFFC000  }
0xf6: {  	[tilespmem:s23], [sflag:$0x1] =	stream.indirect.gather @p0 [hbm4b:s1+s22], $0x80, s29, s22, $0xb8;
	[tilespmem:$0x18400] =	vst v63  }
0xf7: {  	_ = 	snop  }
0xf8: {  	[tilespmem:s25], [sflag:$0x1] =	stream.indirect.gather @!p0 [hbm4b:s2+s24], $0x80, s30, s24, $0xb8;
	[tilespmem:$0x18400] =	vst v63  }
0xf9: {  	_ =	swait.ge [sflag:s17], $0x4000  }
.Ltmp2:
0xfa: {  	[sflag:s17] =	ssyncset.done $0x0;
	(pc) =	sbr.rel @p1 .LBB2_4-.Ltmp2, $4  }
0xfb: {  	[sflag:s17] =	ssyncadd.s32 $0xFFFFC000  }
0xfc: {  	[spmem:s3] =	stream.indirect.scatter.add.f32 [tilespmem:s13], [sflag:$0x2], $0x80, s20, s16, $0xb8;
	[tilespmem:$0x18400] =	vst v63  }
0xfd: {  	_ =	swait.ge [sflag:s14], $0x4000  }
0xfe: {  	s0 =	sadd.s32 $0x400, s0;
	[sflag:s14] =	ssyncset.done $0x0  }
.LBB2_5:
0xff: {  	s0 =	sadd.s32 $0x0, s6  }
0x100: {  	v2 =	vor.u32 s0, v1;
	_ =	sdelay $0x2  }
0x101: {  	[sflag:s14] =	ssyncadd.s32 $0xFFFFC000  }
0x102: {  	[bflag:$0x0] =	sbarrier.arrive $0xFFFF  }
0x103: {  	[tilespmem:s13], [sflag:$0x1] =	stream.indirect_vreg.gather [spmem:s3], $0x80, v2, vm0, $0xb8;
	[tilespmem:$0x18400] =	vst v63  }
0x104: {  	_ =	swait.ge [sflag:s17], $0x800  }
0x105: {  	[sflag:s17] =	ssyncset.done $0x0  }
0x106: {  	s31 =	sadd.s32 $0x10, s6;
	[sflag:s17] =	ssyncadd.s32 $0xFFFFF800  }
0x107: {  	v2 =	vor.u32 s31, v1;
	[hbm4b:s12+s4] =	stream.linear.scatter [tilespmem:s13], [sflag:$0x2], $0x800, $0x38;
	[tilespmem:$0x18400] =	vst v63  }
0x108: {  	_ =	swait.ge [sflag:s14], $0x800  }
0x109: {  	s10 =	simm.s32 $0x20;
	s0 =	smov.u32 s12;
	[sflag:s14] =	ssyncset.done $0x0  }
.LBB2_6:
0x10a: {  	[sflag:s14] =	ssyncadd.s32 $0xFFFFF800  }
0x10b: {  	s0 =	sadd.s32 $0x100, s0;
	s22 =	smov.u32 s10;
	s23 =	sadd.s32 $0x10, s10  }
0x10c: {  	[tilespmem:s13], [sflag:$0x1] =	stream.indirect_vreg.gather [spmem:s3], $0x80, v2, vm0, $0xb8;
	[tilespmem:$0x18400] =	vst v63  }
0x10d: {  	p1 =	sne.s32 s10, $0x270;
	_ =	swait.ge [sflag:s17], $0x800  }
.Ltmp3:
0x10e: {  	s10 =	sadd.s32 s22, s6;
	[sflag:s17] =	ssyncset.done $0x0;
	(pc) =	sbr.rel @p1 .LBB2_6-.Ltmp3, $4  }
0x10f: {  	v2 =	vor.u32 s10, v1;
	[sflag:s17] =	ssyncadd.s32 $0xFFFFF800  }
0x110: {  	[hbm4b:s0+s4] =	stream.linear.scatter [tilespmem:s13], [sflag:$0x2], $0x800, $0x38;
	[tilespmem:$0x18400] =	vst v63  }
0x111: {  	_ =	swait.ge [sflag:s14], $0x800  }
0x112: {  	s10 =	smov.u32 s23;
	[sflag:s14] =	ssyncset.done $0x0  }
0x113: {  	_ =	sdelay $0x2  }
0x114: {  	[sflag:s14] =	ssyncadd.s32 $0xFFFFF800  }
0x115: {  	[tilespmem:s13], [sflag:$0x1] =	stream.indirect_vreg.gather [spmem:s3], $0x80, v2, vm0, $0xb8;
	[tilespmem:$0x18400] =	vst v63  }
0x116: {  	s21 =	sadd.s32 $0x1, s21;
	_ =	swait.ge [sflag:s17], $0x800  }
0x117: {  	p1 =	sne.s32 s21, s8;
	[sflag:s17] =	ssyncset.done $0x0  }
.Ltmp4:
0x118: {  	s0 =	sadd.s32 $0x100, s0;
	[sflag:s17] =	ssyncadd.s32 $0xFFFFF800;
	(pc) =	sbr.rel @p1 .LBB2_1-.Ltmp4, $4  }
0x119: {  	[hbm4b:s0+s4] =	stream.linear.scatter [tilespmem:s13], [sflag:$0x2], $0x800, $0x38;
	[tilespmem:$0x18400] =	vst v63  }
0x11a: {  	_ =	swait.ge [sflag:s14], $0x800  }
0x11b: {  	[sflag:s14] =	ssyncset.done $0x0  }
0x11c: {  	[sflag:s14] =	ssyncadd.s32 $0xFFFFF800  }
0x11d: {  	_ =	sfence.sel $0x180000  }
0x11e: {  	[bflag:$0x0] =	sbarrier.arrive $0xFFFF  }
0x11f: {  	_ =	strace $0x90000047  }
0x120: {  	s0 =	stileid.u32;
	[bflag:$0x2] =	sbarrier.arrive $0xFFFF  }
0x121: {  	p0 =	sne.s32 s0, $0x0;
	s0 =	rddreg [dreg:$0x5]  }
0x122: {  	s0 =	sadd.s32 @!p0 $0x100000, s0  }
0x123: {  	[sflag:s0] =	ssyncadd.tile.s32 @!p0 $0x1;
	_ =	shalt  }
.Lfunc_end2:
_tile_overlayer_lowered:
.L_overlay_start_2:
0x124: {  	(tag) =	ssettag $0x2  }
0x125: {  	s0 =	rddreg [dreg:$0x0];
	s2 =	stileid.u32  }
0x126: {  	s1 =	rddreg [dreg:$0x1];
	p0 =	sne.s32 s2, $0x0  }
0x127: {  	s3 =	rddreg [dreg:$0x2];
	[bflag:$0x3] =	sbarrier.arrive $0xFFFF;
	s2 =	simm.s32 @!p0 $0x1C02  }
0x128: {  	[timem:s3], [sflag:s2] =	dma.local @!p0 [hbm:s0], s1  }
0x129: {  	s0 =	simm.s32 @!p0 $0x2  }
0x12a: {  	_ =	swait.ge @!p0 [sflag:s0], s1  }
0x12b: {  	s1 =	ssub.s32 @!p0 $0x0, s1;
	[sflag:s0] =	ssyncset.done @!p0 $0x0  }
0x12c: {  	[sflag:s0] =	ssyncadd.s32 @!p0 s1  }
0x12d: {  	[bflag:$0x3] =	sbarrier.arrive $0xFFFF  }
0x12e: {  	_ =	shalt  }

// kernel: kernel.8.cloned.1.call-start
scs
__scs_entry_jumppad:
0x0: {  	(pc) =	sbr.rel $0x88, $3  }
0x1: {  	(tag) =	ssettag $0x0;
	lr =	simm.s32 $0x1  }
0x2: {  	[smem:$0x3F9A] =	sst lr;
	_ =	strace $0xD0000000  }
0x3: {  	_ = 	snop  }
0x4: {  	_ = 	snop  }
0x5: {  	_ = 	snop  }
0x6: {  	_ = 	snop  }
0x7: {  	_ = 	snop  }
__scs_overlays_trampoline_lowered:
0x8: {  	[smem:$0x3FA9] =	sst s0  }
0x9: {  	[smem:$0x3FAA] =	sst s1  }
0xa: {  	[smem:$0x3FAB] =	sst s2  }
0xb: {  	[smem:$0x3FAC] =	sst s3  }
0xc: {  	[smem:$0x3FAD] =	sst s4  }
0xd: {  	[smem:$0x3FAE] =	sst s5  }
0xe: {  	[smem:$0x3FAF] =	sst s6  }
0xf: {  	[smem:$0x3FB0] =	sst s7  }
0x10: {  	[smem:$0x3FB1] =	sst s8  }
0x11: {  	[smem:$0x3FB2] =	sst s9;
	s0 =	simm.s32 @!p0 $0x0  }
0x12: {  	s1 =	sld [smem:$0x3F98];
	s0 =	simm.s32 @p0 $0x1  }
0x13: {  	[smem:$0x3FB3] =	sst s0;
	s0 =	simm.s32 @!p1 $0x0  }
0x14: {  	s2 =	sld [smem:$0x3F97];
	s0 =	simm.s32 @p1 $0x1  }
0x15: {  	[smem:$0x3FB4] =	sst s0;
	s0 =	simm.s32 @!p2 $0x0  }
0x16: {  	s3 =	sld [smem:$0x3FDB];
	s0 =	simm.s32 @p2 $0x1  }
0x17: {  	s4 =	simm.s32 $0x1BF5;
	[smem:$0x3FB6] =	sst s0  }
0x18: {  	s0 =	sld [smem:$0x3F99];
	_ =	swait.ge [sflag:s4], $0x0  }
0x19: {  	s7 =	sld [smem:$0x3F9A]  }
0x1a: {  	s8 =	sadd.s32 $0xFFFFE003, lr  }
0x1b: {  	s9 =	sadd.s32 $0xFFFFFEF7, lr;
	s5 =	simm.s32 $0xFFFFFFFF;
	p2 =	slt.u32 s8, $0xFFFFF086  }
0x1c: {  	p1 =	slt.u32 s9, $0xF7A;
	s5 =	simm.s32 @!p2 $0x0  }
0x1d: {  	s5 =	simm.s32 @p1 $0x1;
	p0 =	seq.s32 s7, s2  }
0x1e: {  	s7 =	smul.u32 @!p0 $0xF7A, s2;
	p2 =	seq.s32 @!p0 s5, $0x0  }
0x1f: {  	s9 =	smul.u32 $0xF7A, s1;
	s8 =	simm.s32 @!p0 $0x1BF5;
	p2 =	por !p2, p0  }
0x20: {  	[sflag:s8] =	ssyncset.s32 @!p0 $0xFFFFF086;
	s6 =	sadd.s32 @!p0 s3, s7;
	s7 =	simm.s32 @!p0 $0x108  }
0x21: {  	s3 =	sadd.s32 s3, s9;
	s6 =	sadd.s32 @!p0 $0x88, s6;
	s7 =	simm.s32 @p2 $0x1082  }
0x22: {  	[simem:s7], [sflag:s8] =	dma.local @!p0 [hbm:s6], $0xF7A  }
0x23: {  	s9 =	sor.u32 $0xD0000000, s2;
	s6 =	simm.s32 $0x108;
	_ =	swait.ge @!p0 [sflag:s8], $0x0  }
0x24: {  	s3 =	sadd.s32 $0x88, s3;
	s6 =	simm.s32 @!p1 $0x1082;
	[sflag:s4] =	ssyncset.s32 $0xFFFFF086  }
0x25: {  	[simem:s6], [sflag:s4] =	dma.local [hbm:s3], $0xF7A  }
0x26: {  	[smem:$0x3F9A] =	sst s1;
	(tag) =	ssettag s2;
	_ =	strace s9  }
0x27: {  	s1 =	sld [smem:$0x3FAA]  }
0x28: {  	s2 =	sld [smem:$0x3FAB]  }
0x29: {  	s4 =	sld [smem:$0x3FAD]  }
0x2a: {  	p0 =	seq.s32 s5, $0x0;
	s5 =	sld [smem:$0x3FAE]  }
0x2b: {  	s6 =	sld [smem:$0x3FAF]  }
0x2c: {  	s7 =	sld [smem:$0x3FB0]  }
0x2d: {  	s3 =	simm.s32 $0x108;
	s8 =	sld [smem:$0x3FB1]  }
0x2e: {  	s3 =	simm.s32 @!p0 $0x1082;
	s9 =	sld [smem:$0x3FB2]  }
0x2f: {  	lr =	sadd.s32 s0, s3;
	s0 =	sld [smem:$0x3FA9]  }
0x30: {  	s3 =	sld [smem:$0x3FAC]  }
0x31: {  	[smem:$0x3FB5] =	sst s10  }
0x32: {  	s10 =	sld [smem:$0x3FB3];
	_ =	sdelay $0x3  }
0x33: {  	p0 =	seq.s32 s10, $0x1;
	s10 =	sld [smem:$0x3FB5];
	_ =	sdelay $0x3  }
0x34: {  	[smem:$0x3FB5] =	sst s10  }
0x35: {  	s10 =	sld [smem:$0x3FB4];
	_ =	sdelay $0x3  }
0x36: {  	p1 =	seq.s32 s10, $0x1;
	s10 =	sld [smem:$0x3FB5];
	_ =	sdelay $0x3  }
0x37: {  	[smem:$0x3FB5] =	sst s10  }
0x38: {  	s10 =	sld [smem:$0x3FB6]  }
0x39: {  	_ = 	snop;
	(pc) =	sbr.ind lr, $3  }
0x3a: {  	_ = 	snop  }
0x3b: {  	_ = 	snop  }
0x3c: {  	p2 =	seq.s32 s10, $0x1;
	s10 =	sld [smem:$0x3FB5]  }
0x3d: {  	_ =	shalt  }
0x3e: {  	_ =	shalt  }
0x3f: {  	_ =	shalt  }
0x40: {  	_ =	shalt  }
0x41: {  	_ =	shalt  }
0x42: {  	_ =	shalt  }
0x43: {  	_ =	shalt  }
0x44: {  	_ =	shalt  }
0x45: {  	_ =	shalt  }
0x46: {  	_ =	shalt  }
0x47: {  	_ =	shalt  }
0x48: {  	_ =	shalt  }
0x49: {  	_ =	shalt  }
0x4a: {  	_ =	shalt  }
0x4b: {  	_ =	shalt  }
0x4c: {  	_ =	shalt  }
0x4d: {  	_ =	shalt  }
0x4e: {  	_ =	shalt  }
0x4f: {  	_ =	shalt  }
0x50: {  	_ =	shalt  }
0x51: {  	_ =	shalt  }
0x52: {  	_ =	shalt  }
0x53: {  	_ =	shalt  }
0x54: {  	_ =	shalt  }
0x55: {  	_ =	shalt  }
0x56: {  	_ =	shalt  }
0x57: {  	_ =	shalt  }
0x58: {  	_ =	shalt  }
0x59: {  	_ =	shalt  }
0x5a: {  	_ =	shalt  }
0x5b: {  	_ =	shalt  }
0x5c: {  	_ =	shalt  }
0x5d: {  	_ =	shalt  }
0x5e: {  	_ =	shalt  }
0x5f: {  	_ =	shalt  }
0x60: {  	_ =	shalt  }
0x61: {  	_ =	shalt  }
0x62: {  	_ =	shalt  }
0x63: {  	_ =	shalt  }
0x64: {  	_ =	shalt  }
0x65: {  	_ =	shalt  }
0x66: {  	_ =	shalt  }
0x67: {  	_ =	shalt  }
0x68: {  	_ =	shalt  }
0x69: {  	_ =	shalt  }
0x6a: {  	_ =	shalt  }
0x6b: {  	_ =	shalt  }
0x6c: {  	_ =	shalt  }
0x6d: {  	_ =	shalt  }
0x6e: {  	_ =	shalt  }
0x6f: {  	_ =	shalt  }
0x70: {  	_ =	shalt  }
0x71: {  	_ =	shalt  }
0x72: {  	_ =	shalt  }
0x73: {  	_ =	shalt  }
0x74: {  	_ =	shalt  }
0x75: {  	_ =	shalt  }
0x76: {  	_ =	shalt  }
0x77: {  	_ =	shalt  }
0x78: {  	_ =	shalt  }
0x79: {  	_ =	shalt  }
0x7a: {  	_ =	shalt  }
0x7b: {  	_ =	shalt  }
0x7c: {  	_ =	shalt  }
0x7d: {  	_ =	shalt  }
0x7e: {  	_ =	shalt  }
0x7f: {  	_ =	shalt  }
0x80: {  	_ =	shalt  }
0x81: {  	_ =	shalt  }
0x82: {  	_ =	shalt  }
0x83: {  	_ =	shalt  }
0x84: {  	_ =	shalt  }
0x85: {  	_ =	shalt  }
0x86: {  	_ =	shalt  }
0x87: {  	_ =	shalt  }
.Lfunc_end0:
.L_simem_size_0:
called_computation.1_lowered:
.L_overlay_start_0:
0x88: {  	s2 =	sld [smem:$0x3FD9]  }
0x89: {  	s3 =	sld [smem:$0x3FFE];
	_ =	sdelay $0x1  }
0x8a: {  	s1 =	srdreg.scid  }
0x8b: {  	s0 =	sand.u32 $0x1, s1  }
0x8c: {  	s17 =	sshll.u32 s0, $0xA;
	s2 =	sadd.s32 s3, s2  }
0x8d: {  	s2 =	sadd.s32 s2, s17  }
0x8e: {  	[smem:$0x3FC1] =	sst s2  }
0x8f: {  	_ = 	snop  }
0x90: {  	s18 =	sld [smem:$0x3FD0];
	(tm) =	ssettm $0x1  }
0x91: {  	s19 =	sld [smem:$0x3FFB];
	_ =	sdelay $0x3  }
0x92: {  	_ =	strace s19  }
0x93: {  	s2 =	sld [smem:$0x3FFC];
	_ =	sdelay $0x3  }
0x94: {  	_ =	strace s2  }
0x95: {  	s2 =	sld [smem:$0x3FFD];
	_ =	sdelay $0x3  }
0x96: {  	_ =	strace s2  }
0x97: {  	_ =	strace $0x8FFFFFFF  }
0x98: {  	s20 =	sld [smem:$0x3FDB];
	_ =	sdelay $0x1  }
0x99: {  	s4 =	simm.s32 $_scs_section_size  }
0x9a: {  	s5 =	simm.s32 $_size__tile_overlayer_lowered;
	s6 =	simm.s32 $_tile_overlayer_lowered  }
0x9b: {  	s7 =	simm.s32 $0x1BFF;
	s21 =	sshll.u32 s6, $0x1;
	s4 =	sadd.s32 s4, s20  }
0x9c: {  	s22 =	simm.s32 $0x0;
	s5 =	sshll.u32 s5, $0x1;
	s6 =	sadd.s32 s21, s4  }
0x9d: {  	[timem:s22], [sflag:s7] =	dma.local [hbm:s6], s5  }
0x9e: {  	_ =	swait.ge [sflag:s7], s5  }
0x9f: {  	s5 =	ssub.s32 $0x0, s5;
	[sflag:s7] =	ssyncset.done $0x0  }
0xa0: {  	[sflag:s7] =	ssyncadd.s32 s5;
	_ =	sdelay $0x1  }
0xa1: {  	s23 =	simm.s32 $0x1B8B  }
0xa2: {  	_ =	swait.ge [sflag:s23], $0x1  }
0xa3: {  	[sflag:s23] =	ssyncset.done $0x0  }
0xa4: {  	[sflag:s23] =	ssyncadd.s32 $0xFFFFFFFF  }
0xa5: {  	s5 =	sld [smem:$0x0]  }
0xa6: {  	s6 =	sand.u32 $0xFFFFFFFE, s1  }
0xa7: {  	p0 =	sne.s32 s1, s6  }
0xa8: {  	s6 =	sshll.u32 @p0 s6, $0xE  }
0xa9: {  	s6 =	sadd.s32 @p0 $0x11B8D, s6;
	s7 =	sshll.u32 @p0 s5, $0x11  }
0xaa: {  	s6 =	sor.u32 @p0 s7, s6  }
0xab: {  	[sflag:s6] =	ssyncadd.remote.s32 @p0 $0x1;
	_ =	sdelay $0x1  }
0xac: {  	s6 =	simm.s32 @p0 $0x1B8D  }
0xad: {  	_ =	swait.eq @p0 [sflag:s6], $0x1  }
0xae: {  	[sflag:s6] =	ssyncadd.s32 @p0 $0xFFFFFFFF  }
0xaf: {  	s7 =	sshll.u32 @!p0 s1, $0xE  }
0xb0: {  	s7 =	sor.u32 @!p0 $0x4000, s7;
	s6 =	simm.s32 @!p0 $0x1B8D  }
0xb1: {  	s5 =	sshll.u32 @!p0 s5, $0x11;
	s7 =	sadd.s32 @!p0 $0x11B8D, s7;
	_ =	swait.eq @!p0 [sflag:s6], $0x1  }
0xb2: {  	s5 =	sor.u32 @!p0 s5, s7;
	[sflag:s6] =	ssyncadd.s32 @!p0 $0xFFFFFFFF  }
0xb3: {  	s25 =	simm.s32 $0x1B8E;
	s24 =	sld [smem:$0x3FFE];
	[sflag:s5] =	ssyncadd.remote.s32 @!p0 $0x1  }
0xb4: {  	s26 =	simm.s32 $execute0_lowered;
	[smem:$0x3FD2] =	sst s25  }
0xb5: {  	s6 =	sshll.u32 s26, $0x1;
	_ =	strace $0x80000049;
	[dreg:$0x1] =	wrdreg $0xFFFFFFFF  }
0xb6: {  	s28 =	simm.s32 $_size_execute0_lowered;
	s4 =	sadd.s32 s4, s6;
	[dreg:$0x0] =	wrdreg $0x0  }
0xb7: {  	s6 =	sshll.u32 s28, $0x1;
	[dreg:$0x2] =	wrdreg s4  }
0xb8: {  	[dreg:$0x3] =	wrdreg s6  }
0xb9: {  	[dreg:$0x4] =	wrdreg $0xC0  }
0xba: {  	_ =	task [dreg:s22], $0x5FFFF  }
0xbb: {  	[dreg:$0x1] =	wrdreg $0xFFFFFFFF  }
0xbc: {  	[dreg:$0x0] =	wrdreg $0x60  }
0xbd: {  	[dreg:$0x2] =	wrdreg s18  }
0xbe: {  	[dreg:$0x3] =	wrdreg s24  }
0xbf: {  	[dreg:$0x4] =	wrdreg $0x42000  }
0xc0: {  	[dreg:$0x5] =	wrdreg $0xA  }
0xc1: {  	_ =	task.clear_ibuf [dreg:s22], $0x6FFFF;
	_ =	strace $0x90000049  }
0xc2: {  	s29 =	simm.s32 $0xA;
	_ =	strace $0x8000004B  }
0xc3: {  	_ =	swait.ge [sflag:s29], $0x1  }
0xc4: {  	[sflag:s29] =	ssyncadd.s32 $0xFFFFFFFF  }
0xc5: {  	_ =	strace $0x9000004B  }
0xc6: {  	_ =	sfence  }
0xc7: {  	s30 =	sld [smem:$0x0];
	_ =	sdelay $0x2  }
0xc8: {  	s31 =	sshll.u32 s1, $0xD;
	s1 =	sshrl.u32 s1, $0x2  }
0xc9: {  	s4 =	sand.u32 $0x4000, s31;
	s1 =	sadd.s32 s1, s30  }
0xca: {  	s0 =	sor.u32 s4, s0;
	s1 =	sshll.u32 s1, $0x11  }
0xcb: {  	s0 =	sor.u32 s1, s0  }
0xcc: {  	s0 =	sadd.s32 $0x8F2B, s0  }
0xcd: {  	[sflag:s0] =	ssyncadd.remote.s32 $0x1  }
0xce: {  	_ =	sfence.sel $0xFFFF  }
0xcf: {  	[dreg:$0x0] =	wrdreg $0xFFFFFFFF;
	(pc) =	sbr.abs _section_cstart, $3  }
0xd0: {  	[dreg:$0x1] =	wrdreg $0xFFFFFFFF  }
0xd1: {  	_ =	task.clear_ibuf [dreg:s22], $0x2FFFF;
	_ =	strace $0x9FFFFFFF  }
0xd2: {  	(tm) =	ssettm $0x7FFFFFFF  }
0xd3: {  	_ =	shalt  }
tec
execute0_lowered:
.L_overlay_start_1:
0x0: {  	(tag) =	ssettag $0x1  }
0x1: {  	s7 =	rddreg [dreg:$0x0]  }
0x2: {  	s4 =	rddreg [dreg:$0x1]  }
0x3: {  	s1 =	rddreg [dreg:$0x2]  }
0x4: {  	s0 =	rddreg [dreg:$0x3];
	s2 =	simm.s32 $0x0  }
0x5: {  	s3 =	srdreg.scid;
	s12 =	simm.s32 $0x100;
	s13 =	simm.s32 $0x180  }
0x6: {  	s14 =	simm.s32 $0x1;
	s15 =	simm.s32 $0x0;
	[smem:$0x7FF] =	sst s2  }
0x7: {  	s6 =	sand.u32 $0x1, s3;
	s9 =	sadd.s32 $0x15000, s4;
	s3 =	stileid.u32  }
0x8: {  	_ =	strace $0x8000004A;
	s5 =	smul.u32 $0x28000, s6;
	s8 =	ssub.s32 $0x2, s6  }
0x9: {  	p0 =	seq.s32 s3, $0x0;
	s29 =	smul.u32 $0x2800, s3;
	s10 =	sshrl.u32 s8, $0x1  }
0xa: {  	s30 =	sshll.u32 s3, $0x6;
	s11 =	sadd.s32 s5, s4;
	s8 =	ssub.s32 s8, s10  }
0xb: {  	s4 =	smul.u32 $0x280, s3;
	s5 =	simm.s32 $0x28;
	s10 =	simm.s32 $0x2  }
0xc: {  	s5 =	simm.s32 @!p0 $0x27;
	p0 =	seq.s32 s6, $0x1;
	s6 =	smax.u32 s8, $0x1  }
0xd: {  	v0 =	vimm.f32 $0.0e+00;
	s31 =	sadd.s32 s29, s11;
	s11 =	simm.s32 $0x80;
	s7 =	smov.u32 @p0 s9  }
0xe: {  	v1 =	vlaneseq.u32;
	vm0 =	vmmov $0xffff;
	v2 =	vimm.f32 $1.000000000e+00;
	s8 =	sadd.s32 $0x6EE00, s31;
	s9 =	simm.s32 $0x200;
	s7 =	sadd.s32 s30, s7  }
.LBB2_1:
0xf: {  	s16 =	simm.s32 $0x0;
	s17 =	simm.s32 $0x200  }
.LBB2_2:
0x10: {  	p0 =	sne.s32 s17, $0x1E00;
	[tilespmem:s16+$0x270] =	vst v0  }
0x11: {  	[tilespmem:s16+$0x200] =	vst v0  }
0x12: {  	[tilespmem:s16+$0x210] =	vst v0  }
.Ltmp0:
0x13: {  	[tilespmem:s16+$0x220] =	vst v0;
	(pc) =	sbr.rel @p0 .LBB2_2-.Ltmp0, $4  }
0x14: {  	[tilespmem:s16+$0x230] =	vst v0  }
0x15: {  	[tilespmem:s16+$0x240] =	vst v0  }
0x16: {  	[tilespmem:s16+$0x250] =	vst v0  }
0x17: {  	[tilespmem:s16+$0x260] =	vst v0;
	s16 =	sshra.s32 s17, $0x2;
	s17 =	sadd.s32 $0x200, s17  }
0x18: {  	[tilespmem:s16+$0x270] =	vst v0  }
0x19: {  	[tilespmem:s16+$0x200] =	vst v0  }
0x1a: {  	[tilespmem:s16+$0x210] =	vst v0;
	s17 =	sadd.s32 $0x0, s4  }
0x1b: {  	[tilespmem:s16+$0x220] =	vst v0;
	v3 =	vor.u32 s17, v1  }
0x1c: {  	[tilespmem:s16+$0x230] =	vst v0  }
0x1d: {  	[tilespmem:s16+$0x240] =	vst v0  }
0x1e: {  	[tilespmem:s16+$0x250] =	vst v0  }
0x1f: {  	[tilespmem:s16+$0x260] =	vst v0;
	s31 =	sadd.s32 $0x10, s4  }
0x20: {  	[spmem:s1] =	stream.indirect_vreg.scatter [tilespmem:s9], [sflag:$0x2], $0x80, v3, vm0, $0xb8;
	v3 =	vor.u32 s31, v1;
	[tilespmem:$0x18200] =	vst v63  }
0x21: {  	_ = 	snop  }
0x22: {  	_ =	swait.ge [sflag:s10], $0x800  }
0x23: {  	s16 =	simm.s32 $0x20;
	[sflag:s10] =	ssyncset.done $0x0  }
.LBB2_4:
0x24: {  	s17 =	sadd.s32 s16, s4;
	[sflag:s10] =	ssyncadd.s32 $0xFFFFF800;
	p0 =	sne.s32 s16, $0x270  }
0x25: {  	[spmem:s1] =	stream.indirect_vreg.scatter [tilespmem:s9], [sflag:$0x2], $0x80, v3, vm0, $0xb8;
	[tilespmem:$0x18200] =	vst v63  }
.Ltmp1:
0x26: {  	_ = 	snop;
	(pc) =	sbr.rel @p0 .LBB2_4-.Ltmp1, $3  }
0x27: {  	v3 =	vor.u32 s17, v1;
	_ =	sdelay $0x1  }
0x28: {  	s16 =	sadd.s32 $0x10, s16;
	_ =	swait.ge [sflag:s10], $0x800  }
0x29: {  	[sflag:s10] =	ssyncset.done $0x0  }
0x2a: {  	_ =	sdelay $0x2  }
0x2b: {  	[sflag:s10] =	ssyncadd.s32 $0xFFFFF800  }
0x2c: {  	[spmem:s1] =	stream.indirect_vreg.scatter [tilespmem:s9], [sflag:$0x2], $0x80, v3, vm0, $0xb8;
	[tilespmem:$0x18200] =	vst v63  }
0x2d: {  	_ =	swait.ge [sflag:s10], $0x800  }
0x2e: {  	[sflag:s10] =	ssyncset.done $0x0  }
0x2f: {  	s16 =	simm.s32 $0x0;
	s17 =	simm.s32 $0x200;
	[sflag:s10] =	ssyncadd.s32 $0xFFFFF800  }
.LBB2_6:
0x30: {  	p0 =	sne.s32 s17, $0xFE00;
	[tilespmem:s16+$0x270] =	vst v2  }
0x31: {  	[tilespmem:s16+$0x200] =	vst v2  }
0x32: {  	[tilespmem:s16+$0x210] =	vst v2  }
.Ltmp2:
0x33: {  	[tilespmem:s16+$0x220] =	vst v2;
	(pc) =	sbr.rel @p0 .LBB2_6-.Ltmp2, $4  }
0x34: {  	[tilespmem:s16+$0x230] =	vst v2  }
0x35: {  	[tilespmem:s16+$0x240] =	vst v2  }
0x36: {  	[tilespmem:s16+$0x250] =	vst v2  }
0x37: {  	[tilespmem:s16+$0x260] =	vst v2;
	s16 =	sshra.s32 s17, $0x2;
	s17 =	sadd.s32 $0x200, s17  }
0x38: {  	[tilespmem:s16+$0x270] =	vst v2  }
0x39: {  	[tilespmem:s16+$0x200] =	vst v2  }
0x3a: {  	[tilespmem:s16+$0x210] =	vst v2  }
0x3b: {  	[tilespmem:s16+$0x220] =	vst v2  }
0x3c: {  	[tilespmem:s16+$0x230] =	vst v2  }
0x3d: {  	[tilespmem:s16+$0x240] =	vst v2  }
0x3e: {  	[tilespmem:s16+$0x250] =	vst v2  }
0x3f: {  	[tilespmem:s16+$0x260] =	vst v2  }
0x40: {  	[bflag:$0x0] =	sbarrier.arrive $0xFFFF  }
0x41: {  	[tilespmem:s2], [sflag:$0x2] =	stream.linear.gather [hbm4b:s7+s2], $0x200, $0x38;
	[tilespmem:$0x18200] =	vst v63  }
0x42: {  	_ =	swait.ge [sflag:s10], $0x200  }
0x43: {  	[sflag:s10] =	ssyncset.done $0x0  }
0x44: {  	[sflag:s10] =	ssyncadd.s32 $0xFFFFFE00  }
0x45: {  	[spmem:s1] =	stream.indirect.scatter.add.f32 [tilespmem:s9], [sflag:$0x2], $0x80, s2, s11, $0xb8;
	[tilespmem:$0x18200] =	vst v63  }
0x46: {  	_ =	swait.ge [sflag:s10], $0x4000  }
0x47: {  	[sflag:s10] =	ssyncset.done $0x0  }
0x48: {  	[sflag:s10] =	ssyncadd.s32 $0xFFFFC000  }
0x49: {  	[spmem:s1] =	stream.indirect.scatter.add.f32 [tilespmem:s9], [sflag:$0x2], $0x80, s11, s11, $0xb8;
	[tilespmem:$0x18200] =	vst v63  }
0x4a: {  	_ =	swait.ge [sflag:s10], $0x4000  }
0x4b: {  	[sflag:s10] =	ssyncset.done $0x0  }
0x4c: {  	[sflag:s10] =	ssyncadd.s32 $0xFFFFC000  }
0x4d: {  	[spmem:s1] =	stream.indirect.scatter.add.f32 [tilespmem:s9], [sflag:$0x2], $0x80, s12, s11, $0xb8;
	[tilespmem:$0x18200] =	vst v63  }
0x4e: {  	p0 =	sne.s32 s5, $0x1;
	_ =	swait.ge [sflag:s10], $0x4000  }
.Ltmp3:
0x4f: {  	[sflag:s10] =	ssyncset.done $0x0;
	(pc) =	sbr.rel @!p0 .LBB2_9-.Ltmp3, $4  }
0x50: {  	[sflag:s10] =	ssyncadd.s32 $0xFFFFC000  }
0x51: {  	[spmem:s1] =	stream.indirect.scatter.add.f32 [tilespmem:s9], [sflag:$0x2], $0x80, s13, s11, $0xb8;
	[tilespmem:$0x18200] =	vst v63  }
0x52: {  	_ =	swait.ge [sflag:s10], $0x4000  }
0x53: {  	s16 =	sadd.s32 $0xFFFFFFFF, s5;
	s17 =	smov.u32 s7;
	[sflag:s10] =	ssyncset.done $0x0  }
.LBB2_8:
0x54: {  	p0 =	sne.s32 s16, $0x1;
	[sflag:s10] =	ssyncadd.s32 $0xFFFFC000;
	s17 =	sadd.s32 $0x400, s17  }
0x55: {  	[tilespmem:s2], [sflag:$0x2] =	stream.linear.gather [hbm4b:s17+s2], $0x200, $0x38;
	[tilespmem:$0x18200] =	vst v63  }
0x56: {  	s16 =	sadd.s32 $0xFFFFFFFF, s16;
	_ =	swait.ge [sflag:s10], $0x200  }
0x57: {  	[sflag:s10] =	ssyncset.done $0x0  }
0x58: {  	[sflag:s10] =	ssyncadd.s32 $0xFFFFFE00  }
0x59: {  	[spmem:s1] =	stream.indirect.scatter.add.f32 [tilespmem:s9], [sflag:$0x2], $0x80, s2, s11, $0xb8;
	[tilespmem:$0x18200] =	vst v63  }
0x5a: {  	_ =	swait.ge [sflag:s10], $0x4000  }
0x5b: {  	[sflag:s10] =	ssyncset.done $0x0  }
0x5c: {  	[sflag:s10] =	ssyncadd.s32 $0xFFFFC000  }
0x5d: {  	[spmem:s1] =	stream.indirect.scatter.add.f32 [tilespmem:s9], [sflag:$0x2], $0x80, s11, s11, $0xb8;
	[tilespmem:$0x18200] =	vst v63  }
0x5e: {  	_ =	swait.ge [sflag:s10], $0x4000  }
0x5f: {  	[sflag:s10] =	ssyncset.done $0x0  }
0x60: {  	[sflag:s10] =	ssyncadd.s32 $0xFFFFC000  }
0x61: {  	[spmem:s1] =	stream.indirect.scatter.add.f32 [tilespmem:s9], [sflag:$0x2], $0x80, s12, s11, $0xb8;
	[tilespmem:$0x18200] =	vst v63  }
0x62: {  	_ =	swait.ge [sflag:s10], $0x4000  }
.Ltmp4:
0x63: {  	[sflag:s10] =	ssyncset.done $0x0;
	(pc) =	sbr.rel @p0 .LBB2_8-.Ltmp4, $4  }
0x64: {  	[sflag:s10] =	ssyncadd.s32 $0xFFFFC000  }
0x65: {  	[spmem:s1] =	stream.indirect.scatter.add.f32 [tilespmem:s9], [sflag:$0x2], $0x80, s13, s11, $0xb8;
	[tilespmem:$0x18200] =	vst v63  }
0x66: {  	_ =	swait.ge [sflag:s10], $0x4000  }
0x67: {  	[sflag:s10] =	ssyncset.done $0x0  }
.LBB2_9:
0x68: {  	s16 =	sadd.s32 $0x0, s4  }
0x69: {  	v3 =	vor.u32 s16, v1;
	_ =	sdelay $0x2  }
0x6a: {  	[sflag:s10] =	ssyncadd.s32 $0xFFFFC000  }
0x6b: {  	[bflag:$0x0] =	sbarrier.arrive $0xFFFF  }
0x6c: {  	[tilespmem:s9], [sflag:$0x1] =	stream.indirect_vreg.gather [spmem:s1], $0x80, v3, vm0, $0xb8;
	[tilespmem:$0x18200] =	vst v63  }
0x6d: {  	_ =	swait.ge [sflag:s14], $0x800  }
0x6e: {  	[sflag:s14] =	ssyncset.done $0x0  }
0x6f: {  	s31 =	sadd.s32 $0x10, s4;
	[sflag:s14] =	ssyncadd.s32 $0xFFFFF800  }
0x70: {  	v3 =	vor.u32 s31, v1;
	[hbm4b:s8+s2] =	stream.linear.scatter [tilespmem:s9], [sflag:$0x2], $0x800, $0x38;
	[tilespmem:$0x18200] =	vst v63  }
0x71: {  	_ =	swait.ge [sflag:s10], $0x800  }
0x72: {  	s17 =	simm.s32 $0x20;
	s16 =	smov.u32 s8;
	[sflag:s10] =	ssyncset.done $0x0  }
.LBB2_10:
0x73: {  	[sflag:s10] =	ssyncadd.s32 $0xFFFFF800  }
0x74: {  	s16 =	sadd.s32 $0x100, s16;
	s18 =	smov.u32 s17;
	s19 =	sadd.s32 $0x10, s17  }
0x75: {  	[tilespmem:s9], [sflag:$0x1] =	stream.indirect_vreg.gather [spmem:s1], $0x80, v3, vm0, $0xb8;
	[tilespmem:$0x18200] =	vst v63  }
0x76: {  	p0 =	sne.s32 s17, $0x270;
	_ =	swait.ge [sflag:s14], $0x800  }
.Ltmp5:
0x77: {  	s17 =	sadd.s32 s18, s4;
	[sflag:s14] =	ssyncset.done $0x0;
	(pc) =	sbr.rel @p0 .LBB2_10-.Ltmp5, $4  }
0x78: {  	v3 =	vor.u32 s17, v1;
	[sflag:s14] =	ssyncadd.s32 $0xFFFFF800  }
0x79: {  	[hbm4b:s16+s2] =	stream.linear.scatter [tilespmem:s9], [sflag:$0x2], $0x800, $0x38;
	[tilespmem:$0x18200] =	vst v63  }
0x7a: {  	_ =	swait.ge [sflag:s10], $0x800  }
0x7b: {  	s17 =	smov.u32 s19;
	[sflag:s10] =	ssyncset.done $0x0  }
0x7c: {  	_ =	sdelay $0x2  }
0x7d: {  	[sflag:s10] =	ssyncadd.s32 $0xFFFFF800  }
0x7e: {  	[tilespmem:s9], [sflag:$0x1] =	stream.indirect_vreg.gather [spmem:s1], $0x80, v3, vm0, $0xb8;
	[tilespmem:$0x18200] =	vst v63  }
0x7f: {  	s15 =	sadd.s32 $0x1, s15;
	_ =	swait.ge [sflag:s14], $0x800  }
0x80: {  	p0 =	sne.s32 s15, s6;
	[sflag:s14] =	ssyncset.done $0x0  }
.Ltmp6:
0x81: {  	s16 =	sadd.s32 $0x100, s16;
	[sflag:s14] =	ssyncadd.s32 $0xFFFFF800;
	(pc) =	sbr.rel @p0 .LBB2_1-.Ltmp6, $4  }
0x82: {  	[hbm4b:s16+s2] =	stream.linear.scatter [tilespmem:s9], [sflag:$0x2], $0x800, $0x38;
	[tilespmem:$0x18200] =	vst v63  }
0x83: {  	_ =	swait.ge [sflag:s10], $0x800  }
0x84: {  	[sflag:s10] =	ssyncset.done $0x0  }
0x85: {  	[sflag:s10] =	ssyncadd.s32 $0xFFFFF800  }
0x86: {  	_ =	sfence.sel $0x180000  }
0x87: {  	[bflag:$0x0] =	sbarrier.arrive $0xFFFF  }
0x88: {  	p0 =	sne.s32 s3, $0x0;
	_ =	strace $0x9000004A  }
0x89: {  	s0 =	sadd.s32 @!p0 $0x100000, s0;
	[bflag:$0x2] =	sbarrier.arrive $0xFFFF  }
0x8a: {  	[sflag:s0] =	ssyncadd.tile.s32 @!p0 $0x1;
	_ =	shalt  }
.Lfunc_end2:
_tile_overlayer_lowered:
.L_overlay_start_2:
0x8b: {  	(tag) =	ssettag $0x2  }
0x8c: {  	s0 =	rddreg [dreg:$0x0];
	s2 =	stileid.u32  }
0x8d: {  	s1 =	rddreg [dreg:$0x1];
	p0 =	sne.s32 s2, $0x0  }
0x8e: {  	s3 =	rddreg [dreg:$0x2];
	[bflag:$0x3] =	sbarrier.arrive $0xFFFF;
	s2 =	simm.s32 @!p0 $0x1C02  }
0x8f: {  	[timem:s3], [sflag:s2] =	dma.local @!p0 [hbm:s0], s1  }
0x90: {  	s0 =	simm.s32 @!p0 $0x2  }
0x91: {  	_ =	swait.ge @!p0 [sflag:s0], s1  }
0x92: {  	s1 =	ssub.s32 @!p0 $0x0, s1;
	[sflag:s0] =	ssyncset.done @!p0 $0x0  }
0x93: {  	[sflag:s0] =	ssyncadd.s32 @!p0 s1  }
0x94: {  	[bflag:$0x3] =	sbarrier.arrive $0xFFFF  }
0x95: {  	_ =	shalt  }

</sc_bundles>
